<compile_context>
chip_gen: v7x
topology: tpu7x:2x2x1
jax: 0.10.2.dev20260603
libtpu: 0.0.44.dev20260713+nightly
codegen_flags: <defaults>
</compile_context>

<pallas_src>
import functools

import jax
import jax.numpy as jnp
from jax import lax
from jax.experimental import pallas as pl
from jax.experimental.pallas import tpu as pltpu
from jax.experimental.pallas import tpu_sc as plsc

_N_EMAIL = 100000
_N_URL = 50000
_N_SENDER = 10000
_E = 300000

_CHUNK = 800
_NCHUNK = 24
_PER_SUB = _CHUNK * _NCHUNK
_E_PAD = _PER_SUB * 16
_AGG_ROWS = 50048
_STRIPE = _AGG_ROWS // 16
_TRASH = 50040


def _msg_table_body(x_ref, w_ref, b_ref, wr_ref, lo_ref, hi_ref):
    h = jnp.dot(x_ref[...], w_ref[...], preferred_element_type=jnp.float32)
    h = h + b_ref[...]
    m = jnp.dot(h, wr_ref[...], preferred_element_type=jnp.float32)
    m = m.astype(jnp.bfloat16)
    lo_ref[...] = m[:, :32]
    hi_ref[...] = m[:, 32:]


def _msg_table(x, w, b, wr, rows_per_block):
    n, k = x.shape
    grid = n // rows_per_block
    return pl.pallas_call(
        _msg_table_body,
        grid=(grid,),
        in_specs=[
            pl.BlockSpec((rows_per_block, k), lambda i: (i, 0)),
            pl.BlockSpec((k, 64), lambda i: (0, 0)),
            pl.BlockSpec((1, 64), lambda i: (0, 0)),
            pl.BlockSpec((64, 64), lambda i: (0, 0)),
        ],
        out_specs=[
            pl.BlockSpec((rows_per_block, 32), lambda i: (i, 0)),
            pl.BlockSpec((rows_per_block, 32), lambda i: (i, 0)),
        ],
        out_shape=[
            jax.ShapeDtypeStruct((n, 32), jnp.bfloat16),
            jax.ShapeDtypeStruct((n, 32), jnp.bfloat16),
        ],
    )(x, w, b.reshape(1, 64), wr)


def _sc_scatter_body(murl_lo, murl_hi, msnd_lo, msnd_hi,
                     src_rc, dst_rc, src_s, dst_s,
                     agg_lo, agg_hi,
                     is0, id0, is1, id1, rows0, rows1, agg_sp,
                     semg0, semg1, sems0, sems1):
    c = lax.axis_index("c")
    s = lax.axis_index("s")

    def _zrow(i, carry):
        rows0[i, pl.ds(0, 32)] = jnp.zeros((32,), jnp.bfloat16)
        return carry
    lax.fori_loop(0, _CHUNK, _zrow, 0)
    base = s * _STRIPE
    for j in range(_STRIPE // _CHUNK):
        pltpu.sync_copy(rows0, agg_sp.at[pl.ds(base + j * _CHUNK, _CHUNK)])
    rem = _STRIPE % _CHUNK
    if rem:
        pltpu.sync_copy(rows0.at[pl.ds(0, rem)],
                        agg_sp.at[pl.ds(base + (_STRIPE // _CHUNK) * _CHUNK, rem)])
    plsc.subcore_barrier()

    def _relation(table, src, dst):
        ebase = s * _PER_SUB

        def _load_idx(k, is_, id_):
            off = ebase + k * _CHUNK
            pltpu.sync_copy(src.at[pl.ds(off, _CHUNK)], is_)
            pltpu.sync_copy(dst.at[pl.ds(off, _CHUNK)], id_)

        def _gather(is_, rows_, sem):
            pltpu.async_copy(table.at[is_], rows_, sem)

        def _gather_wait(is_, rows_, sem):
            pltpu.make_async_copy(table.at[is_], rows_, sem).wait()

        def _scat(rows_, id_, sem):
            pltpu.async_copy(rows_, agg_sp.at[id_], sem, add=True)

        def _scat_wait(rows_, id_, sem):
            pltpu.make_async_copy(rows_, agg_sp.at[id_], sem).wait()

        _load_idx(0, is0, id0)
        _gather(is0, rows0, semg0)

        def _pair(k2, carry):
            k = 2 * k2

            @pl.when(k2 > 0)
            def _():
                _scat_wait(rows1, id1, sems1)
            _load_idx(k + 1, is1, id1)
            _gather(is1, rows1, semg1)
            _gather_wait(is0, rows0, semg0)
            _scat(rows0, id0, sems0)
            _scat_wait(rows0, id0, sems0)
            _load_idx(k + 2, is0, id0)
            _gather(is0, rows0, semg0)
            _gather_wait(is1, rows1, semg1)
            _scat(rows1, id1, sems1)
            return carry

        lax.fori_loop(0, _NCHUNK // 2 - 1, _pair, 0)

        _scat_wait(rows1, id1, sems1)
        _load_idx(_NCHUNK - 1, is1, id1)
        _gather(is1, rows1, semg1)
        _gather_wait(is0, rows0, semg0)
        _scat(rows0, id0, sems0)
        _gather_wait(is1, rows1, semg1)
        _scat(rows1, id1, sems1)
        _scat_wait(rows0, id0, sems0)
        _scat_wait(rows1, id1, sems1)

    @pl.when(c == 0)
    def _():
        _relation(murl_lo, src_rc, dst_rc)
        _relation(msnd_lo, src_s, dst_s)

    @pl.when(c == 1)
    def _():
        _relation(murl_hi, src_rc, dst_rc)
        _relation(msnd_hi, src_s, dst_s)

    plsc.subcore_barrier()

    _last = min(_N_URL, _AGG_ROWS) - 15 * _STRIPE

    def _writeout(out):
        @pl.when(s < 15)
        def _():
            pltpu.sync_copy(agg_sp.at[pl.ds(s * _STRIPE, _STRIPE)],
                            out.at[pl.ds(s * _STRIPE, _STRIPE)])

        @pl.when(s == 15)
        def _():
            pltpu.sync_copy(agg_sp.at[pl.ds(15 * _STRIPE, _last)],
                            out.at[pl.ds(15 * _STRIPE, _last)])

    @pl.when(c == 0)
    def _():
        _writeout(agg_lo)

    @pl.when(c == 1)
    def _():
        _writeout(agg_hi)


def _sc_scatter(murl_lo, murl_hi, msnd_lo, msnd_hi, src_rc, dst_rc, src_s, dst_s):
    mesh = plsc.VectorSubcoreMesh(core_axis_name="c", subcore_axis_name="s")
    f = pl.kernel(
        _sc_scatter_body,
        out_type=[
            jax.ShapeDtypeStruct((_N_URL, 32), jnp.bfloat16),
            jax.ShapeDtypeStruct((_N_URL, 32), jnp.bfloat16),
        ],
        mesh=mesh,
        compiler_params=pltpu.CompilerParams(use_tc_tiling_on_sc=False),
        scratch_types=[
            pltpu.VMEM((_CHUNK,), jnp.int32),
            pltpu.VMEM((_CHUNK,), jnp.int32),
            pltpu.VMEM((_CHUNK,), jnp.int32),
            pltpu.VMEM((_CHUNK,), jnp.int32),
            pltpu.VMEM((_CHUNK, 32), jnp.bfloat16),
            pltpu.VMEM((_CHUNK, 32), jnp.bfloat16),
            pltpu.VMEM_SHARED((_AGG_ROWS, 32), jnp.bfloat16),
            pltpu.SemaphoreType.DMA,
            pltpu.SemaphoreType.DMA,
            pltpu.SemaphoreType.DMA,
            pltpu.SemaphoreType.DMA,
        ],
    )
    return f(murl_lo, murl_hi, msnd_lo, msnd_hi, src_rc, dst_rc, src_s, dst_s)


def _dense_ulo_body(x_ref, we_ref, wrs_ref, wrc_ref, be_ref, brs_ref, brc_ref,
                    wcls_ref, bcls_ref, u_ref):
    h = jnp.dot(x_ref[...], we_ref[...], preferred_element_type=jnp.float32)
    h = h + be_ref[...]
    wroot = wrs_ref[...] + wrc_ref[...]
    u = jnp.dot(h, wroot, preferred_element_type=jnp.float32)
    u_ref[...] = u + brs_ref[...] + brc_ref[...]


def _final_lo_body(u_ref, wcls_ref, bcls_ref, alo_ref, ahi_ref, out_ref):
    agg = jnp.concatenate([alo_ref[...], ahi_ref[...]], axis=1)
    u = u_ref[...] + agg.astype(jnp.float32)
    v = jnp.maximum(u, 0.0)
    out_ref[...] = (
        jnp.dot(v, wcls_ref[...], preferred_element_type=jnp.float32)
        + bcls_ref[...]
    )


def _dense_hi_body(x_ref, we_ref, wrs_ref, wrc_ref, be_ref, brs_ref, brc_ref,
                   wcls_ref, bcls_ref, out_ref):
    h = jnp.dot(x_ref[...], we_ref[...], preferred_element_type=jnp.float32)
    h = h + be_ref[...]
    wroot = wrs_ref[...] + wrc_ref[...]
    u = jnp.dot(h, wroot, preferred_element_type=jnp.float32)
    u = u + brs_ref[...] + brc_ref[...]
    v = jnp.maximum(u, 0.0)
    out_ref[...] = (
        jnp.dot(v, wcls_ref[...], preferred_element_type=jnp.float32)
        + bcls_ref[...]
    )


_BLK = 2000


def _weight_specs():
    return [
        pl.BlockSpec((768, 64), lambda i: (0, 0)),
        pl.BlockSpec((64, 64), lambda i: (0, 0)),
        pl.BlockSpec((64, 64), lambda i: (0, 0)),
        pl.BlockSpec((1, 64), lambda i: (0, 0)),
        pl.BlockSpec((1, 64), lambda i: (0, 0)),
        pl.BlockSpec((1, 64), lambda i: (0, 0)),
        pl.BlockSpec((64, 2), lambda i: (0, 0)),
        pl.BlockSpec((1, 2), lambda i: (0, 0)),
    ]


def _dense_ulo(x_email, weights):
    grid = _N_URL // _BLK
    return pl.pallas_call(
        _dense_ulo_body,
        grid=(grid,),
        in_specs=[pl.BlockSpec((_BLK, 768), lambda i: (i, 0))]
        + _weight_specs(),
        out_specs=pl.BlockSpec((_BLK, 64), lambda i: (i, 0)),
        out_shape=jax.ShapeDtypeStruct((_N_URL, 64), jnp.float32),
    )(x_email, *weights)


def _final_lo(u_lo, w_cls, b_cls, agg_lo, agg_hi):
    grid = _N_URL // _BLK
    return pl.pallas_call(
        _final_lo_body,
        grid=(grid,),
        in_specs=[
            pl.BlockSpec((_BLK, 64), lambda i: (i, 0)),
            pl.BlockSpec((64, 2), lambda i: (0, 0)),
            pl.BlockSpec((1, 2), lambda i: (0, 0)),
            pl.BlockSpec((_BLK, 32), lambda i: (i, 0)),
            pl.BlockSpec((_BLK, 32), lambda i: (i, 0)),
        ],
        out_specs=pl.BlockSpec((_BLK, 2), lambda i: (i, 0)),
        out_shape=jax.ShapeDtypeStruct((_N_URL, 2), jnp.float32),
    )(u_lo, w_cls, b_cls, agg_lo, agg_hi)


def _dense_hi(x_email, weights):
    off = _N_URL // _BLK
    grid = (_N_EMAIL - _N_URL) // _BLK
    return pl.pallas_call(
        _dense_hi_body,
        grid=(grid,),
        in_specs=[pl.BlockSpec((_BLK, 768), lambda i: (i + off, 0))]
        + _weight_specs(),
        out_specs=pl.BlockSpec((_BLK, 2), lambda i: (i, 0)),
        out_shape=jax.ShapeDtypeStruct((_N_EMAIL - _N_URL, 2), jnp.float32),
    )(x_email, *weights)


def kernel(x_email, x_url, x_sender, edge_index_sends, edge_index_contains,
           edge_index_rev_contains, edge_index_rev_sends,
           W_email, b_email, W_url, b_url, W_sender, b_sender,
           Wr_sends, br_sends, Wroot_sends,
           Wr_contains, br_contains, Wroot_contains,
           Wr_rev_contains, br_rev_contains, Wroot_rev_contains,
           Wr_rev_sends, br_rev_sends, Wroot_rev_sends,
           W_cls, b_cls):
    murl_lo, murl_hi = _msg_table(x_url, W_url, b_url, Wr_rev_contains, 5000)
    msnd_lo, msnd_hi = _msg_table(x_sender, W_sender, b_sender, Wr_sends, 5000)

    pad = _E_PAD - _E
    zpad = jnp.zeros((pad,), jnp.int32)
    tpad = jnp.full((pad,), _TRASH, jnp.int32)
    ei_rc = edge_index_rev_contains.astype(jnp.int32)
    ei_s = edge_index_sends.astype(jnp.int32)
    src_rc = jnp.concatenate([ei_rc[0], zpad])
    dst_rc = jnp.concatenate([ei_rc[1], tpad])
    src_s = jnp.concatenate([ei_s[0], zpad])
    dst_s = jnp.concatenate([ei_s[1], tpad])

    agg_lo, agg_hi = _sc_scatter(murl_lo, murl_hi, msnd_lo, msnd_hi,
                                 src_rc, dst_rc, src_s, dst_s)

    weights = (W_email, Wroot_sends, Wroot_rev_contains,
               b_email.reshape(1, 64), br_sends.reshape(1, 64),
               br_rev_contains.reshape(1, 64), W_cls, b_cls.reshape(1, 2))
    out_hi = _dense_hi(x_email, weights)
    u_lo = _dense_ulo(x_email, weights)
    out_lo = _final_lo(u_lo, W_cls, b_cls.reshape(1, 2), agg_lo, agg_hi)
    return jnp.concatenate([out_lo, out_hi], axis=0)

# --- scband reference (transcript-rebuilt; emitter-appended) ---
"""Pipeline reference for scband-hgnnmlp-57492432224277 (READ-ONLY COPY).

The authoritative reference and input builder live on the scoring server;
editing this copy changes nothing except your own understanding.
"""

import jax, jax.numpy as jnp
import numpy as np

N_EMAIL = 100000
N_URL = 50000
N_SENDER = 10000
E = 300000
H = 64
OUT = 2


def _lin(k, fan_in, fan_out):
    s = 1.0 / np.sqrt(fan_in)
    return jax.random.uniform(k, (fan_in, fan_out), jnp.float32, -s, s)


def setup_inputs(seed: int = 0):
    key = jax.random.key(seed)
    ks = jax.random.split(key, 24)
    inp = {}
    inp["x_email"] = jax.random.normal(ks[0], (N_EMAIL, 768), dtype=jnp.float32)
    inp["x_url"] = jax.random.normal(ks[1], (N_URL, 8), dtype=jnp.float32)
    inp["x_sender"] = jax.random.normal(ks[2], (N_SENDER, 1), dtype=jnp.float32)
    inp["edge_index_sends"] = jax.random.randint(ks[3], (2, E), 0, N_SENDER)
    inp["edge_index_contains"] = jax.random.randint(ks[4], (2, E), 0, N_URL)
    inp["edge_index_rev_contains"] = jax.random.randint(ks[5], (2, E), 0, N_URL)
    inp["edge_index_rev_sends"] = jax.random.randint(ks[6], (2, E), 0, N_SENDER)
    inp["W_email"] = _lin(ks[7], 768, H)
    inp["b_email"] = jnp.zeros((H,), jnp.float32)
    inp["W_url"] = _lin(ks[8], 8, H)
    inp["b_url"] = jnp.zeros((H,), jnp.float32)
    inp["W_sender"] = _lin(ks[9], 1, H)
    inp["b_sender"] = jnp.zeros((H,), jnp.float32)
    names = ["sends", "contains", "rev_contains", "rev_sends"]
    for i, nm in enumerate(names):
        inp["Wr_" + nm] = _lin(ks[10 + 2 * i], H, H)
        inp["br_" + nm] = jnp.zeros((H,), jnp.float32)
        inp["Wroot_" + nm] = _lin(ks[11 + 2 * i], H, H)
    inp["W_cls"] = _lin(ks[18], H, OUT)
    inp["b_cls"] = jnp.zeros((OUT,), jnp.float32)
    return inp


def _graph_conv(h_src, h_dst, ei, Wr, br, Wroot, n_dst):
    # PyG GraphConv: out = lin_rel(sum_{j in N(i)} x_j) + lin_root(x_i)
    msg = jnp.take(h_src, ei[0], axis=0)
    agg = jax.ops.segment_sum(msg, ei[1], num_segments=n_dst)
    return agg @ Wr + br + h_dst @ Wroot


def reference(x_email, x_url, x_sender, edge_index_sends, edge_index_contains,
              edge_index_rev_contains, edge_index_rev_sends,
              W_email, b_email, W_url, b_url, W_sender, b_sender,
              Wr_sends, br_sends, Wroot_sends,
              Wr_contains, br_contains, Wroot_contains,
              Wr_rev_contains, br_rev_contains, Wroot_rev_contains,
              Wr_rev_sends, br_rev_sends, Wroot_rev_sends,
              W_cls, b_cls):
    h_email = x_email @ W_email + b_email
    h_url = x_url @ W_url + b_url
    h_sender = x_sender @ W_sender + b_sender
    # HeteroConv aggr='sum': sum outputs of relations sharing a dst node type
    out_email = _graph_conv(h_sender, h_email, edge_index_sends, Wr_sends, br_sends, Wroot_sends, N_EMAIL)
    out_email = out_email + _graph_conv(h_url, h_email, edge_index_rev_contains, Wr_rev_contains, br_rev_contains, Wroot_rev_contains, N_EMAIL)
    out_url = _graph_conv(h_email, h_url, edge_index_contains, Wr_contains, br_contains, Wroot_contains, N_URL)
    out_sender = _graph_conv(h_email, h_sender, edge_index_rev_sends, Wr_rev_sends, br_rev_sends, Wroot_rev_sends, N_SENDER)
    out_email = jax.nn.relu(out_email)
    out_url = jax.nn.relu(out_url)
    out_sender = jax.nn.relu(out_sender)
    return out_email @ W_cls + b_cls

if __name__ == "__main__":
    import jax
    _d = setup_inputs()
    print(jax.jit(kernel)(*tuple(_d.values())))

</pallas_src>

<mosaic_0001>
#map = affine_map<(d0, d1) -> (0, 0)>
#map1 = affine_map<(d0, d1) -> (0)>
module attributes {stable_mosaic.version = 14 : i64} {
  func.func @_sc_scatter_body(%arg0: i32, %arg1: i32, %arg2: memref<50000x32xbf16, #tpu.memory_space<hbm>>, %arg3: memref<50000x32xbf16, #tpu.memory_space<hbm>>, %arg4: memref<10000x32xbf16, #tpu.memory_space<hbm>>, %arg5: memref<10000x32xbf16, #tpu.memory_space<hbm>>, %arg6: memref<307200xi32, #tpu.memory_space<hbm>>, %arg7: memref<307200xi32, #tpu.memory_space<hbm>>, %arg8: memref<307200xi32, #tpu.memory_space<hbm>>, %arg9: memref<307200xi32, #tpu.memory_space<hbm>>, %arg10: memref<50000x32xbf16, #tpu.memory_space<hbm>>, %arg11: memref<50000x32xbf16, #tpu.memory_space<hbm>>, %arg12: memref<800xi32, #tpu.memory_space<vmem>>, %arg13: memref<800xi32, #tpu.memory_space<vmem>>, %arg14: memref<800xi32, #tpu.memory_space<vmem>>, %arg15: memref<800xi32, #tpu.memory_space<vmem>>, %arg16: memref<800x32xbf16, #tpu.memory_space<vmem>>, %arg17: memref<800x32xbf16, #tpu.memory_space<vmem>>, %arg18: memref<50048x32xbf16, #tpu.memory_space<vmem_shared>>, %arg19: memref<!tpu.dma_semaphore, #tpu.memory_space<semaphore_mem>>, %arg20: memref<!tpu.dma_semaphore, #tpu.memory_space<semaphore_mem>>, %arg21: memref<!tpu.dma_semaphore, #tpu.memory_space<semaphore_mem>>, %arg22: memref<!tpu.dma_semaphore, #tpu.memory_space<semaphore_mem>>) attributes {dimension_semantics = [#tpu.dimension_semantics<core_parallel>, #tpu.dimension_semantics<subcore_parallel>], iteration_bounds = array<i64: 2, 16>, scalar_prefetch = 0 : i64, scratch_operands = 11 : i64, tpu.core_type = #tpu.core_type<sc_vector_subcore>, window_params = [{transform_indices = #map}, {transform_indices = #map}, {transform_indices = #map}, {transform_indices = #map}, {transform_indices = #map1}, {transform_indices = #map1}, {transform_indices = #map1}, {transform_indices = #map1}, {transform_indices = #map}, {transform_indices = #map}]} {
    %scan3A = arith.constant 0 : i32
    %scan3A_0 = arith.constant 0 : i32
    %scan3A_1 = arith.constant 800 : i32
    %scan3A_2 = arith.addi %scan3A_0, %scan3A_1 : i32
    %scan3A_3 = arith.constant 1 : i32
    scf.for %scan3A_31 = %scan3A_0 to %scan3A_2 step %scan3A_3  : i32 {
      %broadcast_in_dim3A = arith.constant 0.000000e+00 : bf16
      %broadcast_in_dim3A_32 = vector.broadcast %broadcast_in_dim3A : bf16 to vector<32xbf16>
      %swap3A = arith.index_cast %scan3A_31 : i32 to index
      %swap3A_33 = arith.constant 0 : index
      %swap3A_34 = tpu.vector_load %arg16[%swap3A, %swap3A_33] {strides = array<i32>} : memref<800x32xbf16, #tpu.memory_space<vmem>>, vector<1x32xbf16>,
      %swap3A_35 = vector.shape_cast %swap3A_34 : vector<1x32xbf16> to vector<32xbf16>
      %swap3A_36 = vector.shape_cast %broadcast_in_dim3A_32 : vector<32xbf16> to vector<1x32xbf16>
      tpu.vector_store %arg16[%swap3A, %swap3A_33], %swap3A_36 {strides = array<i32>} : memref<800x32xbf16, #tpu.memory_space<vmem>>, vector<1x32xbf16>,
    }
    %scan3A_4 = arith.constant 800 : i32
    %mul3A = arith.constant 3128 : i32
    %mul3A_5 = arith.muli %arg1, %mul3A : i32
    %add3A = arith.constant 0 : i32
    %add3A_6 = arith.addi %mul3A_5, %add3A : i32
    "tpu.region"() ({
      %run_scoped3A = tpu.sem_alloc : memref<!tpu.dma_semaphore, #tpu.memory_space<semaphore_mem>>
      %dma_start3A = arith.constant 0 : i32
      %dma_start3A_31 = tpu.memref_slice %arg18[%add3A_6, %dma_start3A] : memref<50048x32xbf16, #tpu.memory_space<vmem_shared>> -> memref<800x32xbf16, #tpu.memory_space<vmem_shared>>
      %dma_start3A_32 = arith.constant 0 : i32
      %dma_start3A_33 = tpu.memref_slice %arg18[%add3A_6, %dma_start3A_32] : memref<50048x32xbf16, #tpu.memory_space<vmem_shared>> -> memref<800x32xbf16, #tpu.memory_space<vmem_shared>>
      tpu.enqueue_dma source(%arg16 : memref<800x32xbf16, #tpu.memory_space<vmem>>) target(%dma_start3A_33 : memref<800x32xbf16, #tpu.memory_space<vmem_shared>>) target_semaphore(%run_scoped3A : memref<!tpu.dma_semaphore, #tpu.memory_space<semaphore_mem>>)
      %dma_wait3A = arith.constant 0 : i32
      %dma_wait3A_34 = tpu.memref_slice %arg18[%add3A_6, %dma_wait3A] : memref<50048x32xbf16, #tpu.memory_space<vmem_shared>> -> memref<800x32xbf16, #tpu.memory_space<vmem_shared>>
      %dma_wait3A_35 = arith.constant 0 : i32
      %dma_wait3A_36 = tpu.memref_slice %arg18[%add3A_6, %dma_wait3A_35] : memref<50048x32xbf16, #tpu.memory_space<vmem_shared>> -> memref<800x32xbf16, #tpu.memory_space<vmem_shared>>
      tpu.wait_dma2 semaphore(%run_scoped3A : memref<!tpu.dma_semaphore, #tpu.memory_space<semaphore_mem>>) src(%arg16 : memref<800x32xbf16, #tpu.memory_space<vmem>>) dst(%dma_wait3A_36 : memref<800x32xbf16, #tpu.memory_space<vmem_shared>>)
      tpu.yield
    }) : () -> ()
    %add3A_7 = arith.constant 800 : i32
    %add3A_8 = arith.addi %mul3A_5, %add3A_7 : i32
    "tpu.region"() ({
      %run_scoped3A = tpu.sem_alloc : memref<!tpu.dma_semaphore, #tpu.memory_space<semaphore_mem>>
      %dma_start3A = arith.constant 0 : i32
      %dma_start3A_31 = tpu.memref_slice %arg18[%add3A_8, %dma_start3A] : memref<50048x32xbf16, #tpu.memory_space<vmem_shared>> -> memref<800x32xbf16, #tpu.memory_space<vmem_shared>>
      %dma_start3A_32 = arith.constant 0 : i32
      %dma_start3A_33 = tpu.memref_slice %arg18[%add3A_8, %dma_start3A_32] : memref<50048x32xbf16, #tpu.memory_space<vmem_shared>> -> memref<800x32xbf16, #tpu.memory_space<vmem_shared>>
      tpu.enqueue_dma source(%arg16 : memref<800x32xbf16, #tpu.memory_space<vmem>>) target(%dma_start3A_33 : memref<800x32xbf16, #tpu.memory_space<vmem_shared>>) target_semaphore(%run_scoped3A : memref<!tpu.dma_semaphore, #tpu.memory_space<semaphore_mem>>)
      %dma_wait3A = arith.constant 0 : i32
      %dma_wait3A_34 = tpu.memref_slice %arg18[%add3A_8, %dma_wait3A] : memref<50048x32xbf16, #tpu.memory_space<vmem_shared>> -> memref<800x32xbf16, #tpu.memory_space<vmem_shared>>
      %dma_wait3A_35 = arith.constant 0 : i32
      %dma_wait3A_36 = tpu.memref_slice %arg18[%add3A_8, %dma_wait3A_35] : memref<50048x32xbf16, #tpu.memory_space<vmem_shared>> -> memref<800x32xbf16, #tpu.memory_space<vmem_shared>>
      tpu.wait_dma2 semaphore(%run_scoped3A : memref<!tpu.dma_semaphore, #tpu.memory_space<semaphore_mem>>) src(%arg16 : memref<800x32xbf16, #tpu.memory_space<vmem>>) dst(%dma_wait3A_36 : memref<800x32xbf16, #tpu.memory_space<vmem_shared>>)
      tpu.yield
    }) : () -> ()
    %add3A_9 = arith.constant 1600 : i32
    %add3A_10 = arith.addi %mul3A_5, %add3A_9 : i32
    "tpu.region"() ({
      %run_scoped3A = tpu.sem_alloc : memref<!tpu.dma_semaphore, #tpu.memory_space<semaphore_mem>>
      %dma_start3A = arith.constant 0 : i32
      %dma_start3A_31 = tpu.memref_slice %arg18[%add3A_10, %dma_start3A] : memref<50048x32xbf16, #tpu.memory_space<vmem_shared>> -> memref<800x32xbf16, #tpu.memory_space<vmem_shared>>
      %dma_start3A_32 = arith.constant 0 : i32
      %dma_start3A_33 = tpu.memref_slice %arg18[%add3A_10, %dma_start3A_32] : memref<50048x32xbf16, #tpu.memory_space<vmem_shared>> -> memref<800x32xbf16, #tpu.memory_space<vmem_shared>>
      tpu.enqueue_dma source(%arg16 : memref<800x32xbf16, #tpu.memory_space<vmem>>) target(%dma_start3A_33 : memref<800x32xbf16, #tpu.memory_space<vmem_shared>>) target_semaphore(%run_scoped3A : memref<!tpu.dma_semaphore, #tpu.memory_space<semaphore_mem>>)
      %dma_wait3A = arith.constant 0 : i32
      %dma_wait3A_34 = tpu.memref_slice %arg18[%add3A_10, %dma_wait3A] : memref<50048x32xbf16, #tpu.memory_space<vmem_shared>> -> memref<800x32xbf16, #tpu.memory_space<vmem_shared>>
      %dma_wait3A_35 = arith.constant 0 : i32
      %dma_wait3A_36 = tpu.memref_slice %arg18[%add3A_10, %dma_wait3A_35] : memref<50048x32xbf16, #tpu.memory_space<vmem_shared>> -> memref<800x32xbf16, #tpu.memory_space<vmem_shared>>
      tpu.wait_dma2 semaphore(%run_scoped3A : memref<!tpu.dma_semaphore, #tpu.memory_space<semaphore_mem>>) src(%arg16 : memref<800x32xbf16, #tpu.memory_space<vmem>>) dst(%dma_wait3A_36 : memref<800x32xbf16, #tpu.memory_space<vmem_shared>>)
      tpu.yield
    }) : () -> ()
    %add3A_11 = arith.constant 2400 : i32
    %add3A_12 = arith.addi %mul3A_5, %add3A_11 : i32
    "tpu.region"() ({
      %run_scoped3A = tpu.sem_alloc : memref<!tpu.dma_semaphore, #tpu.memory_space<semaphore_mem>>
      %dma_start3A = arith.constant 0 : i32
      %dma_start3A_31 = arith.constant 0 : i32
      %dma_start3A_32 = tpu.memref_slice %arg16[%dma_start3A, %dma_start3A_31] : memref<800x32xbf16, #tpu.memory_space<vmem>> -> memref<728x32xbf16, #tpu.memory_space<vmem>>
      %dma_start3A_33 = arith.constant 0 : i32
      %dma_start3A_34 = tpu.memref_slice %arg18[%add3A_12, %dma_start3A_33] : memref<50048x32xbf16, #tpu.memory_space<vmem_shared>> -> memref<728x32xbf16, #tpu.memory_space<vmem_shared>>
      %dma_start3A_35 = arith.constant 0 : i32
      %dma_start3A_36 = tpu.memref_slice %arg18[%add3A_12, %dma_start3A_35] : memref<50048x32xbf16, #tpu.memory_space<vmem_shared>> -> memref<728x32xbf16, #tpu.memory_space<vmem_shared>>
      %dma_start3A_37 = arith.constant 0 : i32
      %dma_start3A_38 = arith.constant 0 : i32
      %dma_start3A_39 = tpu.memref_slice %arg16[%dma_start3A_37, %dma_start3A_38] : memref<800x32xbf16, #tpu.memory_space<vmem>> -> memref<728x32xbf16, #tpu.memory_space<vmem>>
      tpu.enqueue_dma source(%dma_start3A_39 : memref<728x32xbf16, #tpu.memory_space<vmem>>) target(%dma_start3A_36 : memref<728x32xbf16, #tpu.memory_space<vmem_shared>>) target_semaphore(%run_scoped3A : memref<!tpu.dma_semaphore, #tpu.memory_space<semaphore_mem>>)
      %dma_wait3A = arith.constant 0 : i32
      %dma_wait3A_40 = arith.constant 0 : i32
      %dma_wait3A_41 = tpu.memref_slice %arg16[%dma_wait3A, %dma_wait3A_40] : memref<800x32xbf16, #tpu.memory_space<vmem>> -> memref<728x32xbf16, #tpu.memory_space<vmem>>
      %dma_wait3A_42 = arith.constant 0 : i32
      %dma_wait3A_43 = tpu.memref_slice %arg18[%add3A_12, %dma_wait3A_42] : memref<50048x32xbf16, #tpu.memory_space<vmem_shared>> -> memref<728x32xbf16, #tpu.memory_space<vmem_shared>>
      %dma_wait3A_44 = arith.constant 0 : i32
      %dma_wait3A_45 = tpu.memref_slice %arg18[%add3A_12, %dma_wait3A_44] : memref<50048x32xbf16, #tpu.memory_space<vmem_shared>> -> memref<728x32xbf16, #tpu.memory_space<vmem_shared>>
      %dma_wait3A_46 = arith.constant 0 : i32
      %dma_wait3A_47 = arith.constant 0 : i32
      %dma_wait3A_48 = tpu.memref_slice %arg16[%dma_wait3A_46, %dma_wait3A_47] : memref<800x32xbf16, #tpu.memory_space<vmem>> -> memref<728x32xbf16, #tpu.memory_space<vmem>>
      tpu.wait_dma2 semaphore(%run_scoped3A : memref<!tpu.dma_semaphore, #tpu.memory_space<semaphore_mem>>) src(%dma_wait3A_48 : memref<728x32xbf16, #tpu.memory_space<vmem>>) dst(%dma_wait3A_45 : memref<728x32xbf16, #tpu.memory_space<vmem_shared>>)
      tpu.yield
    }) : () -> ()
    %barrier3A = arith.constant 0 : index
    tpu.barrier barrier_id(%barrier3A)
    %eq3A = arith.constant 0 : i32
    %eq3A_13 = arith.cmpi eq, %arg0, %eq3A : i32
    %convert_element_type3A = arith.extui %eq3A_13 : i1 to i32
    %cond3A = arith.constant 0 : i32
    %cond3A_14 = arith.cmpi ne, %convert_element_type3A, %cond3A : i32
    scf.if %cond3A_14 {
      %mul3A_31 = arith.constant 19200 : i32
      %mul3A_32 = arith.muli %arg1, %mul3A_31 : i32
      %add3A_33 = arith.constant 0 : i32
      %add3A_34 = arith.addi %mul3A_32, %add3A_33 : i32
      "tpu.region"() ({
        %run_scoped3A = tpu.sem_alloc : memref<!tpu.dma_semaphore, #tpu.memory_space<semaphore_mem>>
        %dma_start3A_107 = tpu.memref_slice %arg6[%add3A_34] : memref<307200xi32, #tpu.memory_space<hbm>> -> memref<800xi32, #tpu.memory_space<hbm>>
        %dma_start3A_108 = tpu.memref_slice %arg6[%add3A_34] : memref<307200xi32, #tpu.memory_space<hbm>> -> memref<800xi32, #tpu.memory_space<hbm>>
        tpu.enqueue_dma source(%dma_start3A_108 : memref<800xi32, #tpu.memory_space<hbm>>) target(%arg12 : memref<800xi32, #tpu.memory_space<vmem>>) target_semaphore(%run_scoped3A : memref<!tpu.dma_semaphore, #tpu.memory_space<semaphore_mem>>)
        %dma_wait3A_109 = tpu.memref_slice %arg6[%add3A_34] : memref<307200xi32, #tpu.memory_space<hbm>> -> memref<800xi32, #tpu.memory_space<hbm>>
        %dma_wait3A_110 = tpu.memref_slice %arg6[%add3A_34] : memref<307200xi32, #tpu.memory_space<hbm>> -> memref<800xi32, #tpu.memory_space<hbm>>
        tpu.wait_dma2 semaphore(%run_scoped3A : memref<!tpu.dma_semaphore, #tpu.memory_space<semaphore_mem>>) src(%dma_wait3A_110 : memref<800xi32, #tpu.memory_space<hbm>>) dst(%arg12 : memref<800xi32, #tpu.memory_space<vmem>>)
        tpu.yield
      }) : () -> ()
      "tpu.region"() ({
        %run_scoped3A = tpu.sem_alloc : memref<!tpu.dma_semaphore, #tpu.memory_space<semaphore_mem>>
        %dma_start3A_107 = tpu.memref_slice %arg7[%add3A_34] : memref<307200xi32, #tpu.memory_space<hbm>> -> memref<800xi32, #tpu.memory_space<hbm>>
        %dma_start3A_108 = tpu.memref_slice %arg7[%add3A_34] : memref<307200xi32, #tpu.memory_space<hbm>> -> memref<800xi32, #tpu.memory_space<hbm>>
        tpu.enqueue_dma source(%dma_start3A_108 : memref<800xi32, #tpu.memory_space<hbm>>) target(%arg13 : memref<800xi32, #tpu.memory_space<vmem>>) target_semaphore(%run_scoped3A : memref<!tpu.dma_semaphore, #tpu.memory_space<semaphore_mem>>)
        %dma_wait3A_109 = tpu.memref_slice %arg7[%add3A_34] : memref<307200xi32, #tpu.memory_space<hbm>> -> memref<800xi32, #tpu.memory_space<hbm>>
        %dma_wait3A_110 = tpu.memref_slice %arg7[%add3A_34] : memref<307200xi32, #tpu.memory_space<hbm>> -> memref<800xi32, #tpu.memory_space<hbm>>
        tpu.wait_dma2 semaphore(%run_scoped3A : memref<!tpu.dma_semaphore, #tpu.memory_space<semaphore_mem>>) src(%dma_wait3A_110 : memref<800xi32, #tpu.memory_space<hbm>>) dst(%arg13 : memref<800xi32, #tpu.memory_space<vmem>>)
        tpu.yield
      }) : () -> ()
      %dma_start3A = arith.constant 0 : i32
      %dma_start3A_35 = arith.constant 0 : i32
      %dma_start3A_36 = tpu.memref_slice %arg2[%dma_start3A, %dma_start3A_35] : memref<50000x32xbf16, #tpu.memory_space<hbm>> -> memref<50000x32xbf16, #tpu.memory_space<hbm>>
      tpu.enqueue_indirect_dma source(%dma_start3A_36 : memref<50000x32xbf16, #tpu.memory_space<hbm>>) target(%arg16 : memref<800x32xbf16, #tpu.memory_space<vmem>>) offsets(%arg12 : memref<800xi32, #tpu.memory_space<vmem>>) semaphore(%arg19 : memref<!tpu.dma_semaphore, #tpu.memory_space<semaphore_mem>>)
      %scan3A_37 = arith.constant 0 : i32
      %scan3A_38 = arith.constant 0 : i32
      %scan3A_39 = arith.constant 11 : i32
      %scan3A_40 = arith.addi %scan3A_38, %scan3A_39 : i32
      %scan3A_41 = arith.constant 1 : i32
      scf.for %scan3A_107 = %scan3A_38 to %scan3A_40 step %scan3A_41  : i32 {
        %mul3A_108 = arith.constant 2 : i32
        %mul3A_109 = arith.muli %mul3A_108, %scan3A_107 : i32
        %gt3A = arith.constant 0 : i32
        %gt3A_110 = arith.cmpi sgt, %scan3A_107, %gt3A : i32
        %convert_element_type3A_111 = arith.extui %gt3A_110 : i1 to i32
        %cond3A_112 = arith.constant 0 : i32
        %cond3A_113 = arith.cmpi ne, %convert_element_type3A_111, %cond3A_112 : i32
        scf.if %cond3A_113 {
          %dma_wait3A_145 = arith.constant 0 : i32
          %dma_wait3A_146 = arith.constant 0 : i32
          %dma_wait3A_147 = tpu.memref_slice %arg18[%dma_wait3A_145, %dma_wait3A_146] : memref<50048x32xbf16, #tpu.memory_space<vmem_shared>> -> memref<50048x32xbf16, #tpu.memory_space<vmem_shared>>
          tpu.wait_indirect_dma semaphore(%arg22 : memref<!tpu.dma_semaphore, #tpu.memory_space<semaphore_mem>>) src(%arg17 : memref<800x32xbf16, #tpu.memory_space<vmem>>) dst(%dma_wait3A_147 : memref<50048x32xbf16, #tpu.memory_space<vmem_shared>>)
        } else {
        }
        %add3A_114 = arith.constant 1 : i32
        %add3A_115 = arith.addi %mul3A_109, %add3A_114 : i32
        %mul3A_116 = arith.constant 800 : i32
        %mul3A_117 = arith.muli %add3A_115, %mul3A_116 : i32
        %add3A_118 = arith.addi %mul3A_32, %mul3A_117 : i32
        "tpu.region"() ({
          %run_scoped3A = tpu.sem_alloc : memref<!tpu.dma_semaphore, #tpu.memory_space<semaphore_mem>>
          %dma_start3A_145 = tpu.memref_slice %arg6[%add3A_118] : memref<307200xi32, #tpu.memory_space<hbm>> -> memref<800xi32, #tpu.memory_space<hbm>>
          %dma_start3A_146 = tpu.memref_slice %arg6[%add3A_118] : memref<307200xi32, #tpu.memory_space<hbm>> -> memref<800xi32, #tpu.memory_space<hbm>>
          tpu.enqueue_dma source(%dma_start3A_146 : memref<800xi32, #tpu.memory_space<hbm>>) target(%arg14 : memref<800xi32, #tpu.memory_space<vmem>>) target_semaphore(%run_scoped3A : memref<!tpu.dma_semaphore, #tpu.memory_space<semaphore_mem>>)
          %dma_wait3A_147 = tpu.memref_slice %arg6[%add3A_118] : memref<307200xi32, #tpu.memory_space<hbm>> -> memref<800xi32, #tpu.memory_space<hbm>>
          %dma_wait3A_148 = tpu.memref_slice %arg6[%add3A_118] : memref<307200xi32, #tpu.memory_space<hbm>> -> memref<800xi32, #tpu.memory_space<hbm>>
          tpu.wait_dma2 semaphore(%run_scoped3A : memref<!tpu.dma_semaphore, #tpu.memory_space<semaphore_mem>>) src(%dma_wait3A_148 : memref<800xi32, #tpu.memory_space<hbm>>) dst(%arg14 : memref<800xi32, #tpu.memory_space<vmem>>)
          tpu.yield
        }) : () -> ()
        "tpu.region"() ({
          %run_scoped3A = tpu.sem_alloc : memref<!tpu.dma_semaphore, #tpu.memory_space<semaphore_mem>>
          %dma_start3A_145 = tpu.memref_slice %arg7[%add3A_118] : memref<307200xi32, #tpu.memory_space<hbm>> -> memref<800xi32, #tpu.memory_space<hbm>>
          %dma_start3A_146 = tpu.memref_slice %arg7[%add3A_118] : memref<307200xi32, #tpu.memory_space<hbm>> -> memref<800xi32, #tpu.memory_space<hbm>>
          tpu.enqueue_dma source(%dma_start3A_146 : memref<800xi32, #tpu.memory_space<hbm>>) target(%arg15 : memref<800xi32, #tpu.memory_space<vmem>>) target_semaphore(%run_scoped3A : memref<!tpu.dma_semaphore, #tpu.memory_space<semaphore_mem>>)
          %dma_wait3A_147 = tpu.memref_slice %arg7[%add3A_118] : memref<307200xi32, #tpu.memory_space<hbm>> -> memref<800xi32, #tpu.memory_space<hbm>>
          %dma_wait3A_148 = tpu.memref_slice %arg7[%add3A_118] : memref<307200xi32, #tpu.memory_space<hbm>> -> memref<800xi32, #tpu.memory_space<hbm>>
          tpu.wait_dma2 semaphore(%run_scoped3A : memref<!tpu.dma_semaphore, #tpu.memory_space<semaphore_mem>>) src(%dma_wait3A_148 : memref<800xi32, #tpu.memory_space<hbm>>) dst(%arg15 : memref<800xi32, #tpu.memory_space<vmem>>)
          tpu.yield
        }) : () -> ()
        %dma_start3A_119 = arith.constant 0 : i32
        %dma_start3A_120 = arith.constant 0 : i32
        %dma_start3A_121 = tpu.memref_slice %arg2[%dma_start3A_119, %dma_start3A_120] : memref<50000x32xbf16, #tpu.memory_space<hbm>> -> memref<50000x32xbf16, #tpu.memory_space<hbm>>
        tpu.enqueue_indirect_dma source(%dma_start3A_121 : memref<50000x32xbf16, #tpu.memory_space<hbm>>) target(%arg17 : memref<800x32xbf16, #tpu.memory_space<vmem>>) offsets(%arg14 : memref<800xi32, #tpu.memory_space<vmem>>) semaphore(%arg20 : memref<!tpu.dma_semaphore, #tpu.memory_space<semaphore_mem>>)
        %dma_wait3A_122 = arith.constant 0 : i32
        %dma_wait3A_123 = arith.constant 0 : i32
        %dma_wait3A_124 = tpu.memref_slice %arg2[%dma_wait3A_122, %dma_wait3A_123] : memref<50000x32xbf16, #tpu.memory_space<hbm>> -> memref<50000x32xbf16, #tpu.memory_space<hbm>>
        tpu.wait_indirect_dma semaphore(%arg19 : memref<!tpu.dma_semaphore, #tpu.memory_space<semaphore_mem>>) src(%dma_wait3A_124 : memref<50000x32xbf16, #tpu.memory_space<hbm>>) dst(%arg16 : memref<800x32xbf16, #tpu.memory_space<vmem>>)
        %dma_start3A_125 = arith.constant 0 : i32
        %dma_start3A_126 = arith.constant 0 : i32
        %dma_start3A_127 = tpu.memref_slice %arg18[%dma_start3A_125, %dma_start3A_126] : memref<50048x32xbf16, #tpu.memory_space<vmem_shared>> -> memref<50048x32xbf16, #tpu.memory_space<vmem_shared>>
        tpu.enqueue_indirect_dma source(%arg16 : memref<800x32xbf16, #tpu.memory_space<vmem>>) target(%dma_start3A_127 : memref<50048x32xbf16, #tpu.memory_space<vmem_shared>>) offsets(%arg13 : memref<800xi32, #tpu.memory_space<vmem>>) semaphore(%arg21 : memref<!tpu.dma_semaphore, #tpu.memory_space<semaphore_mem>>) {add = true}
        %dma_wait3A_128 = arith.constant 0 : i32
        %dma_wait3A_129 = arith.constant 0 : i32
        %dma_wait3A_130 = tpu.memref_slice %arg18[%dma_wait3A_128, %dma_wait3A_129] : memref<50048x32xbf16, #tpu.memory_space<vmem_shared>> -> memref<50048x32xbf16, #tpu.memory_space<vmem_shared>>
        tpu.wait_indirect_dma semaphore(%arg21 : memref<!tpu.dma_semaphore, #tpu.memory_space<semaphore_mem>>) src(%arg16 : memref<800x32xbf16, #tpu.memory_space<vmem>>) dst(%dma_wait3A_130 : memref<50048x32xbf16, #tpu.memory_space<vmem_shared>>)
        %add3A_131 = arith.constant 2 : i32
        %add3A_132 = arith.addi %mul3A_109, %add3A_131 : i32
        %mul3A_133 = arith.constant 800 : i32
        %mul3A_134 = arith.muli %add3A_132, %mul3A_133 : i32
        %add3A_135 = arith.addi %mul3A_32, %mul3A_134 : i32
        "tpu.region"() ({
          %run_scoped3A = tpu.sem_alloc : memref<!tpu.dma_semaphore, #tpu.memory_space<semaphore_mem>>
          %dma_start3A_145 = tpu.memref_slice %arg6[%add3A_135] : memref<307200xi32, #tpu.memory_space<hbm>> -> memref<800xi32, #tpu.memory_space<hbm>>
          %dma_start3A_146 = tpu.memref_slice %arg6[%add3A_135] : memref<307200xi32, #tpu.memory_space<hbm>> -> memref<800xi32, #tpu.memory_space<hbm>>
          tpu.enqueue_dma source(%dma_start3A_146 : memref<800xi32, #tpu.memory_space<hbm>>) target(%arg12 : memref<800xi32, #tpu.memory_space<vmem>>) target_semaphore(%run_scoped3A : memref<!tpu.dma_semaphore, #tpu.memory_space<semaphore_mem>>)
          %dma_wait3A_147 = tpu.memref_slice %arg6[%add3A_135] : memref<307200xi32, #tpu.memory_space<hbm>> -> memref<800xi32, #tpu.memory_space<hbm>>
          %dma_wait3A_148 = tpu.memref_slice %arg6[%add3A_135] : memref<307200xi32, #tpu.memory_space<hbm>> -> memref<800xi32, #tpu.memory_space<hbm>>
          tpu.wait_dma2 semaphore(%run_scoped3A : memref<!tpu.dma_semaphore, #tpu.memory_space<semaphore_mem>>) src(%dma_wait3A_148 : memref<800xi32, #tpu.memory_space<hbm>>) dst(%arg12 : memref<800xi32, #tpu.memory_space<vmem>>)
          tpu.yield
        }) : () -> ()
        "tpu.region"() ({
          %run_scoped3A = tpu.sem_alloc : memref<!tpu.dma_semaphore, #tpu.memory_space<semaphore_mem>>
          %dma_start3A_145 = tpu.memref_slice %arg7[%add3A_135] : memref<307200xi32, #tpu.memory_space<hbm>> -> memref<800xi32, #tpu.memory_space<hbm>>
          %dma_start3A_146 = tpu.memref_slice %arg7[%add3A_135] : memref<307200xi32, #tpu.memory_space<hbm>> -> memref<800xi32, #tpu.memory_space<hbm>>
          tpu.enqueue_dma source(%dma_start3A_146 : memref<800xi32, #tpu.memory_space<hbm>>) target(%arg13 : memref<800xi32, #tpu.memory_space<vmem>>) target_semaphore(%run_scoped3A : memref<!tpu.dma_semaphore, #tpu.memory_space<semaphore_mem>>)
          %dma_wait3A_147 = tpu.memref_slice %arg7[%add3A_135] : memref<307200xi32, #tpu.memory_space<hbm>> -> memref<800xi32, #tpu.memory_space<hbm>>
          %dma_wait3A_148 = tpu.memref_slice %arg7[%add3A_135] : memref<307200xi32, #tpu.memory_space<hbm>> -> memref<800xi32, #tpu.memory_space<hbm>>
          tpu.wait_dma2 semaphore(%run_scoped3A : memref<!tpu.dma_semaphore, #tpu.memory_space<semaphore_mem>>) src(%dma_wait3A_148 : memref<800xi32, #tpu.memory_space<hbm>>) dst(%arg13 : memref<800xi32, #tpu.memory_space<vmem>>)
          tpu.yield
        }) : () -> ()
        %dma_start3A_136 = arith.constant 0 : i32
        %dma_start3A_137 = arith.constant 0 : i32
        %dma_start3A_138 = tpu.memref_slice %arg2[%dma_start3A_136, %dma_start3A_137] : memref<50000x32xbf16, #tpu.memory_space<hbm>> -> memref<50000x32xbf16, #tpu.memory_space<hbm>>
        tpu.enqueue_indirect_dma source(%dma_start3A_138 : memref<50000x32xbf16, #tpu.memory_space<hbm>>) target(%arg16 : memref<800x32xbf16, #tpu.memory_space<vmem>>) offsets(%arg12 : memref<800xi32, #tpu.memory_space<vmem>>) semaphore(%arg19 : memref<!tpu.dma_semaphore, #tpu.memory_space<semaphore_mem>>)
        %dma_wait3A_139 = arith.constant 0 : i32
        %dma_wait3A_140 = arith.constant 0 : i32
        %dma_wait3A_141 = tpu.memref_slice %arg2[%dma_wait3A_139, %dma_wait3A_140] : memref<50000x32xbf16, #tpu.memory_space<hbm>> -> memref<50000x32xbf16, #tpu.memory_space<hbm>>
        tpu.wait_indirect_dma semaphore(%arg20 : memref<!tpu.dma_semaphore, #tpu.memory_space<semaphore_mem>>) src(%dma_wait3A_141 : memref<50000x32xbf16, #tpu.memory_space<hbm>>) dst(%arg17 : memref<800x32xbf16, #tpu.memory_space<vmem>>)
        %dma_start3A_142 = arith.constant 0 : i32
        %dma_start3A_143 = arith.constant 0 : i32
        %dma_start3A_144 = tpu.memref_slice %arg18[%dma_start3A_142, %dma_start3A_143] : memref<50048x32xbf16, #tpu.memory_space<vmem_shared>> -> memref<50048x32xbf16, #tpu.memory_space<vmem_shared>>
        tpu.enqueue_indirect_dma source(%arg17 : memref<800x32xbf16, #tpu.memory_space<vmem>>) target(%dma_start3A_144 : memref<50048x32xbf16, #tpu.memory_space<vmem_shared>>) offsets(%arg15 : memref<800xi32, #tpu.memory_space<vmem>>) semaphore(%arg22 : memref<!tpu.dma_semaphore, #tpu.memory_space<semaphore_mem>>) {add = true}
      }
      %scan3A_42 = arith.constant 11 : i32
      %dma_wait3A = arith.constant 0 : i32
      %dma_wait3A_43 = arith.constant 0 : i32
      %dma_wait3A_44 = tpu.memref_slice %arg18[%dma_wait3A, %dma_wait3A_43] : memref<50048x32xbf16, #tpu.memory_space<vmem_shared>> -> memref<50048x32xbf16, #tpu.memory_space<vmem_shared>>
      tpu.wait_indirect_dma semaphore(%arg22 : memref<!tpu.dma_semaphore, #tpu.memory_space<semaphore_mem>>) src(%arg17 : memref<800x32xbf16, #tpu.memory_space<vmem>>) dst(%dma_wait3A_44 : memref<50048x32xbf16, #tpu.memory_space<vmem_shared>>)
      %add3A_45 = arith.constant 18400 : i32
      %add3A_46 = arith.addi %mul3A_32, %add3A_45 : i32
      "tpu.region"() ({
        %run_scoped3A = tpu.sem_alloc : memref<!tpu.dma_semaphore, #tpu.memory_space<semaphore_mem>>
        %dma_start3A_107 = tpu.memref_slice %arg6[%add3A_46] : memref<307200xi32, #tpu.memory_space<hbm>> -> memref<800xi32, #tpu.memory_space<hbm>>
        %dma_start3A_108 = tpu.memref_slice %arg6[%add3A_46] : memref<307200xi32, #tpu.memory_space<hbm>> -> memref<800xi32, #tpu.memory_space<hbm>>
        tpu.enqueue_dma source(%dma_start3A_108 : memref<800xi32, #tpu.memory_space<hbm>>) target(%arg14 : memref<800xi32, #tpu.memory_space<vmem>>) target_semaphore(%run_scoped3A : memref<!tpu.dma_semaphore, #tpu.memory_space<semaphore_mem>>)
        %dma_wait3A_109 = tpu.memref_slice %arg6[%add3A_46] : memref<307200xi32, #tpu.memory_space<hbm>> -> memref<800xi32, #tpu.memory_space<hbm>>
        %dma_wait3A_110 = tpu.memref_slice %arg6[%add3A_46] : memref<307200xi32, #tpu.memory_space<hbm>> -> memref<800xi32, #tpu.memory_space<hbm>>
        tpu.wait_dma2 semaphore(%run_scoped3A : memref<!tpu.dma_semaphore, #tpu.memory_space<semaphore_mem>>) src(%dma_wait3A_110 : memref<800xi32, #tpu.memory_space<hbm>>) dst(%arg14 : memref<800xi32, #tpu.memory_space<vmem>>)
        tpu.yield
      }) : () -> ()
      "tpu.region"() ({
        %run_scoped3A = tpu.sem_alloc : memref<!tpu.dma_semaphore, #tpu.memory_space<semaphore_mem>>
        %dma_start3A_107 = tpu.memref_slice %arg7[%add3A_46] : memref<307200xi32, #tpu.memory_space<hbm>> -> memref<800xi32, #tpu.memory_space<hbm>>
        %dma_start3A_108 = tpu.memref_slice %arg7[%add3A_46] : memref<307200xi32, #tpu.memory_space<hbm>> -> memref<800xi32, #tpu.memory_space<hbm>>
        tpu.enqueue_dma source(%dma_start3A_108 : memref<800xi32, #tpu.memory_space<hbm>>) target(%arg15 : memref<800xi32, #tpu.memory_space<vmem>>) target_semaphore(%run_scoped3A : memref<!tpu.dma_semaphore, #tpu.memory_space<semaphore_mem>>)
        %dma_wait3A_109 = tpu.memref_slice %arg7[%add3A_46] : memref<307200xi32, #tpu.memory_space<hbm>> -> memref<800xi32, #tpu.memory_space<hbm>>
        %dma_wait3A_110 = tpu.memref_slice %arg7[%add3A_46] : memref<307200xi32, #tpu.memory_space<hbm>> -> memref<800xi32, #tpu.memory_space<hbm>>
        tpu.wait_dma2 semaphore(%run_scoped3A : memref<!tpu.dma_semaphore, #tpu.memory_space<semaphore_mem>>) src(%dma_wait3A_110 : memref<800xi32, #tpu.memory_space<hbm>>) dst(%arg15 : memref<800xi32, #tpu.memory_space<vmem>>)
        tpu.yield
      }) : () -> ()
      %dma_start3A_47 = arith.constant 0 : i32
      %dma_start3A_48 = arith.constant 0 : i32
      %dma_start3A_49 = tpu.memref_slice %arg2[%dma_start3A_47, %dma_start3A_48] : memref<50000x32xbf16, #tpu.memory_space<hbm>> -> memref<50000x32xbf16, #tpu.memory_space<hbm>>
      tpu.enqueue_indirect_dma source(%dma_start3A_49 : memref<50000x32xbf16, #tpu.memory_space<hbm>>) target(%arg17 : memref<800x32xbf16, #tpu.memory_space<vmem>>) offsets(%arg14 : memref<800xi32, #tpu.memory_space<vmem>>) semaphore(%arg20 : memref<!tpu.dma_semaphore, #tpu.memory_space<semaphore_mem>>)
      %dma_wait3A_50 = arith.constant 0 : i32
      %dma_wait3A_51 = arith.constant 0 : i32
      %dma_wait3A_52 = tpu.memref_slice %arg2[%dma_wait3A_50, %dma_wait3A_51] : memref<50000x32xbf16, #tpu.memory_space<hbm>> -> memref<50000x32xbf16, #tpu.memory_space<hbm>>
      tpu.wait_indirect_dma semaphore(%arg19 : memref<!tpu.dma_semaphore, #tpu.memory_space<semaphore_mem>>) src(%dma_wait3A_52 : memref<50000x32xbf16, #tpu.memory_space<hbm>>) dst(%arg16 : memref<800x32xbf16, #tpu.memory_space<vmem>>)
      %dma_start3A_53 = arith.constant 0 : i32
      %dma_start3A_54 = arith.constant 0 : i32
      %dma_start3A_55 = tpu.memref_slice %arg18[%dma_start3A_53, %dma_start3A_54] : memref<50048x32xbf16, #tpu.memory_space<vmem_shared>> -> memref<50048x32xbf16, #tpu.memory_space<vmem_shared>>
      tpu.enqueue_indirect_dma source(%arg16 : memref<800x32xbf16, #tpu.memory_space<vmem>>) target(%dma_start3A_55 : memref<50048x32xbf16, #tpu.memory_space<vmem_shared>>) offsets(%arg13 : memref<800xi32, #tpu.memory_space<vmem>>) semaphore(%arg21 : memref<!tpu.dma_semaphore, #tpu.memory_space<semaphore_mem>>) {add = true}
      %dma_wait3A_56 = arith.constant 0 : i32
      %dma_wait3A_57 = arith.constant 0 : i32
      %dma_wait3A_58 = tpu.memref_slice %arg2[%dma_wait3A_56, %dma_wait3A_57] : memref<50000x32xbf16, #tpu.memory_space<hbm>> -> memref<50000x32xbf16, #tpu.memory_space<hbm>>
      tpu.wait_indirect_dma semaphore(%arg20 : memref<!tpu.dma_semaphore, #tpu.memory_space<semaphore_mem>>) src(%dma_wait3A_58 : memref<50000x32xbf16, #tpu.memory_space<hbm>>) dst(%arg17 : memref<800x32xbf16, #tpu.memory_space<vmem>>)
      %dma_start3A_59 = arith.constant 0 : i32
      %dma_start3A_60 = arith.constant 0 : i32
      %dma_start3A_61 = tpu.memref_slice %arg18[%dma_start3A_59, %dma_start3A_60] : memref<50048x32xbf16, #tpu.memory_space<vmem_shared>> -> memref<50048x32xbf16, #tpu.memory_space<vmem_shared>>
      tpu.enqueue_indirect_dma source(%arg17 : memref<800x32xbf16, #tpu.memory_space<vmem>>) target(%dma_start3A_61 : memref<50048x32xbf16, #tpu.memory_space<vmem_shared>>) offsets(%arg15 : memref<800xi32, #tpu.memory_space<vmem>>) semaphore(%arg22 : memref<!tpu.dma_semaphore, #tpu.memory_space<semaphore_mem>>) {add = true}
      %dma_wait3A_62 = arith.constant 0 : i32
      %dma_wait3A_63 = arith.constant 0 : i32
      %dma_wait3A_64 = tpu.memref_slice %arg18[%dma_wait3A_62, %dma_wait3A_63] : memref<50048x32xbf16, #tpu.memory_space<vmem_shared>> -> memref<50048x32xbf16, #tpu.memory_space<vmem_shared>>
      tpu.wait_indirect_dma semaphore(%arg21 : memref<!tpu.dma_semaphore, #tpu.memory_space<semaphore_mem>>) src(%arg16 : memref<800x32xbf16, #tpu.memory_space<vmem>>) dst(%dma_wait3A_64 : memref<50048x32xbf16, #tpu.memory_space<vmem_shared>>)
      %dma_wait3A_65 = arith.constant 0 : i32
      %dma_wait3A_66 = arith.constant 0 : i32
      %dma_wait3A_67 = tpu.memref_slice %arg18[%dma_wait3A_65, %dma_wait3A_66] : memref<50048x32xbf16, #tpu.memory_space<vmem_shared>> -> memref<50048x32xbf16, #tpu.memory_space<vmem_shared>>
      tpu.wait_indirect_dma semaphore(%arg22 : memref<!tpu.dma_semaphore, #tpu.memory_space<semaphore_mem>>) src(%arg17 : memref<800x32xbf16, #tpu.memory_space<vmem>>) dst(%dma_wait3A_67 : memref<50048x32xbf16, #tpu.memory_space<vmem_shared>>)
      %mul3A_68 = arith.constant 19200 : i32
      %mul3A_69 = arith.muli %arg1, %mul3A_68 : i32
      %add3A_70 = arith.constant 0 : i32
      %add3A_71 = arith.addi %mul3A_69, %add3A_70 : i32
      "tpu.region"() ({
        %run_scoped3A = tpu.sem_alloc : memref<!tpu.dma_semaphore, #tpu.memory_space<semaphore_mem>>
        %dma_start3A_107 = tpu.memref_slice %arg8[%add3A_71] : memref<307200xi32, #tpu.memory_space<hbm>> -> memref<800xi32, #tpu.memory_space<hbm>>
        %dma_start3A_108 = tpu.memref_slice %arg8[%add3A_71] : memref<307200xi32, #tpu.memory_space<hbm>> -> memref<800xi32, #tpu.memory_space<hbm>>
        tpu.enqueue_dma source(%dma_start3A_108 : memref<800xi32, #tpu.memory_space<hbm>>) target(%arg12 : memref<800xi32, #tpu.memory_space<vmem>>) target_semaphore(%run_scoped3A : memref<!tpu.dma_semaphore, #tpu.memory_space<semaphore_mem>>)
        %dma_wait3A_109 = tpu.memref_slice %arg8[%add3A_71] : memref<307200xi32, #tpu.memory_space<hbm>> -> memref<800xi32, #tpu.memory_space<hbm>>
        %dma_wait3A_110 = tpu.memref_slice %arg8[%add3A_71] : memref<307200xi32, #tpu.memory_space<hbm>> -> memref<800xi32, #tpu.memory_space<hbm>>
        tpu.wait_dma2 semaphore(%run_scoped3A : memref<!tpu.dma_semaphore, #tpu.memory_space<semaphore_mem>>) src(%dma_wait3A_110 : memref<800xi32, #tpu.memory_space<hbm>>) dst(%arg12 : memref<800xi32, #tpu.memory_space<vmem>>)
        tpu.yield
      }) : () -> ()
      "tpu.region"() ({
        %run_scoped3A = tpu.sem_alloc : memref<!tpu.dma_semaphore, #tpu.memory_space<semaphore_mem>>
        %dma_start3A_107 = tpu.memref_slice %arg9[%add3A_71] : memref<307200xi32, #tpu.memory_space<hbm>> -> memref<800xi32, #tpu.memory_space<hbm>>
        %dma_start3A_108 = tpu.memref_slice %arg9[%add3A_71] : memref<307200xi32, #tpu.memory_space<hbm>> -> memref<800xi32, #tpu.memory_space<hbm>>
        tpu.enqueue_dma source(%dma_start3A_108 : memref<800xi32, #tpu.memory_space<hbm>>) target(%arg13 : memref<800xi32, #tpu.memory_space<vmem>>) target_semaphore(%run_scoped3A : memref<!tpu.dma_semaphore, #tpu.memory_space<semaphore_mem>>)
        %dma_wait3A_109 = tpu.memref_slice %arg9[%add3A_71] : memref<307200xi32, #tpu.memory_space<hbm>> -> memref<800xi32, #tpu.memory_space<hbm>>
        %dma_wait3A_110 = tpu.memref_slice %arg9[%add3A_71] : memref<307200xi32, #tpu.memory_space<hbm>> -> memref<800xi32, #tpu.memory_space<hbm>>
        tpu.wait_dma2 semaphore(%run_scoped3A : memref<!tpu.dma_semaphore, #tpu.memory_space<semaphore_mem>>) src(%dma_wait3A_110 : memref<800xi32, #tpu.memory_space<hbm>>) dst(%arg13 : memref<800xi32, #tpu.memory_space<vmem>>)
        tpu.yield
      }) : () -> ()
      %dma_start3A_72 = arith.constant 0 : i32
      %dma_start3A_73 = arith.constant 0 : i32
      %dma_start3A_74 = tpu.memref_slice %arg4[%dma_start3A_72, %dma_start3A_73] : memref<10000x32xbf16, #tpu.memory_space<hbm>> -> memref<10000x32xbf16, #tpu.memory_space<hbm>>
      tpu.enqueue_indirect_dma source(%dma_start3A_74 : memref<10000x32xbf16, #tpu.memory_space<hbm>>) target(%arg16 : memref<800x32xbf16, #tpu.memory_space<vmem>>) offsets(%arg12 : memref<800xi32, #tpu.memory_space<vmem>>) semaphore(%arg19 : memref<!tpu.dma_semaphore, #tpu.memory_space<semaphore_mem>>)
      %scan3A_75 = arith.constant 0 : i32
      %scan3A_76 = arith.constant 0 : i32
      %scan3A_77 = arith.constant 11 : i32
      %scan3A_78 = arith.addi %scan3A_76, %scan3A_77 : i32
      %scan3A_79 = arith.constant 1 : i32
      scf.for %scan3A_107 = %scan3A_76 to %scan3A_78 step %scan3A_79  : i32 {
        %mul3A_108 = arith.constant 2 : i32
        %mul3A_109 = arith.muli %mul3A_108, %scan3A_107 : i32
        %gt3A = arith.constant 0 : i32
        %gt3A_110 = arith.cmpi sgt, %scan3A_107, %gt3A : i32
        %convert_element_type3A_111 = arith.extui %gt3A_110 : i1 to i32
        %cond3A_112 = arith.constant 0 : i32
        %cond3A_113 = arith.cmpi ne, %convert_element_type3A_111, %cond3A_112 : i32
        scf.if %cond3A_113 {
          %dma_wait3A_145 = arith.constant 0 : i32
          %dma_wait3A_146 = arith.constant 0 : i32
          %dma_wait3A_147 = tpu.memref_slice %arg18[%dma_wait3A_145, %dma_wait3A_146] : memref<50048x32xbf16, #tpu.memory_space<vmem_shared>> -> memref<50048x32xbf16, #tpu.memory_space<vmem_shared>>
          tpu.wait_indirect_dma semaphore(%arg22 : memref<!tpu.dma_semaphore, #tpu.memory_space<semaphore_mem>>) src(%arg17 : memref<800x32xbf16, #tpu.memory_space<vmem>>) dst(%dma_wait3A_147 : memref<50048x32xbf16, #tpu.memory_space<vmem_shared>>)
        } else {
        }
        %add3A_114 = arith.constant 1 : i32
        %add3A_115 = arith.addi %mul3A_109, %add3A_114 : i32
        %mul3A_116 = arith.constant 800 : i32
        %mul3A_117 = arith.muli %add3A_115, %mul3A_116 : i32
        %add3A_118 = arith.addi %mul3A_69, %mul3A_117 : i32
        "tpu.region"() ({
          %run_scoped3A = tpu.sem_alloc : memref<!tpu.dma_semaphore, #tpu.memory_space<semaphore_mem>>
          %dma_start3A_145 = tpu.memref_slice %arg8[%add3A_118] : memref<307200xi32, #tpu.memory_space<hbm>> -> memref<800xi32, #tpu.memory_space<hbm>>
          %dma_start3A_146 = tpu.memref_slice %arg8[%add3A_118] : memref<307200xi32, #tpu.memory_space<hbm>> -> memref<800xi32, #tpu.memory_space<hbm>>
          tpu.enqueue_dma source(%dma_start3A_146 : memref<800xi32, #tpu.memory_space<hbm>>) target(%arg14 : memref<800xi32, #tpu.memory_space<vmem>>) target_semaphore(%run_scoped3A : memref<!tpu.dma_semaphore, #tpu.memory_space<semaphore_mem>>)
          %dma_wait3A_147 = tpu.memref_slice %arg8[%add3A_118] : memref<307200xi32, #tpu.memory_space<hbm>> -> memref<800xi32, #tpu.memory_space<hbm>>
          %dma_wait3A_148 = tpu.memref_slice %arg8[%add3A_118] : memref<307200xi32, #tpu.memory_space<hbm>> -> memref<800xi32, #tpu.memory_space<hbm>>
          tpu.wait_dma2 semaphore(%run_scoped3A : memref<!tpu.dma_semaphore, #tpu.memory_space<semaphore_mem>>) src(%dma_wait3A_148 : memref<800xi32, #tpu.memory_space<hbm>>) dst(%arg14 : memref<800xi32, #tpu.memory_space<vmem>>)
          tpu.yield
        }) : () -> ()
        "tpu.region"() ({
          %run_scoped3A = tpu.sem_alloc : memref<!tpu.dma_semaphore, #tpu.memory_space<semaphore_mem>>
          %dma_start3A_145 = tpu.memref_slice %arg9[%add3A_118] : memref<307200xi32, #tpu.memory_space<hbm>> -> memref<800xi32, #tpu.memory_space<hbm>>
          %dma_start3A_146 = tpu.memref_slice %arg9[%add3A_118] : memref<307200xi32, #tpu.memory_space<hbm>> -> memref<800xi32, #tpu.memory_space<hbm>>
          tpu.enqueue_dma source(%dma_start3A_146 : memref<800xi32, #tpu.memory_space<hbm>>) target(%arg15 : memref<800xi32, #tpu.memory_space<vmem>>) target_semaphore(%run_scoped3A : memref<!tpu.dma_semaphore, #tpu.memory_space<semaphore_mem>>)
          %dma_wait3A_147 = tpu.memref_slice %arg9[%add3A_118] : memref<307200xi32, #tpu.memory_space<hbm>> -> memref<800xi32, #tpu.memory_space<hbm>>
          %dma_wait3A_148 = tpu.memref_slice %arg9[%add3A_118] : memref<307200xi32, #tpu.memory_space<hbm>> -> memref<800xi32, #tpu.memory_space<hbm>>
          tpu.wait_dma2 semaphore(%run_scoped3A : memref<!tpu.dma_semaphore, #tpu.memory_space<semaphore_mem>>) src(%dma_wait3A_148 : memref<800xi32, #tpu.memory_space<hbm>>) dst(%arg15 : memref<800xi32, #tpu.memory_space<vmem>>)
          tpu.yield
        }) : () -> ()
        %dma_start3A_119 = arith.constant 0 : i32
        %dma_start3A_120 = arith.constant 0 : i32
        %dma_start3A_121 = tpu.memref_slice %arg4[%dma_start3A_119, %dma_start3A_120] : memref<10000x32xbf16, #tpu.memory_space<hbm>> -> memref<10000x32xbf16, #tpu.memory_space<hbm>>
        tpu.enqueue_indirect_dma source(%dma_start3A_121 : memref<10000x32xbf16, #tpu.memory_space<hbm>>) target(%arg17 : memref<800x32xbf16, #tpu.memory_space<vmem>>) offsets(%arg14 : memref<800xi32, #tpu.memory_space<vmem>>) semaphore(%arg20 : memref<!tpu.dma_semaphore, #tpu.memory_space<semaphore_mem>>)
        %dma_wait3A_122 = arith.constant 0 : i32
        %dma_wait3A_123 = arith.constant 0 : i32
        %dma_wait3A_124 = tpu.memref_slice %arg4[%dma_wait3A_122, %dma_wait3A_123] : memref<10000x32xbf16, #tpu.memory_space<hbm>> -> memref<10000x32xbf16, #tpu.memory_space<hbm>>
        tpu.wait_indirect_dma semaphore(%arg19 : memref<!tpu.dma_semaphore, #tpu.memory_space<semaphore_mem>>) src(%dma_wait3A_124 : memref<10000x32xbf16, #tpu.memory_space<hbm>>) dst(%arg16 : memref<800x32xbf16, #tpu.memory_space<vmem>>)
        %dma_start3A_125 = arith.constant 0 : i32
        %dma_start3A_126 = arith.constant 0 : i32
        %dma_start3A_127 = tpu.memref_slice %arg18[%dma_start3A_125, %dma_start3A_126] : memref<50048x32xbf16, #tpu.memory_space<vmem_shared>> -> memref<50048x32xbf16, #tpu.memory_space<vmem_shared>>
        tpu.enqueue_indirect_dma source(%arg16 : memref<800x32xbf16, #tpu.memory_space<vmem>>) target(%dma_start3A_127 : memref<50048x32xbf16, #tpu.memory_space<vmem_shared>>) offsets(%arg13 : memref<800xi32, #tpu.memory_space<vmem>>) semaphore(%arg21 : memref<!tpu.dma_semaphore, #tpu.memory_space<semaphore_mem>>) {add = true}
        %dma_wait3A_128 = arith.constant 0 : i32
        %dma_wait3A_129 = arith.constant 0 : i32
        %dma_wait3A_130 = tpu.memref_slice %arg18[%dma_wait3A_128, %dma_wait3A_129] : memref<50048x32xbf16, #tpu.memory_space<vmem_shared>> -> memref<50048x32xbf16, #tpu.memory_space<vmem_shared>>
        tpu.wait_indirect_dma semaphore(%arg21 : memref<!tpu.dma_semaphore, #tpu.memory_space<semaphore_mem>>) src(%arg16 : memref<800x32xbf16, #tpu.memory_space<vmem>>) dst(%dma_wait3A_130 : memref<50048x32xbf16, #tpu.memory_space<vmem_shared>>)
        %add3A_131 = arith.constant 2 : i32
        %add3A_132 = arith.addi %mul3A_109, %add3A_131 : i32
        %mul3A_133 = arith.constant 800 : i32
        %mul3A_134 = arith.muli %add3A_132, %mul3A_133 : i32
        %add3A_135 = arith.addi %mul3A_69, %mul3A_134 : i32
        "tpu.region"() ({
          %run_scoped3A = tpu.sem_alloc : memref<!tpu.dma_semaphore, #tpu.memory_space<semaphore_mem>>
          %dma_start3A_145 = tpu.memref_slice %arg8[%add3A_135] : memref<307200xi32, #tpu.memory_space<hbm>> -> memref<800xi32, #tpu.memory_space<hbm>>
          %dma_start3A_146 = tpu.memref_slice %arg8[%add3A_135] : memref<307200xi32, #tpu.memory_space<hbm>> -> memref<800xi32, #tpu.memory_space<hbm>>
          tpu.enqueue_dma source(%dma_start3A_146 : memref<800xi32, #tpu.memory_space<hbm>>) target(%arg12 : memref<800xi32, #tpu.memory_space<vmem>>) target_semaphore(%run_scoped3A : memref<!tpu.dma_semaphore, #tpu.memory_space<semaphore_mem>>)
          %dma_wait3A_147 = tpu.memref_slice %arg8[%add3A_135] : memref<307200xi32, #tpu.memory_space<hbm>> -> memref<800xi32, #tpu.memory_space<hbm>>
          %dma_wait3A_148 = tpu.memref_slice %arg8[%add3A_135] : memref<307200xi32, #tpu.memory_space<hbm>> -> memref<800xi32, #tpu.memory_space<hbm>>
          tpu.wait_dma2 semaphore(%run_scoped3A : memref<!tpu.dma_semaphore, #tpu.memory_space<semaphore_mem>>) src(%dma_wait3A_148 : memref<800xi32, #tpu.memory_space<hbm>>) dst(%arg12 : memref<800xi32, #tpu.memory_space<vmem>>)
          tpu.yield
        }) : () -> ()
        "tpu.region"() ({
          %run_scoped3A = tpu.sem_alloc : memref<!tpu.dma_semaphore, #tpu.memory_space<semaphore_mem>>
          %dma_start3A_145 = tpu.memref_slice %arg9[%add3A_135] : memref<307200xi32, #tpu.memory_space<hbm>> -> memref<800xi32, #tpu.memory_space<hbm>>
          %dma_start3A_146 = tpu.memref_slice %arg9[%add3A_135] : memref<307200xi32, #tpu.memory_space<hbm>> -> memref<800xi32, #tpu.memory_space<hbm>>
          tpu.enqueue_dma source(%dma_start3A_146 : memref<800xi32, #tpu.memory_space<hbm>>) target(%arg13 : memref<800xi32, #tpu.memory_space<vmem>>) target_semaphore(%run_scoped3A : memref<!tpu.dma_semaphore, #tpu.memory_space<semaphore_mem>>)
          %dma_wait3A_147 = tpu.memref_slice %arg9[%add3A_135] : memref<307200xi32, #tpu.memory_space<hbm>> -> memref<800xi32, #tpu.memory_space<hbm>>
          %dma_wait3A_148 = tpu.memref_slice %arg9[%add3A_135] : memref<307200xi32, #tpu.memory_space<hbm>> -> memref<800xi32, #tpu.memory_space<hbm>>
          tpu.wait_dma2 semaphore(%run_scoped3A : memref<!tpu.dma_semaphore, #tpu.memory_space<semaphore_mem>>) src(%dma_wait3A_148 : memref<800xi32, #tpu.memory_space<hbm>>) dst(%arg13 : memref<800xi32, #tpu.memory_space<vmem>>)
          tpu.yield
        }) : () -> ()
        %dma_start3A_136 = arith.constant 0 : i32
        %dma_start3A_137 = arith.constant 0 : i32
        %dma_start3A_138 = tpu.memref_slice %arg4[%dma_start3A_136, %dma_start3A_137] : memref<10000x32xbf16, #tpu.memory_space<hbm>> -> memref<10000x32xbf16, #tpu.memory_space<hbm>>
        tpu.enqueue_indirect_dma source(%dma_start3A_138 : memref<10000x32xbf16, #tpu.memory_space<hbm>>) target(%arg16 : memref<800x32xbf16, #tpu.memory_space<vmem>>) offsets(%arg12 : memref<800xi32, #tpu.memory_space<vmem>>) semaphore(%arg19 : memref<!tpu.dma_semaphore, #tpu.memory_space<semaphore_mem>>)
        %dma_wait3A_139 = arith.constant 0 : i32
        %dma_wait3A_140 = arith.constant 0 : i32
        %dma_wait3A_141 = tpu.memref_slice %arg4[%dma_wait3A_139, %dma_wait3A_140] : memref<10000x32xbf16, #tpu.memory_space<hbm>> -> memref<10000x32xbf16, #tpu.memory_space<hbm>>
        tpu.wait_indirect_dma semaphore(%arg20 : memref<!tpu.dma_semaphore, #tpu.memory_space<semaphore_mem>>) src(%dma_wait3A_141 : memref<10000x32xbf16, #tpu.memory_space<hbm>>) dst(%arg17 : memref<800x32xbf16, #tpu.memory_space<vmem>>)
        %dma_start3A_142 = arith.constant 0 : i32
        %dma_start3A_143 = arith.constant 0 : i32
        %dma_start3A_144 = tpu.memref_slice %arg18[%dma_start3A_142, %dma_start3A_143] : memref<50048x32xbf16, #tpu.memory_space<vmem_shared>> -> memref<50048x32xbf16, #tpu.memory_space<vmem_shared>>
        tpu.enqueue_indirect_dma source(%arg17 : memref<800x32xbf16, #tpu.memory_space<vmem>>) target(%dma_start3A_144 : memref<50048x32xbf16, #tpu.memory_space<vmem_shared>>) offsets(%arg15 : memref<800xi32, #tpu.memory_space<vmem>>) semaphore(%arg22 : memref<!tpu.dma_semaphore, #tpu.memory_space<semaphore_mem>>) {add = true}
      }
      %scan3A_80 = arith.constant 11 : i32
      %dma_wait3A_81 = arith.constant 0 : i32
      %dma_wait3A_82 = arith.constant 0 : i32
      %dma_wait3A_83 = tpu.memref_slice %arg18[%dma_wait3A_81, %dma_wait3A_82] : memref<50048x32xbf16, #tpu.memory_space<vmem_shared>> -> memref<50048x32xbf16, #tpu.memory_space<vmem_shared>>
      tpu.wait_indirect_dma semaphore(%arg22 : memref<!tpu.dma_semaphore, #tpu.memory_space<semaphore_mem>>) src(%arg17 : memref<800x32xbf16, #tpu.memory_space<vmem>>) dst(%dma_wait3A_83 : memref<50048x32xbf16, #tpu.memory_space<vmem_shared>>)
      %add3A_84 = arith.constant 18400 : i32
      %add3A_85 = arith.addi %mul3A_69, %add3A_84 : i32
      "tpu.region"() ({
        %run_scoped3A = tpu.sem_alloc : memref<!tpu.dma_semaphore, #tpu.memory_space<semaphore_mem>>
        %dma_start3A_107 = tpu.memref_slice %arg8[%add3A_85] : memref<307200xi32, #tpu.memory_space<hbm>> -> memref<800xi32, #tpu.memory_space<hbm>>
        %dma_start3A_108 = tpu.memref_slice %arg8[%add3A_85] : memref<307200xi32, #tpu.memory_space<hbm>> -> memref<800xi32, #tpu.memory_space<hbm>>
        tpu.enqueue_dma source(%dma_start3A_108 : memref<800xi32, #tpu.memory_space<hbm>>) target(%arg14 : memref<800xi32, #tpu.memory_space<vmem>>) target_semaphore(%run_scoped3A : memref<!tpu.dma_semaphore, #tpu.memory_space<semaphore_mem>>)
        %dma_wait3A_109 = tpu.memref_slice %arg8[%add3A_85] : memref<307200xi32, #tpu.memory_space<hbm>> -> memref<800xi32, #tpu.memory_space<hbm>>
        %dma_wait3A_110 = tpu.memref_slice %arg8[%add3A_85] : memref<307200xi32, #tpu.memory_space<hbm>> -> memref<800xi32, #tpu.memory_space<hbm>>
        tpu.wait_dma2 semaphore(%run_scoped3A : memref<!tpu.dma_semaphore, #tpu.memory_space<semaphore_mem>>) src(%dma_wait3A_110 : memref<800xi32, #tpu.memory_space<hbm>>) dst(%arg14 : memref<800xi32, #tpu.memory_space<vmem>>)
        tpu.yield
      }) : () -> ()
      "tpu.region"() ({
        %run_scoped3A = tpu.sem_alloc : memref<!tpu.dma_semaphore, #tpu.memory_space<semaphore_mem>>
        %dma_start3A_107 = tpu.memref_slice %arg9[%add3A_85] : memref<307200xi32, #tpu.memory_space<hbm>> -> memref<800xi32, #tpu.memory_space<hbm>>
        %dma_start3A_108 = tpu.memref_slice %arg9[%add3A_85] : memref<307200xi32, #tpu.memory_space<hbm>> -> memref<800xi32, #tpu.memory_space<hbm>>
        tpu.enqueue_dma source(%dma_start3A_108 : memref<800xi32, #tpu.memory_space<hbm>>) target(%arg15 : memref<800xi32, #tpu.memory_space<vmem>>) target_semaphore(%run_scoped3A : memref<!tpu.dma_semaphore, #tpu.memory_space<semaphore_mem>>)
        %dma_wait3A_109 = tpu.memref_slice %arg9[%add3A_85] : memref<307200xi32, #tpu.memory_space<hbm>> -> memref<800xi32, #tpu.memory_space<hbm>>
        %dma_wait3A_110 = tpu.memref_slice %arg9[%add3A_85] : memref<307200xi32, #tpu.memory_space<hbm>> -> memref<800xi32, #tpu.memory_space<hbm>>
        tpu.wait_dma2 semaphore(%run_scoped3A : memref<!tpu.dma_semaphore, #tpu.memory_space<semaphore_mem>>) src(%dma_wait3A_110 : memref<800xi32, #tpu.memory_space<hbm>>) dst(%arg15 : memref<800xi32, #tpu.memory_space<vmem>>)
        tpu.yield
      }) : () -> ()
      %dma_start3A_86 = arith.constant 0 : i32
      %dma_start3A_87 = arith.constant 0 : i32
      %dma_start3A_88 = tpu.memref_slice %arg4[%dma_start3A_86, %dma_start3A_87] : memref<10000x32xbf16, #tpu.memory_space<hbm>> -> memref<10000x32xbf16, #tpu.memory_space<hbm>>
      tpu.enqueue_indirect_dma source(%dma_start3A_88 : memref<10000x32xbf16, #tpu.memory_space<hbm>>) target(%arg17 : memref<800x32xbf16, #tpu.memory_space<vmem>>) offsets(%arg14 : memref<800xi32, #tpu.memory_space<vmem>>) semaphore(%arg20 : memref<!tpu.dma_semaphore, #tpu.memory_space<semaphore_mem>>)
      %dma_wait3A_89 = arith.constant 0 : i32
      %dma_wait3A_90 = arith.constant 0 : i32
      %dma_wait3A_91 = tpu.memref_slice %arg4[%dma_wait3A_89, %dma_wait3A_90] : memref<10000x32xbf16, #tpu.memory_space<hbm>> -> memref<10000x32xbf16, #tpu.memory_space<hbm>>
      tpu.wait_indirect_dma semaphore(%arg19 : memref<!tpu.dma_semaphore, #tpu.memory_space<semaphore_mem>>) src(%dma_wait3A_91 : memref<10000x32xbf16, #tpu.memory_space<hbm>>) dst(%arg16 : memref<800x32xbf16, #tpu.memory_space<vmem>>)
      %dma_start3A_92 = arith.constant 0 : i32
      %dma_start3A_93 = arith.constant 0 : i32
      %dma_start3A_94 = tpu.memref_slice %arg18[%dma_start3A_92, %dma_start3A_93] : memref<50048x32xbf16, #tpu.memory_space<vmem_shared>> -> memref<50048x32xbf16, #tpu.memory_space<vmem_shared>>
      tpu.enqueue_indirect_dma source(%arg16 : memref<800x32xbf16, #tpu.memory_space<vmem>>) target(%dma_start3A_94 : memref<50048x32xbf16, #tpu.memory_space<vmem_shared>>) offsets(%arg13 : memref<800xi32, #tpu.memory_space<vmem>>) semaphore(%arg21 : memref<!tpu.dma_semaphore, #tpu.memory_space<semaphore_mem>>) {add = true}
      %dma_wait3A_95 = arith.constant 0 : i32
      %dma_wait3A_96 = arith.constant 0 : i32
      %dma_wait3A_97 = tpu.memref_slice %arg4[%dma_wait3A_95, %dma_wait3A_96] : memref<10000x32xbf16, #tpu.memory_space<hbm>> -> memref<10000x32xbf16, #tpu.memory_space<hbm>>
      tpu.wait_indirect_dma semaphore(%arg20 : memref<!tpu.dma_semaphore, #tpu.memory_space<semaphore_mem>>) src(%dma_wait3A_97 : memref<10000x32xbf16, #tpu.memory_space<hbm>>) dst(%arg17 : memref<800x32xbf16, #tpu.memory_space<vmem>>)
      %dma_start3A_98 = arith.constant 0 : i32
      %dma_start3A_99 = arith.constant 0 : i32
      %dma_start3A_100 = tpu.memref_slice %arg18[%dma_start3A_98, %dma_start3A_99] : memref<50048x32xbf16, #tpu.memory_space<vmem_shared>> -> memref<50048x32xbf16, #tpu.memory_space<vmem_shared>>
      tpu.enqueue_indirect_dma source(%arg17 : memref<800x32xbf16, #tpu.memory_space<vmem>>) target(%dma_start3A_100 : memref<50048x32xbf16, #tpu.memory_space<vmem_shared>>) offsets(%arg15 : memref<800xi32, #tpu.memory_space<vmem>>) semaphore(%arg22 : memref<!tpu.dma_semaphore, #tpu.memory_space<semaphore_mem>>) {add = true}
      %dma_wait3A_101 = arith.constant 0 : i32
      %dma_wait3A_102 = arith.constant 0 : i32
      %dma_wait3A_103 = tpu.memref_slice %arg18[%dma_wait3A_101, %dma_wait3A_102] : memref<50048x32xbf16, #tpu.memory_space<vmem_shared>> -> memref<50048x32xbf16, #tpu.memory_space<vmem_shared>>
      tpu.wait_indirect_dma semaphore(%arg21 : memref<!tpu.dma_semaphore, #tpu.memory_space<semaphore_mem>>) src(%arg16 : memref<800x32xbf16, #tpu.memory_space<vmem>>) dst(%dma_wait3A_103 : memref<50048x32xbf16, #tpu.memory_space<vmem_shared>>)
      %dma_wait3A_104 = arith.constant 0 : i32
      %dma_wait3A_105 = arith.constant 0 : i32
      %dma_wait3A_106 = tpu.memref_slice %arg18[%dma_wait3A_104, %dma_wait3A_105] : memref<50048x32xbf16, #tpu.memory_space<vmem_shared>> -> memref<50048x32xbf16, #tpu.memory_space<vmem_shared>>
      tpu.wait_indirect_dma semaphore(%arg22 : memref<!tpu.dma_semaphore, #tpu.memory_space<semaphore_mem>>) src(%arg17 : memref<800x32xbf16, #tpu.memory_space<vmem>>) dst(%dma_wait3A_106 : memref<50048x32xbf16, #tpu.memory_space<vmem_shared>>)
    } else {
    }
    %eq3A_15 = arith.constant 1 : i32
    %eq3A_16 = arith.cmpi eq, %arg0, %eq3A_15 : i32
    %convert_element_type3A_17 = arith.extui %eq3A_16 : i1 to i32
    %cond3A_18 = arith.constant 0 : i32
    %cond3A_19 = arith.cmpi ne, %convert_element_type3A_17, %cond3A_18 : i32
    scf.if %cond3A_19 {
      %mul3A_31 = arith.constant 19200 : i32
      %mul3A_32 = arith.muli %arg1, %mul3A_31 : i32
      %add3A_33 = arith.constant 0 : i32
      %add3A_34 = arith.addi %mul3A_32, %add3A_33 : i32
      "tpu.region"() ({
        %run_scoped3A = tpu.sem_alloc : memref<!tpu.dma_semaphore, #tpu.memory_space<semaphore_mem>>
        %dma_start3A_107 = tpu.memref_slice %arg6[%add3A_34] : memref<307200xi32, #tpu.memory_space<hbm>> -> memref<800xi32, #tpu.memory_space<hbm>>
        %dma_start3A_108 = tpu.memref_slice %arg6[%add3A_34] : memref<307200xi32, #tpu.memory_space<hbm>> -> memref<800xi32, #tpu.memory_space<hbm>>
        tpu.enqueue_dma source(%dma_start3A_108 : memref<800xi32, #tpu.memory_space<hbm>>) target(%arg12 : memref<800xi32, #tpu.memory_space<vmem>>) target_semaphore(%run_scoped3A : memref<!tpu.dma_semaphore, #tpu.memory_space<semaphore_mem>>)
        %dma_wait3A_109 = tpu.memref_slice %arg6[%add3A_34] : memref<307200xi32, #tpu.memory_space<hbm>> -> memref<800xi32, #tpu.memory_space<hbm>>
        %dma_wait3A_110 = tpu.memref_slice %arg6[%add3A_34] : memref<307200xi32, #tpu.memory_space<hbm>> -> memref<800xi32, #tpu.memory_space<hbm>>
        tpu.wait_dma2 semaphore(%run_scoped3A : memref<!tpu.dma_semaphore, #tpu.memory_space<semaphore_mem>>) src(%dma_wait3A_110 : memref<800xi32, #tpu.memory_space<hbm>>) dst(%arg12 : memref<800xi32, #tpu.memory_space<vmem>>)
        tpu.yield
      }) : () -> ()
      "tpu.region"() ({
        %run_scoped3A = tpu.sem_alloc : memref<!tpu.dma_semaphore, #tpu.memory_space<semaphore_mem>>
        %dma_start3A_107 = tpu.memref_slice %arg7[%add3A_34] : memref<307200xi32, #tpu.memory_space<hbm>> -> memref<800xi32, #tpu.memory_space<hbm>>
        %dma_start3A_108 = tpu.memref_slice %arg7[%add3A_34] : memref<307200xi32, #tpu.memory_space<hbm>> -> memref<800xi32, #tpu.memory_space<hbm>>
        tpu.enqueue_dma source(%dma_start3A_108 : memref<800xi32, #tpu.memory_space<hbm>>) target(%arg13 : memref<800xi32, #tpu.memory_space<vmem>>) target_semaphore(%run_scoped3A : memref<!tpu.dma_semaphore, #tpu.memory_space<semaphore_mem>>)
        %dma_wait3A_109 = tpu.memref_slice %arg7[%add3A_34] : memref<307200xi32, #tpu.memory_space<hbm>> -> memref<800xi32, #tpu.memory_space<hbm>>
        %dma_wait3A_110 = tpu.memref_slice %arg7[%add3A_34] : memref<307200xi32, #tpu.memory_space<hbm>> -> memref<800xi32, #tpu.memory_space<hbm>>
        tpu.wait_dma2 semaphore(%run_scoped3A : memref<!tpu.dma_semaphore, #tpu.memory_space<semaphore_mem>>) src(%dma_wait3A_110 : memref<800xi32, #tpu.memory_space<hbm>>) dst(%arg13 : memref<800xi32, #tpu.memory_space<vmem>>)
        tpu.yield
      }) : () -> ()
      %dma_start3A = arith.constant 0 : i32
      %dma_start3A_35 = arith.constant 0 : i32
      %dma_start3A_36 = tpu.memref_slice %arg3[%dma_start3A, %dma_start3A_35] : memref<50000x32xbf16, #tpu.memory_space<hbm>> -> memref<50000x32xbf16, #tpu.memory_space<hbm>>
      tpu.enqueue_indirect_dma source(%dma_start3A_36 : memref<50000x32xbf16, #tpu.memory_space<hbm>>) target(%arg16 : memref<800x32xbf16, #tpu.memory_space<vmem>>) offsets(%arg12 : memref<800xi32, #tpu.memory_space<vmem>>) semaphore(%arg19 : memref<!tpu.dma_semaphore, #tpu.memory_space<semaphore_mem>>)
      %scan3A_37 = arith.constant 0 : i32
      %scan3A_38 = arith.constant 0 : i32
      %scan3A_39 = arith.constant 11 : i32
      %scan3A_40 = arith.addi %scan3A_38, %scan3A_39 : i32
      %scan3A_41 = arith.constant 1 : i32
      scf.for %scan3A_107 = %scan3A_38 to %scan3A_40 step %scan3A_41  : i32 {
        %mul3A_108 = arith.constant 2 : i32
        %mul3A_109 = arith.muli %mul3A_108, %scan3A_107 : i32
        %gt3A = arith.constant 0 : i32
        %gt3A_110 = arith.cmpi sgt, %scan3A_107, %gt3A : i32
        %convert_element_type3A_111 = arith.extui %gt3A_110 : i1 to i32
        %cond3A_112 = arith.constant 0 : i32
        %cond3A_113 = arith.cmpi ne, %convert_element_type3A_111, %cond3A_112 : i32
        scf.if %cond3A_113 {
          %dma_wait3A_145 = arith.constant 0 : i32
          %dma_wait3A_146 = arith.constant 0 : i32
          %dma_wait3A_147 = tpu.memref_slice %arg18[%dma_wait3A_145, %dma_wait3A_146] : memref<50048x32xbf16, #tpu.memory_space<vmem_shared>> -> memref<50048x32xbf16, #tpu.memory_space<vmem_shared>>
          tpu.wait_indirect_dma semaphore(%arg22 : memref<!tpu.dma_semaphore, #tpu.memory_space<semaphore_mem>>) src(%arg17 : memref<800x32xbf16, #tpu.memory_space<vmem>>) dst(%dma_wait3A_147 : memref<50048x32xbf16, #tpu.memory_space<vmem_shared>>)
        } else {
        }
        %add3A_114 = arith.constant 1 : i32
        %add3A_115 = arith.addi %mul3A_109, %add3A_114 : i32
        %mul3A_116 = arith.constant 800 : i32
        %mul3A_117 = arith.muli %add3A_115, %mul3A_116 : i32
        %add3A_118 = arith.addi %mul3A_32, %mul3A_117 : i32
        "tpu.region"() ({
          %run_scoped3A = tpu.sem_alloc : memref<!tpu.dma_semaphore, #tpu.memory_space<semaphore_mem>>
          %dma_start3A_145 = tpu.memref_slice %arg6[%add3A_118] : memref<307200xi32, #tpu.memory_space<hbm>> -> memref<800xi32, #tpu.memory_space<hbm>>
          %dma_start3A_146 = tpu.memref_slice %arg6[%add3A_118] : memref<307200xi32, #tpu.memory_space<hbm>> -> memref<800xi32, #tpu.memory_space<hbm>>
          tpu.enqueue_dma source(%dma_start3A_146 : memref<800xi32, #tpu.memory_space<hbm>>) target(%arg14 : memref<800xi32, #tpu.memory_space<vmem>>) target_semaphore(%run_scoped3A : memref<!tpu.dma_semaphore, #tpu.memory_space<semaphore_mem>>)
          %dma_wait3A_147 = tpu.memref_slice %arg6[%add3A_118] : memref<307200xi32, #tpu.memory_space<hbm>> -> memref<800xi32, #tpu.memory_space<hbm>>
          %dma_wait3A_148 = tpu.memref_slice %arg6[%add3A_118] : memref<307200xi32, #tpu.memory_space<hbm>> -> memref<800xi32, #tpu.memory_space<hbm>>
          tpu.wait_dma2 semaphore(%run_scoped3A : memref<!tpu.dma_semaphore, #tpu.memory_space<semaphore_mem>>) src(%dma_wait3A_148 : memref<800xi32, #tpu.memory_space<hbm>>) dst(%arg14 : memref<800xi32, #tpu.memory_space<vmem>>)
          tpu.yield
        }) : () -> ()
        "tpu.region"() ({
          %run_scoped3A = tpu.sem_alloc : memref<!tpu.dma_semaphore, #tpu.memory_space<semaphore_mem>>
          %dma_start3A_145 = tpu.memref_slice %arg7[%add3A_118] : memref<307200xi32, #tpu.memory_space<hbm>> -> memref<800xi32, #tpu.memory_space<hbm>>
          %dma_start3A_146 = tpu.memref_slice %arg7[%add3A_118] : memref<307200xi32, #tpu.memory_space<hbm>> -> memref<800xi32, #tpu.memory_space<hbm>>
          tpu.enqueue_dma source(%dma_start3A_146 : memref<800xi32, #tpu.memory_space<hbm>>) target(%arg15 : memref<800xi32, #tpu.memory_space<vmem>>) target_semaphore(%run_scoped3A : memref<!tpu.dma_semaphore, #tpu.memory_space<semaphore_mem>>)
          %dma_wait3A_147 = tpu.memref_slice %arg7[%add3A_118] : memref<307200xi32, #tpu.memory_space<hbm>> -> memref<800xi32, #tpu.memory_space<hbm>>
          %dma_wait3A_148 = tpu.memref_slice %arg7[%add3A_118] : memref<307200xi32, #tpu.memory_space<hbm>> -> memref<800xi32, #tpu.memory_space<hbm>>
          tpu.wait_dma2 semaphore(%run_scoped3A : memref<!tpu.dma_semaphore, #tpu.memory_space<semaphore_mem>>) src(%dma_wait3A_148 : memref<800xi32, #tpu.memory_space<hbm>>) dst(%arg15 : memref<800xi32, #tpu.memory_space<vmem>>)
          tpu.yield
        }) : () -> ()
        %dma_start3A_119 = arith.constant 0 : i32
        %dma_start3A_120 = arith.constant 0 : i32
        %dma_start3A_121 = tpu.memref_slice %arg3[%dma_start3A_119, %dma_start3A_120] : memref<50000x32xbf16, #tpu.memory_space<hbm>> -> memref<50000x32xbf16, #tpu.memory_space<hbm>>
        tpu.enqueue_indirect_dma source(%dma_start3A_121 : memref<50000x32xbf16, #tpu.memory_space<hbm>>) target(%arg17 : memref<800x32xbf16, #tpu.memory_space<vmem>>) offsets(%arg14 : memref<800xi32, #tpu.memory_space<vmem>>) semaphore(%arg20 : memref<!tpu.dma_semaphore, #tpu.memory_space<semaphore_mem>>)
        %dma_wait3A_122 = arith.constant 0 : i32
        %dma_wait3A_123 = arith.constant 0 : i32
        %dma_wait3A_124 = tpu.memref_slice %arg3[%dma_wait3A_122, %dma_wait3A_123] : memref<50000x32xbf16, #tpu.memory_space<hbm>> -> memref<50000x32xbf16, #tpu.memory_space<hbm>>
        tpu.wait_indirect_dma semaphore(%arg19 : memref<!tpu.dma_semaphore, #tpu.memory_space<semaphore_mem>>) src(%dma_wait3A_124 : memref<50000x32xbf16, #tpu.memory_space<hbm>>) dst(%arg16 : memref<800x32xbf16, #tpu.memory_space<vmem>>)
        %dma_start3A_125 = arith.constant 0 : i32
        %dma_start3A_126 = arith.constant 0 : i32
        %dma_start3A_127 = tpu.memref_slice %arg18[%dma_start3A_125, %dma_start3A_126] : memref<50048x32xbf16, #tpu.memory_space<vmem_shared>> -> memref<50048x32xbf16, #tpu.memory_space<vmem_shared>>
        tpu.enqueue_indirect_dma source(%arg16 : memref<800x32xbf16, #tpu.memory_space<vmem>>) target(%dma_start3A_127 : memref<50048x32xbf16, #tpu.memory_space<vmem_shared>>) offsets(%arg13 : memref<800xi32, #tpu.memory_space<vmem>>) semaphore(%arg21 : memref<!tpu.dma_semaphore, #tpu.memory_space<semaphore_mem>>) {add = true}
        %dma_wait3A_128 = arith.constant 0 : i32
        %dma_wait3A_129 = arith.constant 0 : i32
        %dma_wait3A_130 = tpu.memref_slice %arg18[%dma_wait3A_128, %dma_wait3A_129] : memref<50048x32xbf16, #tpu.memory_space<vmem_shared>> -> memref<50048x32xbf16, #tpu.memory_space<vmem_shared>>
        tpu.wait_indirect_dma semaphore(%arg21 : memref<!tpu.dma_semaphore, #tpu.memory_space<semaphore_mem>>) src(%arg16 : memref<800x32xbf16, #tpu.memory_space<vmem>>) dst(%dma_wait3A_130 : memref<50048x32xbf16, #tpu.memory_space<vmem_shared>>)
        %add3A_131 = arith.constant 2 : i32
        %add3A_132 = arith.addi %mul3A_109, %add3A_131 : i32
        %mul3A_133 = arith.constant 800 : i32
        %mul3A_134 = arith.muli %add3A_132, %mul3A_133 : i32
        %add3A_135 = arith.addi %mul3A_32, %mul3A_134 : i32
        "tpu.region"() ({
          %run_scoped3A = tpu.sem_alloc : memref<!tpu.dma_semaphore, #tpu.memory_space<semaphore_mem>>
          %dma_start3A_145 = tpu.memref_slice %arg6[%add3A_135] : memref<307200xi32, #tpu.memory_space<hbm>> -> memref<800xi32, #tpu.memory_space<hbm>>
          %dma_start3A_146 = tpu.memref_slice %arg6[%add3A_135] : memref<307200xi32, #tpu.memory_space<hbm>> -> memref<800xi32, #tpu.memory_space<hbm>>
          tpu.enqueue_dma source(%dma_start3A_146 : memref<800xi32, #tpu.memory_space<hbm>>) target(%arg12 : memref<800xi32, #tpu.memory_space<vmem>>) target_semaphore(%run_scoped3A : memref<!tpu.dma_semaphore, #tpu.memory_space<semaphore_mem>>)
          %dma_wait3A_147 = tpu.memref_slice %arg6[%add3A_135] : memref<307200xi32, #tpu.memory_space<hbm>> -> memref<800xi32, #tpu.memory_space<hbm>>
          %dma_wait3A_148 = tpu.memref_slice %arg6[%add3A_135] : memref<307200xi32, #tpu.memory_space<hbm>> -> memref<800xi32, #tpu.memory_space<hbm>>
          tpu.wait_dma2 semaphore(%run_scoped3A : memref<!tpu.dma_semaphore, #tpu.memory_space<semaphore_mem>>) src(%dma_wait3A_148 : memref<800xi32, #tpu.memory_space<hbm>>) dst(%arg12 : memref<800xi32, #tpu.memory_space<vmem>>)
          tpu.yield
        }) : () -> ()
        "tpu.region"() ({
          %run_scoped3A = tpu.sem_alloc : memref<!tpu.dma_semaphore, #tpu.memory_space<semaphore_mem>>
          %dma_start3A_145 = tpu.memref_slice %arg7[%add3A_135] : memref<307200xi32, #tpu.memory_space<hbm>> -> memref<800xi32, #tpu.memory_space<hbm>>
          %dma_start3A_146 = tpu.memref_slice %arg7[%add3A_135] : memref<307200xi32, #tpu.memory_space<hbm>> -> memref<800xi32, #tpu.memory_space<hbm>>
          tpu.enqueue_dma source(%dma_start3A_146 : memref<800xi32, #tpu.memory_space<hbm>>) target(%arg13 : memref<800xi32, #tpu.memory_space<vmem>>) target_semaphore(%run_scoped3A : memref<!tpu.dma_semaphore, #tpu.memory_space<semaphore_mem>>)
          %dma_wait3A_147 = tpu.memref_slice %arg7[%add3A_135] : memref<307200xi32, #tpu.memory_space<hbm>> -> memref<800xi32, #tpu.memory_space<hbm>>
          %dma_wait3A_148 = tpu.memref_slice %arg7[%add3A_135] : memref<307200xi32, #tpu.memory_space<hbm>> -> memref<800xi32, #tpu.memory_space<hbm>>
          tpu.wait_dma2 semaphore(%run_scoped3A : memref<!tpu.dma_semaphore, #tpu.memory_space<semaphore_mem>>) src(%dma_wait3A_148 : memref<800xi32, #tpu.memory_space<hbm>>) dst(%arg13 : memref<800xi32, #tpu.memory_space<vmem>>)
          tpu.yield
        }) : () -> ()
        %dma_start3A_136 = arith.constant 0 : i32
        %dma_start3A_137 = arith.constant 0 : i32
        %dma_start3A_138 = tpu.memref_slice %arg3[%dma_start3A_136, %dma_start3A_137] : memref<50000x32xbf16, #tpu.memory_space<hbm>> -> memref<50000x32xbf16, #tpu.memory_space<hbm>>
        tpu.enqueue_indirect_dma source(%dma_start3A_138 : memref<50000x32xbf16, #tpu.memory_space<hbm>>) target(%arg16 : memref<800x32xbf16, #tpu.memory_space<vmem>>) offsets(%arg12 : memref<800xi32, #tpu.memory_space<vmem>>) semaphore(%arg19 : memref<!tpu.dma_semaphore, #tpu.memory_space<semaphore_mem>>)
        %dma_wait3A_139 = arith.constant 0 : i32
        %dma_wait3A_140 = arith.constant 0 : i32
        %dma_wait3A_141 = tpu.memref_slice %arg3[%dma_wait3A_139, %dma_wait3A_140] : memref<50000x32xbf16, #tpu.memory_space<hbm>> -> memref<50000x32xbf16, #tpu.memory_space<hbm>>
        tpu.wait_indirect_dma semaphore(%arg20 : memref<!tpu.dma_semaphore, #tpu.memory_space<semaphore_mem>>) src(%dma_wait3A_141 : memref<50000x32xbf16, #tpu.memory_space<hbm>>) dst(%arg17 : memref<800x32xbf16, #tpu.memory_space<vmem>>)
        %dma_start3A_142 = arith.constant 0 : i32
        %dma_start3A_143 = arith.constant 0 : i32
        %dma_start3A_144 = tpu.memref_slice %arg18[%dma_start3A_142, %dma_start3A_143] : memref<50048x32xbf16, #tpu.memory_space<vmem_shared>> -> memref<50048x32xbf16, #tpu.memory_space<vmem_shared>>
        tpu.enqueue_indirect_dma source(%arg17 : memref<800x32xbf16, #tpu.memory_space<vmem>>) target(%dma_start3A_144 : memref<50048x32xbf16, #tpu.memory_space<vmem_shared>>) offsets(%arg15 : memref<800xi32, #tpu.memory_space<vmem>>) semaphore(%arg22 : memref<!tpu.dma_semaphore, #tpu.memory_space<semaphore_mem>>) {add = true}
      }
      %scan3A_42 = arith.constant 11 : i32
      %dma_wait3A = arith.constant 0 : i32
      %dma_wait3A_43 = arith.constant 0 : i32
      %dma_wait3A_44 = tpu.memref_slice %arg18[%dma_wait3A, %dma_wait3A_43] : memref<50048x32xbf16, #tpu.memory_space<vmem_shared>> -> memref<50048x32xbf16, #tpu.memory_space<vmem_shared>>
      tpu.wait_indirect_dma semaphore(%arg22 : memref<!tpu.dma_semaphore, #tpu.memory_space<semaphore_mem>>) src(%arg17 : memref<800x32xbf16, #tpu.memory_space<vmem>>) dst(%dma_wait3A_44 : memref<50048x32xbf16, #tpu.memory_space<vmem_shared>>)
      %add3A_45 = arith.constant 18400 : i32
      %add3A_46 = arith.addi %mul3A_32, %add3A_45 : i32
      "tpu.region"() ({
        %run_scoped3A = tpu.sem_alloc : memref<!tpu.dma_semaphore, #tpu.memory_space<semaphore_mem>>
        %dma_start3A_107 = tpu.memref_slice %arg6[%add3A_46] : memref<307200xi32, #tpu.memory_space<hbm>> -> memref<800xi32, #tpu.memory_space<hbm>>
        %dma_start3A_108 = tpu.memref_slice %arg6[%add3A_46] : memref<307200xi32, #tpu.memory_space<hbm>> -> memref<800xi32, #tpu.memory_space<hbm>>
        tpu.enqueue_dma source(%dma_start3A_108 : memref<800xi32, #tpu.memory_space<hbm>>) target(%arg14 : memref<800xi32, #tpu.memory_space<vmem>>) target_semaphore(%run_scoped3A : memref<!tpu.dma_semaphore, #tpu.memory_space<semaphore_mem>>)
        %dma_wait3A_109 = tpu.memref_slice %arg6[%add3A_46] : memref<307200xi32, #tpu.memory_space<hbm>> -> memref<800xi32, #tpu.memory_space<hbm>>
        %dma_wait3A_110 = tpu.memref_slice %arg6[%add3A_46] : memref<307200xi32, #tpu.memory_space<hbm>> -> memref<800xi32, #tpu.memory_space<hbm>>
        tpu.wait_dma2 semaphore(%run_scoped3A : memref<!tpu.dma_semaphore, #tpu.memory_space<semaphore_mem>>) src(%dma_wait3A_110 : memref<800xi32, #tpu.memory_space<hbm>>) dst(%arg14 : memref<800xi32, #tpu.memory_space<vmem>>)
        tpu.yield
      }) : () -> ()
      "tpu.region"() ({
        %run_scoped3A = tpu.sem_alloc : memref<!tpu.dma_semaphore, #tpu.memory_space<semaphore_mem>>
        %dma_start3A_107 = tpu.memref_slice %arg7[%add3A_46] : memref<307200xi32, #tpu.memory_space<hbm>> -> memref<800xi32, #tpu.memory_space<hbm>>
        %dma_start3A_108 = tpu.memref_slice %arg7[%add3A_46] : memref<307200xi32, #tpu.memory_space<hbm>> -> memref<800xi32, #tpu.memory_space<hbm>>
        tpu.enqueue_dma source(%dma_start3A_108 : memref<800xi32, #tpu.memory_space<hbm>>) target(%arg15 : memref<800xi32, #tpu.memory_space<vmem>>) target_semaphore(%run_scoped3A : memref<!tpu.dma_semaphore, #tpu.memory_space<semaphore_mem>>)
        %dma_wait3A_109 = tpu.memref_slice %arg7[%add3A_46] : memref<307200xi32, #tpu.memory_space<hbm>> -> memref<800xi32, #tpu.memory_space<hbm>>
        %dma_wait3A_110 = tpu.memref_slice %arg7[%add3A_46] : memref<307200xi32, #tpu.memory_space<hbm>> -> memref<800xi32, #tpu.memory_space<hbm>>
        tpu.wait_dma2 semaphore(%run_scoped3A : memref<!tpu.dma_semaphore, #tpu.memory_space<semaphore_mem>>) src(%dma_wait3A_110 : memref<800xi32, #tpu.memory_space<hbm>>) dst(%arg15 : memref<800xi32, #tpu.memory_space<vmem>>)
        tpu.yield
      }) : () -> ()
      %dma_start3A_47 = arith.constant 0 : i32
      %dma_start3A_48 = arith.constant 0 : i32
      %dma_start3A_49 = tpu.memref_slice %arg3[%dma_start3A_47, %dma_start3A_48] : memref<50000x32xbf16, #tpu.memory_space<hbm>> -> memref<50000x32xbf16, #tpu.memory_space<hbm>>
      tpu.enqueue_indirect_dma source(%dma_start3A_49 : memref<50000x32xbf16, #tpu.memory_space<hbm>>) target(%arg17 : memref<800x32xbf16, #tpu.memory_space<vmem>>) offsets(%arg14 : memref<800xi32, #tpu.memory_space<vmem>>) semaphore(%arg20 : memref<!tpu.dma_semaphore, #tpu.memory_space<semaphore_mem>>)
      %dma_wait3A_50 = arith.constant 0 : i32
      %dma_wait3A_51 = arith.constant 0 : i32
      %dma_wait3A_52 = tpu.memref_slice %arg3[%dma_wait3A_50, %dma_wait3A_51] : memref<50000x32xbf16, #tpu.memory_space<hbm>> -> memref<50000x32xbf16, #tpu.memory_space<hbm>>
      tpu.wait_indirect_dma semaphore(%arg19 : memref<!tpu.dma_semaphore, #tpu.memory_space<semaphore_mem>>) src(%dma_wait3A_52 : memref<50000x32xbf16, #tpu.memory_space<hbm>>) dst(%arg16 : memref<800x32xbf16, #tpu.memory_space<vmem>>)
      %dma_start3A_53 = arith.constant 0 : i32
      %dma_start3A_54 = arith.constant 0 : i32
      %dma_start3A_55 = tpu.memref_slice %arg18[%dma_start3A_53, %dma_start3A_54] : memref<50048x32xbf16, #tpu.memory_space<vmem_shared>> -> memref<50048x32xbf16, #tpu.memory_space<vmem_shared>>
      tpu.enqueue_indirect_dma source(%arg16 : memref<800x32xbf16, #tpu.memory_space<vmem>>) target(%dma_start3A_55 : memref<50048x32xbf16, #tpu.memory_space<vmem_shared>>) offsets(%arg13 : memref<800xi32, #tpu.memory_space<vmem>>) semaphore(%arg21 : memref<!tpu.dma_semaphore, #tpu.memory_space<semaphore_mem>>) {add = true}
      %dma_wait3A_56 = arith.constant 0 : i32
      %dma_wait3A_57 = arith.constant 0 : i32
      %dma_wait3A_58 = tpu.memref_slice %arg3[%dma_wait3A_56, %dma_wait3A_57] : memref<50000x32xbf16, #tpu.memory_space<hbm>> -> memref<50000x32xbf16, #tpu.memory_space<hbm>>
      tpu.wait_indirect_dma semaphore(%arg20 : memref<!tpu.dma_semaphore, #tpu.memory_space<semaphore_mem>>) src(%dma_wait3A_58 : memref<50000x32xbf16, #tpu.memory_space<hbm>>) dst(%arg17 : memref<800x32xbf16, #tpu.memory_space<vmem>>)
      %dma_start3A_59 = arith.constant 0 : i32
      %dma_start3A_60 = arith.constant 0 : i32
      %dma_start3A_61 = tpu.memref_slice %arg18[%dma_start3A_59, %dma_start3A_60] : memref<50048x32xbf16, #tpu.memory_space<vmem_shared>> -> memref<50048x32xbf16, #tpu.memory_space<vmem_shared>>
      tpu.enqueue_indirect_dma source(%arg17 : memref<800x32xbf16, #tpu.memory_space<vmem>>) target(%dma_start3A_61 : memref<50048x32xbf16, #tpu.memory_space<vmem_shared>>) offsets(%arg15 : memref<800xi32, #tpu.memory_space<vmem>>) semaphore(%arg22 : memref<!tpu.dma_semaphore, #tpu.memory_space<semaphore_mem>>) {add = true}
      %dma_wait3A_62 = arith.constant 0 : i32
      %dma_wait3A_63 = arith.constant 0 : i32
      %dma_wait3A_64 = tpu.memref_slice %arg18[%dma_wait3A_62, %dma_wait3A_63] : memref<50048x32xbf16, #tpu.memory_space<vmem_shared>> -> memref<50048x32xbf16, #tpu.memory_space<vmem_shared>>
      tpu.wait_indirect_dma semaphore(%arg21 : memref<!tpu.dma_semaphore, #tpu.memory_space<semaphore_mem>>) src(%arg16 : memref<800x32xbf16, #tpu.memory_space<vmem>>) dst(%dma_wait3A_64 : memref<50048x32xbf16, #tpu.memory_space<vmem_shared>>)
      %dma_wait3A_65 = arith.constant 0 : i32
      %dma_wait3A_66 = arith.constant 0 : i32
      %dma_wait3A_67 = tpu.memref_slice %arg18[%dma_wait3A_65, %dma_wait3A_66] : memref<50048x32xbf16, #tpu.memory_space<vmem_shared>> -> memref<50048x32xbf16, #tpu.memory_space<vmem_shared>>
      tpu.wait_indirect_dma semaphore(%arg22 : memref<!tpu.dma_semaphore, #tpu.memory_space<semaphore_mem>>) src(%arg17 : memref<800x32xbf16, #tpu.memory_space<vmem>>) dst(%dma_wait3A_67 : memref<50048x32xbf16, #tpu.memory_space<vmem_shared>>)
      %mul3A_68 = arith.constant 19200 : i32
      %mul3A_69 = arith.muli %arg1, %mul3A_68 : i32
      %add3A_70 = arith.constant 0 : i32
      %add3A_71 = arith.addi %mul3A_69, %add3A_70 : i32
      "tpu.region"() ({
        %run_scoped3A = tpu.sem_alloc : memref<!tpu.dma_semaphore, #tpu.memory_space<semaphore_mem>>
        %dma_start3A_107 = tpu.memref_slice %arg8[%add3A_71] : memref<307200xi32, #tpu.memory_space<hbm>> -> memref<800xi32, #tpu.memory_space<hbm>>
        %dma_start3A_108 = tpu.memref_slice %arg8[%add3A_71] : memref<307200xi32, #tpu.memory_space<hbm>> -> memref<800xi32, #tpu.memory_space<hbm>>
        tpu.enqueue_dma source(%dma_start3A_108 : memref<800xi32, #tpu.memory_space<hbm>>) target(%arg12 : memref<800xi32, #tpu.memory_space<vmem>>) target_semaphore(%run_scoped3A : memref<!tpu.dma_semaphore, #tpu.memory_space<semaphore_mem>>)
        %dma_wait3A_109 = tpu.memref_slice %arg8[%add3A_71] : memref<307200xi32, #tpu.memory_space<hbm>> -> memref<800xi32, #tpu.memory_space<hbm>>
        %dma_wait3A_110 = tpu.memref_slice %arg8[%add3A_71] : memref<307200xi32, #tpu.memory_space<hbm>> -> memref<800xi32, #tpu.memory_space<hbm>>
        tpu.wait_dma2 semaphore(%run_scoped3A : memref<!tpu.dma_semaphore, #tpu.memory_space<semaphore_mem>>) src(%dma_wait3A_110 : memref<800xi32, #tpu.memory_space<hbm>>) dst(%arg12 : memref<800xi32, #tpu.memory_space<vmem>>)
        tpu.yield
      }) : () -> ()
      "tpu.region"() ({
        %run_scoped3A = tpu.sem_alloc : memref<!tpu.dma_semaphore, #tpu.memory_space<semaphore_mem>>
        %dma_start3A_107 = tpu.memref_slice %arg9[%add3A_71] : memref<307200xi32, #tpu.memory_space<hbm>> -> memref<800xi32, #tpu.memory_space<hbm>>
        %dma_start3A_108 = tpu.memref_slice %arg9[%add3A_71] : memref<307200xi32, #tpu.memory_space<hbm>> -> memref<800xi32, #tpu.memory_space<hbm>>
        tpu.enqueue_dma source(%dma_start3A_108 : memref<800xi32, #tpu.memory_space<hbm>>) target(%arg13 : memref<800xi32, #tpu.memory_space<vmem>>) target_semaphore(%run_scoped3A : memref<!tpu.dma_semaphore, #tpu.memory_space<semaphore_mem>>)
        %dma_wait3A_109 = tpu.memref_slice %arg9[%add3A_71] : memref<307200xi32, #tpu.memory_space<hbm>> -> memref<800xi32, #tpu.memory_space<hbm>>
        %dma_wait3A_110 = tpu.memref_slice %arg9[%add3A_71] : memref<307200xi32, #tpu.memory_space<hbm>> -> memref<800xi32, #tpu.memory_space<hbm>>
        tpu.wait_dma2 semaphore(%run_scoped3A : memref<!tpu.dma_semaphore, #tpu.memory_space<semaphore_mem>>) src(%dma_wait3A_110 : memref<800xi32, #tpu.memory_space<hbm>>) dst(%arg13 : memref<800xi32, #tpu.memory_space<vmem>>)
        tpu.yield
      }) : () -> ()
      %dma_start3A_72 = arith.constant 0 : i32
      %dma_start3A_73 = arith.constant 0 : i32
      %dma_start3A_74 = tpu.memref_slice %arg5[%dma_start3A_72, %dma_start3A_73] : memref<10000x32xbf16, #tpu.memory_space<hbm>> -> memref<10000x32xbf16, #tpu.memory_space<hbm>>
      tpu.enqueue_indirect_dma source(%dma_start3A_74 : memref<10000x32xbf16, #tpu.memory_space<hbm>>) target(%arg16 : memref<800x32xbf16, #tpu.memory_space<vmem>>) offsets(%arg12 : memref<800xi32, #tpu.memory_space<vmem>>) semaphore(%arg19 : memref<!tpu.dma_semaphore, #tpu.memory_space<semaphore_mem>>)
      %scan3A_75 = arith.constant 0 : i32
      %scan3A_76 = arith.constant 0 : i32
      %scan3A_77 = arith.constant 11 : i32
      %scan3A_78 = arith.addi %scan3A_76, %scan3A_77 : i32
      %scan3A_79 = arith.constant 1 : i32
      scf.for %scan3A_107 = %scan3A_76 to %scan3A_78 step %scan3A_79  : i32 {
        %mul3A_108 = arith.constant 2 : i32
        %mul3A_109 = arith.muli %mul3A_108, %scan3A_107 : i32
        %gt3A = arith.constant 0 : i32
        %gt3A_110 = arith.cmpi sgt, %scan3A_107, %gt3A : i32
        %convert_element_type3A_111 = arith.extui %gt3A_110 : i1 to i32
        %cond3A_112 = arith.constant 0 : i32
        %cond3A_113 = arith.cmpi ne, %convert_element_type3A_111, %cond3A_112 : i32
        scf.if %cond3A_113 {
          %dma_wait3A_145 = arith.constant 0 : i32
          %dma_wait3A_146 = arith.constant 0 : i32
          %dma_wait3A_147 = tpu.memref_slice %arg18[%dma_wait3A_145, %dma_wait3A_146] : memref<50048x32xbf16, #tpu.memory_space<vmem_shared>> -> memref<50048x32xbf16, #tpu.memory_space<vmem_shared>>
          tpu.wait_indirect_dma semaphore(%arg22 : memref<!tpu.dma_semaphore, #tpu.memory_space<semaphore_mem>>) src(%arg17 : memref<800x32xbf16, #tpu.memory_space<vmem>>) dst(%dma_wait3A_147 : memref<50048x32xbf16, #tpu.memory_space<vmem_shared>>)
        } else {
        }
        %add3A_114 = arith.constant 1 : i32
        %add3A_115 = arith.addi %mul3A_109, %add3A_114 : i32
        %mul3A_116 = arith.constant 800 : i32
        %mul3A_117 = arith.muli %add3A_115, %mul3A_116 : i32
        %add3A_118 = arith.addi %mul3A_69, %mul3A_117 : i32
        "tpu.region"() ({
          %run_scoped3A = tpu.sem_alloc : memref<!tpu.dma_semaphore, #tpu.memory_space<semaphore_mem>>
          %dma_start3A_145 = tpu.memref_slice %arg8[%add3A_118] : memref<307200xi32, #tpu.memory_space<hbm>> -> memref<800xi32, #tpu.memory_space<hbm>>
          %dma_start3A_146 = tpu.memref_slice %arg8[%add3A_118] : memref<307200xi32, #tpu.memory_space<hbm>> -> memref<800xi32, #tpu.memory_space<hbm>>
          tpu.enqueue_dma source(%dma_start3A_146 : memref<800xi32, #tpu.memory_space<hbm>>) target(%arg14 : memref<800xi32, #tpu.memory_space<vmem>>) target_semaphore(%run_scoped3A : memref<!tpu.dma_semaphore, #tpu.memory_space<semaphore_mem>>)
          %dma_wait3A_147 = tpu.memref_slice %arg8[%add3A_118] : memref<307200xi32, #tpu.memory_space<hbm>> -> memref<800xi32, #tpu.memory_space<hbm>>
          %dma_wait3A_148 = tpu.memref_slice %arg8[%add3A_118] : memref<307200xi32, #tpu.memory_space<hbm>> -> memref<800xi32, #tpu.memory_space<hbm>>
          tpu.wait_dma2 semaphore(%run_scoped3A : memref<!tpu.dma_semaphore, #tpu.memory_space<semaphore_mem>>) src(%dma_wait3A_148 : memref<800xi32, #tpu.memory_space<hbm>>) dst(%arg14 : memref<800xi32, #tpu.memory_space<vmem>>)
          tpu.yield
        }) : () -> ()
        "tpu.region"() ({
          %run_scoped3A = tpu.sem_alloc : memref<!tpu.dma_semaphore, #tpu.memory_space<semaphore_mem>>
          %dma_start3A_145 = tpu.memref_slice %arg9[%add3A_118] : memref<307200xi32, #tpu.memory_space<hbm>> -> memref<800xi32, #tpu.memory_space<hbm>>
          %dma_start3A_146 = tpu.memref_slice %arg9[%add3A_118] : memref<307200xi32, #tpu.memory_space<hbm>> -> memref<800xi32, #tpu.memory_space<hbm>>
          tpu.enqueue_dma source(%dma_start3A_146 : memref<800xi32, #tpu.memory_space<hbm>>) target(%arg15 : memref<800xi32, #tpu.memory_space<vmem>>) target_semaphore(%run_scoped3A : memref<!tpu.dma_semaphore, #tpu.memory_space<semaphore_mem>>)
          %dma_wait3A_147 = tpu.memref_slice %arg9[%add3A_118] : memref<307200xi32, #tpu.memory_space<hbm>> -> memref<800xi32, #tpu.memory_space<hbm>>
          %dma_wait3A_148 = tpu.memref_slice %arg9[%add3A_118] : memref<307200xi32, #tpu.memory_space<hbm>> -> memref<800xi32, #tpu.memory_space<hbm>>
          tpu.wait_dma2 semaphore(%run_scoped3A : memref<!tpu.dma_semaphore, #tpu.memory_space<semaphore_mem>>) src(%dma_wait3A_148 : memref<800xi32, #tpu.memory_space<hbm>>) dst(%arg15 : memref<800xi32, #tpu.memory_space<vmem>>)
          tpu.yield
        }) : () -> ()
        %dma_start3A_119 = arith.constant 0 : i32
        %dma_start3A_120 = arith.constant 0 : i32
        %dma_start3A_121 = tpu.memref_slice %arg5[%dma_start3A_119, %dma_start3A_120] : memref<10000x32xbf16, #tpu.memory_space<hbm>> -> memref<10000x32xbf16, #tpu.memory_space<hbm>>
        tpu.enqueue_indirect_dma source(%dma_start3A_121 : memref<10000x32xbf16, #tpu.memory_space<hbm>>) target(%arg17 : memref<800x32xbf16, #tpu.memory_space<vmem>>) offsets(%arg14 : memref<800xi32, #tpu.memory_space<vmem>>) semaphore(%arg20 : memref<!tpu.dma_semaphore, #tpu.memory_space<semaphore_mem>>)
        %dma_wait3A_122 = arith.constant 0 : i32
        %dma_wait3A_123 = arith.constant 0 : i32
        %dma_wait3A_124 = tpu.memref_slice %arg5[%dma_wait3A_122, %dma_wait3A_123] : memref<10000x32xbf16, #tpu.memory_space<hbm>> -> memref<10000x32xbf16, #tpu.memory_space<hbm>>
        tpu.wait_indirect_dma semaphore(%arg19 : memref<!tpu.dma_semaphore, #tpu.memory_space<semaphore_mem>>) src(%dma_wait3A_124 : memref<10000x32xbf16, #tpu.memory_space<hbm>>) dst(%arg16 : memref<800x32xbf16, #tpu.memory_space<vmem>>)
        %dma_start3A_125 = arith.constant 0 : i32
        %dma_start3A_126 = arith.constant 0 : i32
        %dma_start3A_127 = tpu.memref_slice %arg18[%dma_start3A_125, %dma_start3A_126] : memref<50048x32xbf16, #tpu.memory_space<vmem_shared>> -> memref<50048x32xbf16, #tpu.memory_space<vmem_shared>>
        tpu.enqueue_indirect_dma source(%arg16 : memref<800x32xbf16, #tpu.memory_space<vmem>>) target(%dma_start3A_127 : memref<50048x32xbf16, #tpu.memory_space<vmem_shared>>) offsets(%arg13 : memref<800xi32, #tpu.memory_space<vmem>>) semaphore(%arg21 : memref<!tpu.dma_semaphore, #tpu.memory_space<semaphore_mem>>) {add = true}
        %dma_wait3A_128 = arith.constant 0 : i32
        %dma_wait3A_129 = arith.constant 0 : i32
        %dma_wait3A_130 = tpu.memref_slice %arg18[%dma_wait3A_128, %dma_wait3A_129] : memref<50048x32xbf16, #tpu.memory_space<vmem_shared>> -> memref<50048x32xbf16, #tpu.memory_space<vmem_shared>>
        tpu.wait_indirect_dma semaphore(%arg21 : memref<!tpu.dma_semaphore, #tpu.memory_space<semaphore_mem>>) src(%arg16 : memref<800x32xbf16, #tpu.memory_space<vmem>>) dst(%dma_wait3A_130 : memref<50048x32xbf16, #tpu.memory_space<vmem_shared>>)
        %add3A_131 = arith.constant 2 : i32
        %add3A_132 = arith.addi %mul3A_109, %add3A_131 : i32
        %mul3A_133 = arith.constant 800 : i32
        %mul3A_134 = arith.muli %add3A_132, %mul3A_133 : i32
        %add3A_135 = arith.addi %mul3A_69, %mul3A_134 : i32
        "tpu.region"() ({
          %run_scoped3A = tpu.sem_alloc : memref<!tpu.dma_semaphore, #tpu.memory_space<semaphore_mem>>
          %dma_start3A_145 = tpu.memref_slice %arg8[%add3A_135] : memref<307200xi32, #tpu.memory_space<hbm>> -> memref<800xi32, #tpu.memory_space<hbm>>
          %dma_start3A_146 = tpu.memref_slice %arg8[%add3A_135] : memref<307200xi32, #tpu.memory_space<hbm>> -> memref<800xi32, #tpu.memory_space<hbm>>
          tpu.enqueue_dma source(%dma_start3A_146 : memref<800xi32, #tpu.memory_space<hbm>>) target(%arg12 : memref<800xi32, #tpu.memory_space<vmem>>) target_semaphore(%run_scoped3A : memref<!tpu.dma_semaphore, #tpu.memory_space<semaphore_mem>>)
          %dma_wait3A_147 = tpu.memref_slice %arg8[%add3A_135] : memref<307200xi32, #tpu.memory_space<hbm>> -> memref<800xi32, #tpu.memory_space<hbm>>
          %dma_wait3A_148 = tpu.memref_slice %arg8[%add3A_135] : memref<307200xi32, #tpu.memory_space<hbm>> -> memref<800xi32, #tpu.memory_space<hbm>>
          tpu.wait_dma2 semaphore(%run_scoped3A : memref<!tpu.dma_semaphore, #tpu.memory_space<semaphore_mem>>) src(%dma_wait3A_148 : memref<800xi32, #tpu.memory_space<hbm>>) dst(%arg12 : memref<800xi32, #tpu.memory_space<vmem>>)
          tpu.yield
        }) : () -> ()
        "tpu.region"() ({
          %run_scoped3A = tpu.sem_alloc : memref<!tpu.dma_semaphore, #tpu.memory_space<semaphore_mem>>
          %dma_start3A_145 = tpu.memref_slice %arg9[%add3A_135] : memref<307200xi32, #tpu.memory_space<hbm>> -> memref<800xi32, #tpu.memory_space<hbm>>
          %dma_start3A_146 = tpu.memref_slice %arg9[%add3A_135] : memref<307200xi32, #tpu.memory_space<hbm>> -> memref<800xi32, #tpu.memory_space<hbm>>
          tpu.enqueue_dma source(%dma_start3A_146 : memref<800xi32, #tpu.memory_space<hbm>>) target(%arg13 : memref<800xi32, #tpu.memory_space<vmem>>) target_semaphore(%run_scoped3A : memref<!tpu.dma_semaphore, #tpu.memory_space<semaphore_mem>>)
          %dma_wait3A_147 = tpu.memref_slice %arg9[%add3A_135] : memref<307200xi32, #tpu.memory_space<hbm>> -> memref<800xi32, #tpu.memory_space<hbm>>
          %dma_wait3A_148 = tpu.memref_slice %arg9[%add3A_135] : memref<307200xi32, #tpu.memory_space<hbm>> -> memref<800xi32, #tpu.memory_space<hbm>>
          tpu.wait_dma2 semaphore(%run_scoped3A : memref<!tpu.dma_semaphore, #tpu.memory_space<semaphore_mem>>) src(%dma_wait3A_148 : memref<800xi32, #tpu.memory_space<hbm>>) dst(%arg13 : memref<800xi32, #tpu.memory_space<vmem>>)
          tpu.yield
        }) : () -> ()
        %dma_start3A_136 = arith.constant 0 : i32
        %dma_start3A_137 = arith.constant 0 : i32
        %dma_start3A_138 = tpu.memref_slice %arg5[%dma_start3A_136, %dma_start3A_137] : memref<10000x32xbf16, #tpu.memory_space<hbm>> -> memref<10000x32xbf16, #tpu.memory_space<hbm>>
        tpu.enqueue_indirect_dma source(%dma_start3A_138 : memref<10000x32xbf16, #tpu.memory_space<hbm>>) target(%arg16 : memref<800x32xbf16, #tpu.memory_space<vmem>>) offsets(%arg12 : memref<800xi32, #tpu.memory_space<vmem>>) semaphore(%arg19 : memref<!tpu.dma_semaphore, #tpu.memory_space<semaphore_mem>>)
        %dma_wait3A_139 = arith.constant 0 : i32
        %dma_wait3A_140 = arith.constant 0 : i32
        %dma_wait3A_141 = tpu.memref_slice %arg5[%dma_wait3A_139, %dma_wait3A_140] : memref<10000x32xbf16, #tpu.memory_space<hbm>> -> memref<10000x32xbf16, #tpu.memory_space<hbm>>
        tpu.wait_indirect_dma semaphore(%arg20 : memref<!tpu.dma_semaphore, #tpu.memory_space<semaphore_mem>>) src(%dma_wait3A_141 : memref<10000x32xbf16, #tpu.memory_space<hbm>>) dst(%arg17 : memref<800x32xbf16, #tpu.memory_space<vmem>>)
        %dma_start3A_142 = arith.constant 0 : i32
        %dma_start3A_143 = arith.constant 0 : i32
        %dma_start3A_144 = tpu.memref_slice %arg18[%dma_start3A_142, %dma_start3A_143] : memref<50048x32xbf16, #tpu.memory_space<vmem_shared>> -> memref<50048x32xbf16, #tpu.memory_space<vmem_shared>>
        tpu.enqueue_indirect_dma source(%arg17 : memref<800x32xbf16, #tpu.memory_space<vmem>>) target(%dma_start3A_144 : memref<50048x32xbf16, #tpu.memory_space<vmem_shared>>) offsets(%arg15 : memref<800xi32, #tpu.memory_space<vmem>>) semaphore(%arg22 : memref<!tpu.dma_semaphore, #tpu.memory_space<semaphore_mem>>) {add = true}
      }
      %scan3A_80 = arith.constant 11 : i32
      %dma_wait3A_81 = arith.constant 0 : i32
      %dma_wait3A_82 = arith.constant 0 : i32
      %dma_wait3A_83 = tpu.memref_slice %arg18[%dma_wait3A_81, %dma_wait3A_82] : memref<50048x32xbf16, #tpu.memory_space<vmem_shared>> -> memref<50048x32xbf16, #tpu.memory_space<vmem_shared>>
      tpu.wait_indirect_dma semaphore(%arg22 : memref<!tpu.dma_semaphore, #tpu.memory_space<semaphore_mem>>) src(%arg17 : memref<800x32xbf16, #tpu.memory_space<vmem>>) dst(%dma_wait3A_83 : memref<50048x32xbf16, #tpu.memory_space<vmem_shared>>)
      %add3A_84 = arith.constant 18400 : i32
      %add3A_85 = arith.addi %mul3A_69, %add3A_84 : i32
      "tpu.region"() ({
        %run_scoped3A = tpu.sem_alloc : memref<!tpu.dma_semaphore, #tpu.memory_space<semaphore_mem>>
        %dma_start3A_107 = tpu.memref_slice %arg8[%add3A_85] : memref<307200xi32, #tpu.memory_space<hbm>> -> memref<800xi32, #tpu.memory_space<hbm>>
        %dma_start3A_108 = tpu.memref_slice %arg8[%add3A_85] : memref<307200xi32, #tpu.memory_space<hbm>> -> memref<800xi32, #tpu.memory_space<hbm>>
        tpu.enqueue_dma source(%dma_start3A_108 : memref<800xi32, #tpu.memory_space<hbm>>) target(%arg14 : memref<800xi32, #tpu.memory_space<vmem>>) target_semaphore(%run_scoped3A : memref<!tpu.dma_semaphore, #tpu.memory_space<semaphore_mem>>)
        %dma_wait3A_109 = tpu.memref_slice %arg8[%add3A_85] : memref<307200xi32, #tpu.memory_space<hbm>> -> memref<800xi32, #tpu.memory_space<hbm>>
        %dma_wait3A_110 = tpu.memref_slice %arg8[%add3A_85] : memref<307200xi32, #tpu.memory_space<hbm>> -> memref<800xi32, #tpu.memory_space<hbm>>
        tpu.wait_dma2 semaphore(%run_scoped3A : memref<!tpu.dma_semaphore, #tpu.memory_space<semaphore_mem>>) src(%dma_wait3A_110 : memref<800xi32, #tpu.memory_space<hbm>>) dst(%arg14 : memref<800xi32, #tpu.memory_space<vmem>>)
        tpu.yield
      }) : () -> ()
      "tpu.region"() ({
        %run_scoped3A = tpu.sem_alloc : memref<!tpu.dma_semaphore, #tpu.memory_space<semaphore_mem>>
        %dma_start3A_107 = tpu.memref_slice %arg9[%add3A_85] : memref<307200xi32, #tpu.memory_space<hbm>> -> memref<800xi32, #tpu.memory_space<hbm>>
        %dma_start3A_108 = tpu.memref_slice %arg9[%add3A_85] : memref<307200xi32, #tpu.memory_space<hbm>> -> memref<800xi32, #tpu.memory_space<hbm>>
        tpu.enqueue_dma source(%dma_start3A_108 : memref<800xi32, #tpu.memory_space<hbm>>) target(%arg15 : memref<800xi32, #tpu.memory_space<vmem>>) target_semaphore(%run_scoped3A : memref<!tpu.dma_semaphore, #tpu.memory_space<semaphore_mem>>)
        %dma_wait3A_109 = tpu.memref_slice %arg9[%add3A_85] : memref<307200xi32, #tpu.memory_space<hbm>> -> memref<800xi32, #tpu.memory_space<hbm>>
        %dma_wait3A_110 = tpu.memref_slice %arg9[%add3A_85] : memref<307200xi32, #tpu.memory_space<hbm>> -> memref<800xi32, #tpu.memory_space<hbm>>
        tpu.wait_dma2 semaphore(%run_scoped3A : memref<!tpu.dma_semaphore, #tpu.memory_space<semaphore_mem>>) src(%dma_wait3A_110 : memref<800xi32, #tpu.memory_space<hbm>>) dst(%arg15 : memref<800xi32, #tpu.memory_space<vmem>>)
        tpu.yield
      }) : () -> ()
      %dma_start3A_86 = arith.constant 0 : i32
      %dma_start3A_87 = arith.constant 0 : i32
      %dma_start3A_88 = tpu.memref_slice %arg5[%dma_start3A_86, %dma_start3A_87] : memref<10000x32xbf16, #tpu.memory_space<hbm>> -> memref<10000x32xbf16, #tpu.memory_space<hbm>>
      tpu.enqueue_indirect_dma source(%dma_start3A_88 : memref<10000x32xbf16, #tpu.memory_space<hbm>>) target(%arg17 : memref<800x32xbf16, #tpu.memory_space<vmem>>) offsets(%arg14 : memref<800xi32, #tpu.memory_space<vmem>>) semaphore(%arg20 : memref<!tpu.dma_semaphore, #tpu.memory_space<semaphore_mem>>)
      %dma_wait3A_89 = arith.constant 0 : i32
      %dma_wait3A_90 = arith.constant 0 : i32
      %dma_wait3A_91 = tpu.memref_slice %arg5[%dma_wait3A_89, %dma_wait3A_90] : memref<10000x32xbf16, #tpu.memory_space<hbm>> -> memref<10000x32xbf16, #tpu.memory_space<hbm>>
      tpu.wait_indirect_dma semaphore(%arg19 : memref<!tpu.dma_semaphore, #tpu.memory_space<semaphore_mem>>) src(%dma_wait3A_91 : memref<10000x32xbf16, #tpu.memory_space<hbm>>) dst(%arg16 : memref<800x32xbf16, #tpu.memory_space<vmem>>)
      %dma_start3A_92 = arith.constant 0 : i32
      %dma_start3A_93 = arith.constant 0 : i32
      %dma_start3A_94 = tpu.memref_slice %arg18[%dma_start3A_92, %dma_start3A_93] : memref<50048x32xbf16, #tpu.memory_space<vmem_shared>> -> memref<50048x32xbf16, #tpu.memory_space<vmem_shared>>
      tpu.enqueue_indirect_dma source(%arg16 : memref<800x32xbf16, #tpu.memory_space<vmem>>) target(%dma_start3A_94 : memref<50048x32xbf16, #tpu.memory_space<vmem_shared>>) offsets(%arg13 : memref<800xi32, #tpu.memory_space<vmem>>) semaphore(%arg21 : memref<!tpu.dma_semaphore, #tpu.memory_space<semaphore_mem>>) {add = true}
      %dma_wait3A_95 = arith.constant 0 : i32
      %dma_wait3A_96 = arith.constant 0 : i32
      %dma_wait3A_97 = tpu.memref_slice %arg5[%dma_wait3A_95, %dma_wait3A_96] : memref<10000x32xbf16, #tpu.memory_space<hbm>> -> memref<10000x32xbf16, #tpu.memory_space<hbm>>
      tpu.wait_indirect_dma semaphore(%arg20 : memref<!tpu.dma_semaphore, #tpu.memory_space<semaphore_mem>>) src(%dma_wait3A_97 : memref<10000x32xbf16, #tpu.memory_space<hbm>>) dst(%arg17 : memref<800x32xbf16, #tpu.memory_space<vmem>>)
      %dma_start3A_98 = arith.constant 0 : i32
      %dma_start3A_99 = arith.constant 0 : i32
      %dma_start3A_100 = tpu.memref_slice %arg18[%dma_start3A_98, %dma_start3A_99] : memref<50048x32xbf16, #tpu.memory_space<vmem_shared>> -> memref<50048x32xbf16, #tpu.memory_space<vmem_shared>>
      tpu.enqueue_indirect_dma source(%arg17 : memref<800x32xbf16, #tpu.memory_space<vmem>>) target(%dma_start3A_100 : memref<50048x32xbf16, #tpu.memory_space<vmem_shared>>) offsets(%arg15 : memref<800xi32, #tpu.memory_space<vmem>>) semaphore(%arg22 : memref<!tpu.dma_semaphore, #tpu.memory_space<semaphore_mem>>) {add = true}
      %dma_wait3A_101 = arith.constant 0 : i32
      %dma_wait3A_102 = arith.constant 0 : i32
      %dma_wait3A_103 = tpu.memref_slice %arg18[%dma_wait3A_101, %dma_wait3A_102] : memref<50048x32xbf16, #tpu.memory_space<vmem_shared>> -> memref<50048x32xbf16, #tpu.memory_space<vmem_shared>>
      tpu.wait_indirect_dma semaphore(%arg21 : memref<!tpu.dma_semaphore, #tpu.memory_space<semaphore_mem>>) src(%arg16 : memref<800x32xbf16, #tpu.memory_space<vmem>>) dst(%dma_wait3A_103 : memref<50048x32xbf16, #tpu.memory_space<vmem_shared>>)
      %dma_wait3A_104 = arith.constant 0 : i32
      %dma_wait3A_105 = arith.constant 0 : i32
      %dma_wait3A_106 = tpu.memref_slice %arg18[%dma_wait3A_104, %dma_wait3A_105] : memref<50048x32xbf16, #tpu.memory_space<vmem_shared>> -> memref<50048x32xbf16, #tpu.memory_space<vmem_shared>>
      tpu.wait_indirect_dma semaphore(%arg22 : memref<!tpu.dma_semaphore, #tpu.memory_space<semaphore_mem>>) src(%arg17 : memref<800x32xbf16, #tpu.memory_space<vmem>>) dst(%dma_wait3A_106 : memref<50048x32xbf16, #tpu.memory_space<vmem_shared>>)
    } else {
    }
    %barrier3A_20 = arith.constant 0 : index
    tpu.barrier barrier_id(%barrier3A_20)
    %eq3A_21 = arith.constant 0 : i32
    %eq3A_22 = arith.cmpi eq, %arg0, %eq3A_21 : i32
    %convert_element_type3A_23 = arith.extui %eq3A_22 : i1 to i32
    %cond3A_24 = arith.constant 0 : i32
    %cond3A_25 = arith.cmpi ne, %convert_element_type3A_23, %cond3A_24 : i32
    scf.if %cond3A_25 {
      %lt3A = arith.constant 15 : i32
      %lt3A_31 = arith.cmpi slt, %arg1, %lt3A : i32
      %convert_element_type3A_32 = arith.extui %lt3A_31 : i1 to i32
      %cond3A_33 = arith.constant 0 : i32
      %cond3A_34 = arith.cmpi ne, %convert_element_type3A_32, %cond3A_33 : i32
      scf.if %cond3A_34 {
        %mul3A_40 = arith.constant 3128 : i32
        %mul3A_41 = arith.muli %arg1, %mul3A_40 : i32
        %mul3A_42 = arith.constant 3128 : i32
        %mul3A_43 = arith.muli %arg1, %mul3A_42 : i32
        "tpu.region"() ({
          %run_scoped3A = tpu.sem_alloc : memref<!tpu.dma_semaphore, #tpu.memory_space<semaphore_mem>>
          %dma_start3A = arith.constant 0 : i32
          %dma_start3A_44 = tpu.memref_slice %arg10[%mul3A_43, %dma_start3A] : memref<50000x32xbf16, #tpu.memory_space<hbm>> -> memref<3128x32xbf16, #tpu.memory_space<hbm>>
          %dma_start3A_45 = arith.constant 0 : i32
          %dma_start3A_46 = tpu.memref_slice %arg18[%mul3A_41, %dma_start3A_45] : memref<50048x32xbf16, #tpu.memory_space<vmem_shared>> -> memref<3128x32xbf16, #tpu.memory_space<vmem_shared>>
          tpu.enqueue_dma source(%dma_start3A_46 : memref<3128x32xbf16, #tpu.memory_space<vmem_shared>>) target(%dma_start3A_44 : memref<3128x32xbf16, #tpu.memory_space<hbm>>) target_semaphore(%run_scoped3A : memref<!tpu.dma_semaphore, #tpu.memory_space<semaphore_mem>>)
          %dma_wait3A = arith.constant 0 : i32
          %dma_wait3A_47 = tpu.memref_slice %arg10[%mul3A_43, %dma_wait3A] : memref<50000x32xbf16, #tpu.memory_space<hbm>> -> memref<3128x32xbf16, #tpu.memory_space<hbm>>
          %dma_wait3A_48 = arith.constant 0 : i32
          %dma_wait3A_49 = tpu.memref_slice %arg18[%mul3A_41, %dma_wait3A_48] : memref<50048x32xbf16, #tpu.memory_space<vmem_shared>> -> memref<3128x32xbf16, #tpu.memory_space<vmem_shared>>
          tpu.wait_dma2 semaphore(%run_scoped3A : memref<!tpu.dma_semaphore, #tpu.memory_space<semaphore_mem>>) src(%dma_wait3A_49 : memref<3128x32xbf16, #tpu.memory_space<vmem_shared>>) dst(%dma_wait3A_47 : memref<3128x32xbf16, #tpu.memory_space<hbm>>)
          tpu.yield
        }) : () -> ()
      } else {
      }
      %eq3A_35 = arith.constant 15 : i32
      %eq3A_36 = arith.cmpi eq, %arg1, %eq3A_35 : i32
      %convert_element_type3A_37 = arith.extui %eq3A_36 : i1 to i32
      %cond3A_38 = arith.constant 0 : i32
      %cond3A_39 = arith.cmpi ne, %convert_element_type3A_37, %cond3A_38 : i32
      scf.if %cond3A_39 {
        "tpu.region"() ({
          %run_scoped3A = tpu.sem_alloc : memref<!tpu.dma_semaphore, #tpu.memory_space<semaphore_mem>>
          %dma_start3A = arith.constant 46920 : i32
          %dma_start3A_40 = arith.constant 0 : i32
          %dma_start3A_41 = tpu.memref_slice %arg10[%dma_start3A, %dma_start3A_40] : memref<50000x32xbf16, #tpu.memory_space<hbm>> -> memref<3080x32xbf16, #tpu.memory_space<hbm>>
          %dma_start3A_42 = arith.constant 46920 : i32
          %dma_start3A_43 = arith.constant 0 : i32
          %dma_start3A_44 = tpu.memref_slice %arg18[%dma_start3A_42, %dma_start3A_43] : memref<50048x32xbf16, #tpu.memory_space<vmem_shared>> -> memref<3080x32xbf16, #tpu.memory_space<vmem_shared>>
          tpu.enqueue_dma source(%dma_start3A_44 : memref<3080x32xbf16, #tpu.memory_space<vmem_shared>>) target(%dma_start3A_41 : memref<3080x32xbf16, #tpu.memory_space<hbm>>) target_semaphore(%run_scoped3A : memref<!tpu.dma_semaphore, #tpu.memory_space<semaphore_mem>>)
          %dma_wait3A = arith.constant 46920 : i32
          %dma_wait3A_45 = arith.constant 0 : i32
          %dma_wait3A_46 = tpu.memref_slice %arg10[%dma_wait3A, %dma_wait3A_45] : memref<50000x32xbf16, #tpu.memory_space<hbm>> -> memref<3080x32xbf16, #tpu.memory_space<hbm>>
          %dma_wait3A_47 = arith.constant 46920 : i32
          %dma_wait3A_48 = arith.constant 0 : i32
          %dma_wait3A_49 = tpu.memref_slice %arg18[%dma_wait3A_47, %dma_wait3A_48] : memref<50048x32xbf16, #tpu.memory_space<vmem_shared>> -> memref<3080x32xbf16, #tpu.memory_space<vmem_shared>>
          tpu.wait_dma2 semaphore(%run_scoped3A : memref<!tpu.dma_semaphore, #tpu.memory_space<semaphore_mem>>) src(%dma_wait3A_49 : memref<3080x32xbf16, #tpu.memory_space<vmem_shared>>) dst(%dma_wait3A_46 : memref<3080x32xbf16, #tpu.memory_space<hbm>>)
          tpu.yield
        }) : () -> ()
      } else {
      }
    } else {
    }
    %eq3A_26 = arith.constant 1 : i32
    %eq3A_27 = arith.cmpi eq, %arg0, %eq3A_26 : i32
    %convert_element_type3A_28 = arith.extui %eq3A_27 : i1 to i32
    %cond3A_29 = arith.constant 0 : i32
    %cond3A_30 = arith.cmpi ne, %convert_element_type3A_28, %cond3A_29 : i32
    scf.if %cond3A_30 {
      %lt3A = arith.constant 15 : i32
      %lt3A_31 = arith.cmpi slt, %arg1, %lt3A : i32
      %convert_element_type3A_32 = arith.extui %lt3A_31 : i1 to i32
      %cond3A_33 = arith.constant 0 : i32
      %cond3A_34 = arith.cmpi ne, %convert_element_type3A_32, %cond3A_33 : i32
      scf.if %cond3A_34 {
        %mul3A_40 = arith.constant 3128 : i32
        %mul3A_41 = arith.muli %arg1, %mul3A_40 : i32
        %mul3A_42 = arith.constant 3128 : i32
        %mul3A_43 = arith.muli %arg1, %mul3A_42 : i32
        "tpu.region"() ({
          %run_scoped3A = tpu.sem_alloc : memref<!tpu.dma_semaphore, #tpu.memory_space<semaphore_mem>>
          %dma_start3A = arith.constant 0 : i32
          %dma_start3A_44 = tpu.memref_slice %arg11[%mul3A_43, %dma_start3A] : memref<50000x32xbf16, #tpu.memory_space<hbm>> -> memref<3128x32xbf16, #tpu.memory_space<hbm>>
          %dma_start3A_45 = arith.constant 0 : i32
          %dma_start3A_46 = tpu.memref_slice %arg18[%mul3A_41, %dma_start3A_45] : memref<50048x32xbf16, #tpu.memory_space<vmem_shared>> -> memref<3128x32xbf16, #tpu.memory_space<vmem_shared>>
          tpu.enqueue_dma source(%dma_start3A_46 : memref<3128x32xbf16, #tpu.memory_space<vmem_shared>>) target(%dma_start3A_44 : memref<3128x32xbf16, #tpu.memory_space<hbm>>) target_semaphore(%run_scoped3A : memref<!tpu.dma_semaphore, #tpu.memory_space<semaphore_mem>>)
          %dma_wait3A = arith.constant 0 : i32
          %dma_wait3A_47 = tpu.memref_slice %arg11[%mul3A_43, %dma_wait3A] : memref<50000x32xbf16, #tpu.memory_space<hbm>> -> memref<3128x32xbf16, #tpu.memory_space<hbm>>
          %dma_wait3A_48 = arith.constant 0 : i32
          %dma_wait3A_49 = tpu.memref_slice %arg18[%mul3A_41, %dma_wait3A_48] : memref<50048x32xbf16, #tpu.memory_space<vmem_shared>> -> memref<3128x32xbf16, #tpu.memory_space<vmem_shared>>
          tpu.wait_dma2 semaphore(%run_scoped3A : memref<!tpu.dma_semaphore, #tpu.memory_space<semaphore_mem>>) src(%dma_wait3A_49 : memref<3128x32xbf16, #tpu.memory_space<vmem_shared>>) dst(%dma_wait3A_47 : memref<3128x32xbf16, #tpu.memory_space<hbm>>)
          tpu.yield
        }) : () -> ()
      } else {
      }
      %eq3A_35 = arith.constant 15 : i32
      %eq3A_36 = arith.cmpi eq, %arg1, %eq3A_35 : i32
      %convert_element_type3A_37 = arith.extui %eq3A_36 : i1 to i32
      %cond3A_38 = arith.constant 0 : i32
      %cond3A_39 = arith.cmpi ne, %convert_element_type3A_37, %cond3A_38 : i32
      scf.if %cond3A_39 {
        "tpu.region"() ({
          %run_scoped3A = tpu.sem_alloc : memref<!tpu.dma_semaphore, #tpu.memory_space<semaphore_mem>>
          %dma_start3A = arith.constant 46920 : i32
          %dma_start3A_40 = arith.constant 0 : i32
          %dma_start3A_41 = tpu.memref_slice %arg11[%dma_start3A, %dma_start3A_40] : memref<50000x32xbf16, #tpu.memory_space<hbm>> -> memref<3080x32xbf16, #tpu.memory_space<hbm>>
          %dma_start3A_42 = arith.constant 46920 : i32
          %dma_start3A_43 = arith.constant 0 : i32
          %dma_start3A_44 = tpu.memref_slice %arg18[%dma_start3A_42, %dma_start3A_43] : memref<50048x32xbf16, #tpu.memory_space<vmem_shared>> -> memref<3080x32xbf16, #tpu.memory_space<vmem_shared>>
          tpu.enqueue_dma source(%dma_start3A_44 : memref<3080x32xbf16, #tpu.memory_space<vmem_shared>>) target(%dma_start3A_41 : memref<3080x32xbf16, #tpu.memory_space<hbm>>) target_semaphore(%run_scoped3A : memref<!tpu.dma_semaphore, #tpu.memory_space<semaphore_mem>>)
          %dma_wait3A = arith.constant 46920 : i32
          %dma_wait3A_45 = arith.constant 0 : i32
          %dma_wait3A_46 = tpu.memref_slice %arg11[%dma_wait3A, %dma_wait3A_45] : memref<50000x32xbf16, #tpu.memory_space<hbm>> -> memref<3080x32xbf16, #tpu.memory_space<hbm>>
          %dma_wait3A_47 = arith.constant 46920 : i32
          %dma_wait3A_48 = arith.constant 0 : i32
          %dma_wait3A_49 = tpu.memref_slice %arg18[%dma_wait3A_47, %dma_wait3A_48] : memref<50048x32xbf16, #tpu.memory_space<vmem_shared>> -> memref<3080x32xbf16, #tpu.memory_space<vmem_shared>>
          tpu.wait_dma2 semaphore(%run_scoped3A : memref<!tpu.dma_semaphore, #tpu.memory_space<semaphore_mem>>) src(%dma_wait3A_49 : memref<3080x32xbf16, #tpu.memory_space<vmem_shared>>) dst(%dma_wait3A_46 : memref<3080x32xbf16, #tpu.memory_space<hbm>>)
          tpu.yield
        }) : () -> ()
      } else {
      }
    } else {
    }
    return
  }
}

module attributes {stable_mosaic.version = 14 : i64} {
  func.func @_msg_table_body(%arg0: i32, %arg1: memref<5000x8xf32, #tpu.memory_space<vmem>>, %arg2: memref<8x64xf32, #tpu.memory_space<vmem>>, %arg3: memref<1x64xf32, #tpu.memory_space<vmem>>, %arg4: memref<64x64xf32, #tpu.memory_space<vmem>>, %arg5: memref<5000x32xbf16, #tpu.memory_space<vmem>>, %arg6: memref<5000x32xbf16, #tpu.memory_space<vmem>>) attributes {dimension_semantics = [#tpu.dimension_semantics<arbitrary>], iteration_bounds = array<i64: 10>, scalar_prefetch = 0 : i64, scratch_operands = 0 : i64, tpu.core_type = #tpu.core_type<tc>, window_params = [{transform_indices = @transform_0, window_bounds = array<i64: 5000, 8>}, {pipeline_mode = #tpu.pipeline_mode<synchronous>, transform_indices = @transform_1, window_bounds = array<i64: 8, 64>}, {pipeline_mode = #tpu.pipeline_mode<synchronous>, transform_indices = @transform_2, window_bounds = array<i64: 1, 64>}, {pipeline_mode = #tpu.pipeline_mode<synchronous>, transform_indices = @transform_3, window_bounds = array<i64: 64, 64>}, {transform_indices = @transform_4, window_bounds = array<i64: 5000, 32>}, {transform_indices = @transform_5, window_bounds = array<i64: 5000, 32>}]} {
    %get3A = arith.constant 0 : index
    %get3A_0 = arith.constant 0 : index
    %get3A_1 = vector.load %arg1[%get3A, %get3A_0] : memref<5000x8xf32, #tpu.memory_space<vmem>>, vector<5000x8xf32>
    %get3A_2 = arith.constant 0 : index
    %get3A_3 = arith.constant 0 : index
    %get3A_4 = vector.load %arg2[%get3A_2, %get3A_3] : memref<8x64xf32, #tpu.memory_space<vmem>>, vector<8x64xf32>
    %dot_general3A = arith.constant dense<0.000000e+00> : vector<5000x64xf32>
    %dot_general3A_5 = tpu.matmul %get3A_1, %get3A_4, %dot_general3A {dimension_numbers = #tpu.dot_dimension_numbers<[1], [0], [0], [1], [0, 0, 1, 1], [], []>, transpose_lhs_hint = false} : vector<5000x8xf32>, vector<8x64xf32>, vector<5000x64xf32> -> vector<5000x64xf32>
    %get3A_6 = arith.constant 0 : index
    %get3A_7 = arith.constant 0 : index
    %get3A_8 = vector.load %arg3[%get3A_6, %get3A_7] : memref<1x64xf32, #tpu.memory_space<vmem>>, vector<1x64xf32>
    %add3A = vector.broadcast %get3A_8 : vector<1x64xf32> to vector<5000x64xf32>
    %add3A_9 = arith.addf %dot_general3A_5, %add3A : vector<5000x64xf32>
    %get3A_10 = arith.constant 0 : index
    %get3A_11 = arith.constant 0 : index
    %get3A_12 = vector.load %arg4[%get3A_10, %get3A_11] : memref<64x64xf32, #tpu.memory_space<vmem>>, vector<64x64xf32>
    %dot_general3A_13 = arith.constant dense<0.000000e+00> : vector<5000x64xf32>
    %dot_general3A_14 = tpu.matmul %add3A_9, %get3A_12, %dot_general3A_13 {dimension_numbers = #tpu.dot_dimension_numbers<[1], [0], [0], [1], [0, 0, 1, 1], [], []>, transpose_lhs_hint = false} : vector<5000x64xf32>, vector<64x64xf32>, vector<5000x64xf32> -> vector<5000x64xf32>
    %convert_element_type3A = arith.truncf %dot_general3A_14 : vector<5000x64xf32> to vector<5000x64xbf16>
    %slice3A = vector.extract_strided_slice %convert_element_type3A {offsets = [0, 0], sizes = [5000, 32], strides = [1, 1]} : vector<5000x64xbf16> to vector<5000x32xbf16>
    %swap3A = arith.constant 0 : index
    %swap3A_15 = arith.constant 0 : index
    %swap3A_16 = vector.load %arg5[%swap3A, %swap3A_15] : memref<5000x32xbf16, #tpu.memory_space<vmem>>, vector<5000x32xbf16>
    tpu.vector_store %arg5[%swap3A, %swap3A_15], %slice3A {strides = array<i32>} : memref<5000x32xbf16, #tpu.memory_space<vmem>>, vector<5000x32xbf16>,
    %slice3A_17 = vector.extract_strided_slice %convert_element_type3A {offsets = [0, 32], sizes = [5000, 32], strides = [1, 1]} : vector<5000x64xbf16> to vector<5000x32xbf16>
    %swap3A_18 = arith.constant 0 : index
    %swap3A_19 = arith.constant 0 : index
    %swap3A_20 = vector.load %arg6[%swap3A_18, %swap3A_19] : memref<5000x32xbf16, #tpu.memory_space<vmem>>, vector<5000x32xbf16>
    tpu.vector_store %arg6[%swap3A_18, %swap3A_19], %slice3A_17 {strides = array<i32>} : memref<5000x32xbf16, #tpu.memory_space<vmem>>, vector<5000x32xbf16>,
    return
  }
  func.func @transform_0(%arg0: i32) -> (i32, i32) {
    %c0_i32 = arith.constant 0 : i32
    %c0_i32_0 = arith.constant 0 : i32
    return %arg0, %c0_i32 : i32, i32
  }
  func.func @transform_1(%arg0: i32) -> (i32, i32) {
    %c0_i32 = arith.constant 0 : i32
    %c0_i32_0 = arith.constant 0 : i32
    %c0_i32_1 = arith.constant 0 : i32
    return %c0_i32, %c0_i32_0 : i32, i32
  }
  func.func @transform_2(%arg0: i32) -> (i32, i32) {
    %c0_i32 = arith.constant 0 : i32
    %c0_i32_0 = arith.constant 0 : i32
    %c0_i32_1 = arith.constant 0 : i32
    return %c0_i32, %c0_i32_0 : i32, i32
  }
  func.func @transform_3(%arg0: i32) -> (i32, i32) {
    %c0_i32 = arith.constant 0 : i32
    %c0_i32_0 = arith.constant 0 : i32
    %c0_i32_1 = arith.constant 0 : i32
    return %c0_i32, %c0_i32_0 : i32, i32
  }
  func.func @transform_4(%arg0: i32) -> (i32, i32) {
    %c0_i32 = arith.constant 0 : i32
    %c0_i32_0 = arith.constant 0 : i32
    return %arg0, %c0_i32 : i32, i32
  }
  func.func @transform_5(%arg0: i32) -> (i32, i32) {
    %c0_i32 = arith.constant 0 : i32
    %c0_i32_0 = arith.constant 0 : i32
    return %arg0, %c0_i32 : i32, i32
  }
}

module attributes {stable_mosaic.version = 14 : i64} {
  func.func @_msg_table_body(%arg0: i32, %arg1: memref<5000x1xf32, #tpu.memory_space<vmem>>, %arg2: memref<1x64xf32, #tpu.memory_space<vmem>>, %arg3: memref<1x64xf32, #tpu.memory_space<vmem>>, %arg4: memref<64x64xf32, #tpu.memory_space<vmem>>, %arg5: memref<5000x32xbf16, #tpu.memory_space<vmem>>, %arg6: memref<5000x32xbf16, #tpu.memory_space<vmem>>) attributes {dimension_semantics = [#tpu.dimension_semantics<arbitrary>], iteration_bounds = array<i64: 2>, scalar_prefetch = 0 : i64, scratch_operands = 0 : i64, tpu.core_type = #tpu.core_type<tc>, window_params = [{transform_indices = @transform_0, window_bounds = array<i64: 5000, 1>}, {pipeline_mode = #tpu.pipeline_mode<synchronous>, transform_indices = @transform_1, window_bounds = array<i64: 1, 64>}, {pipeline_mode = #tpu.pipeline_mode<synchronous>, transform_indices = @transform_2, window_bounds = array<i64: 1, 64>}, {pipeline_mode = #tpu.pipeline_mode<synchronous>, transform_indices = @transform_3, window_bounds = array<i64: 64, 64>}, {transform_indices = @transform_4, window_bounds = array<i64: 5000, 32>}, {transform_indices = @transform_5, window_bounds = array<i64: 5000, 32>}]} {
    %get3A = arith.constant 0 : index
    %get3A_0 = arith.constant 0 : index
    %get3A_1 = vector.load %arg1[%get3A, %get3A_0] : memref<5000x1xf32, #tpu.memory_space<vmem>>, vector<5000x1xf32>
    %get3A_2 = arith.constant 0 : index
    %get3A_3 = arith.constant 0 : index
    %get3A_4 = vector.load %arg2[%get3A_2, %get3A_3] : memref<1x64xf32, #tpu.memory_space<vmem>>, vector<1x64xf32>
    %dot_general3A = arith.constant dense<0.000000e+00> : vector<5000x64xf32>
    %dot_general3A_5 = tpu.matmul %get3A_1, %get3A_4, %dot_general3A {dimension_numbers = #tpu.dot_dimension_numbers<[1], [0], [0], [1], [0, 0, 1, 1], [], []>, transpose_lhs_hint = false} : vector<5000x1xf32>, vector<1x64xf32>, vector<5000x64xf32> -> vector<5000x64xf32>
    %get3A_6 = arith.constant 0 : index
    %get3A_7 = arith.constant 0 : index
    %get3A_8 = vector.load %arg3[%get3A_6, %get3A_7] : memref<1x64xf32, #tpu.memory_space<vmem>>, vector<1x64xf32>
    %add3A = vector.broadcast %get3A_8 : vector<1x64xf32> to vector<5000x64xf32>
    %add3A_9 = arith.addf %dot_general3A_5, %add3A : vector<5000x64xf32>
    %get3A_10 = arith.constant 0 : index
    %get3A_11 = arith.constant 0 : index
    %get3A_12 = vector.load %arg4[%get3A_10, %get3A_11] : memref<64x64xf32, #tpu.memory_space<vmem>>, vector<64x64xf32>
    %dot_general3A_13 = arith.constant dense<0.000000e+00> : vector<5000x64xf32>
    %dot_general3A_14 = tpu.matmul %add3A_9, %get3A_12, %dot_general3A_13 {dimension_numbers = #tpu.dot_dimension_numbers<[1], [0], [0], [1], [0, 0, 1, 1], [], []>, transpose_lhs_hint = false} : vector<5000x64xf32>, vector<64x64xf32>, vector<5000x64xf32> -> vector<5000x64xf32>
    %convert_element_type3A = arith.truncf %dot_general3A_14 : vector<5000x64xf32> to vector<5000x64xbf16>
    %slice3A = vector.extract_strided_slice %convert_element_type3A {offsets = [0, 0], sizes = [5000, 32], strides = [1, 1]} : vector<5000x64xbf16> to vector<5000x32xbf16>
    %swap3A = arith.constant 0 : index
    %swap3A_15 = arith.constant 0 : index
    %swap3A_16 = vector.load %arg5[%swap3A, %swap3A_15] : memref<5000x32xbf16, #tpu.memory_space<vmem>>, vector<5000x32xbf16>
    tpu.vector_store %arg5[%swap3A, %swap3A_15], %slice3A {strides = array<i32>} : memref<5000x32xbf16, #tpu.memory_space<vmem>>, vector<5000x32xbf16>,
    %slice3A_17 = vector.extract_strided_slice %convert_element_type3A {offsets = [0, 32], sizes = [5000, 32], strides = [1, 1]} : vector<5000x64xbf16> to vector<5000x32xbf16>
    %swap3A_18 = arith.constant 0 : index
    %swap3A_19 = arith.constant 0 : index
    %swap3A_20 = vector.load %arg6[%swap3A_18, %swap3A_19] : memref<5000x32xbf16, #tpu.memory_space<vmem>>, vector<5000x32xbf16>
    tpu.vector_store %arg6[%swap3A_18, %swap3A_19], %slice3A_17 {strides = array<i32>} : memref<5000x32xbf16, #tpu.memory_space<vmem>>, vector<5000x32xbf16>,
    return
  }
  func.func @transform_0(%arg0: i32) -> (i32, i32) {
    %c0_i32 = arith.constant 0 : i32
    %c0_i32_0 = arith.constant 0 : i32
    return %arg0, %c0_i32 : i32, i32
  }
  func.func @transform_1(%arg0: i32) -> (i32, i32) {
    %c0_i32 = arith.constant 0 : i32
    %c0_i32_0 = arith.constant 0 : i32
    %c0_i32_1 = arith.constant 0 : i32
    return %c0_i32, %c0_i32_0 : i32, i32
  }
  func.func @transform_2(%arg0: i32) -> (i32, i32) {
    %c0_i32 = arith.constant 0 : i32
    %c0_i32_0 = arith.constant 0 : i32
    %c0_i32_1 = arith.constant 0 : i32
    return %c0_i32, %c0_i32_0 : i32, i32
  }
  func.func @transform_3(%arg0: i32) -> (i32, i32) {
    %c0_i32 = arith.constant 0 : i32
    %c0_i32_0 = arith.constant 0 : i32
    %c0_i32_1 = arith.constant 0 : i32
    return %c0_i32, %c0_i32_0 : i32, i32
  }
  func.func @transform_4(%arg0: i32) -> (i32, i32) {
    %c0_i32 = arith.constant 0 : i32
    %c0_i32_0 = arith.constant 0 : i32
    return %arg0, %c0_i32 : i32, i32
  }
  func.func @transform_5(%arg0: i32) -> (i32, i32) {
    %c0_i32 = arith.constant 0 : i32
    %c0_i32_0 = arith.constant 0 : i32
    return %arg0, %c0_i32 : i32, i32
  }
}

module attributes {stable_mosaic.version = 14 : i64} {
  func.func @_dense_ulo_body(%arg0: i32, %arg1: memref<2000x768xf32, #tpu.memory_space<vmem>>, %arg2: memref<768x64xf32, #tpu.memory_space<vmem>>, %arg3: memref<64x64xf32, #tpu.memory_space<vmem>>, %arg4: memref<64x64xf32, #tpu.memory_space<vmem>>, %arg5: memref<1x64xf32, #tpu.memory_space<vmem>>, %arg6: memref<1x64xf32, #tpu.memory_space<vmem>>, %arg7: memref<1x64xf32, #tpu.memory_space<vmem>>, %arg8: memref<64x2xf32, #tpu.memory_space<vmem>>, %arg9: memref<1x2xf32, #tpu.memory_space<vmem>>, %arg10: memref<2000x64xf32, #tpu.memory_space<vmem>>) attributes {dimension_semantics = [#tpu.dimension_semantics<arbitrary>], iteration_bounds = array<i64: 25>, scalar_prefetch = 0 : i64, scratch_operands = 0 : i64, tpu.core_type = #tpu.core_type<tc>, window_params = [{transform_indices = @transform_0, window_bounds = array<i64: 2000, 768>}, {pipeline_mode = #tpu.pipeline_mode<synchronous>, transform_indices = @transform_1, window_bounds = array<i64: 768, 64>}, {pipeline_mode = #tpu.pipeline_mode<synchronous>, transform_indices = @transform_2, window_bounds = array<i64: 64, 64>}, {pipeline_mode = #tpu.pipeline_mode<synchronous>, transform_indices = @transform_3, window_bounds = array<i64: 64, 64>}, {pipeline_mode = #tpu.pipeline_mode<synchronous>, transform_indices = @transform_4, window_bounds = array<i64: 1, 64>}, {pipeline_mode = #tpu.pipeline_mode<synchronous>, transform_indices = @transform_5, window_bounds = array<i64: 1, 64>}, {pipeline_mode = #tpu.pipeline_mode<synchronous>, transform_indices = @transform_6, window_bounds = array<i64: 1, 64>}, {pipeline_mode = #tpu.pipeline_mode<synchronous>, transform_indices = @transform_7, window_bounds = array<i64: 64, 2>}, {pipeline_mode = #tpu.pipeline_mode<synchronous>, transform_indices = @transform_8, window_bounds = array<i64: 1, 2>}, {transform_indices = @transform_9, window_bounds = array<i64: 2000, 64>}]} {
    %get3A = arith.constant 0 : index
    %get3A_0 = arith.constant 0 : index
    %get3A_1 = vector.load %arg1[%get3A, %get3A_0] : memref<2000x768xf32, #tpu.memory_space<vmem>>, vector<2000x768xf32>
    %get3A_2 = arith.constant 0 : index
    %get3A_3 = arith.constant 0 : index
    %get3A_4 = vector.load %arg2[%get3A_2, %get3A_3] : memref<768x64xf32, #tpu.memory_space<vmem>>, vector<768x64xf32>
    %dot_general3A = arith.constant dense<0.000000e+00> : vector<2000x64xf32>
    %dot_general3A_5 = tpu.matmul %get3A_1, %get3A_4, %dot_general3A {dimension_numbers = #tpu.dot_dimension_numbers<[1], [0], [0], [1], [0, 0, 1, 1], [], []>, transpose_lhs_hint = false} : vector<2000x768xf32>, vector<768x64xf32>, vector<2000x64xf32> -> vector<2000x64xf32>
    %get3A_6 = arith.constant 0 : index
    %get3A_7 = arith.constant 0 : index
    %get3A_8 = vector.load %arg5[%get3A_6, %get3A_7] : memref<1x64xf32, #tpu.memory_space<vmem>>, vector<1x64xf32>
    %add3A = vector.broadcast %get3A_8 : vector<1x64xf32> to vector<2000x64xf32>
    %add3A_9 = arith.addf %dot_general3A_5, %add3A : vector<2000x64xf32>
    %get3A_10 = arith.constant 0 : index
    %get3A_11 = arith.constant 0 : index
    %get3A_12 = vector.load %arg3[%get3A_10, %get3A_11] : memref<64x64xf32, #tpu.memory_space<vmem>>, vector<64x64xf32>
    %get3A_13 = arith.constant 0 : index
    %get3A_14 = arith.constant 0 : index
    %get3A_15 = vector.load %arg4[%get3A_13, %get3A_14] : memref<64x64xf32, #tpu.memory_space<vmem>>, vector<64x64xf32>
    %add3A_16 = arith.addf %get3A_12, %get3A_15 : vector<64x64xf32>
    %dot_general3A_17 = arith.constant dense<0.000000e+00> : vector<2000x64xf32>
    %dot_general3A_18 = tpu.matmul %add3A_9, %add3A_16, %dot_general3A_17 {dimension_numbers = #tpu.dot_dimension_numbers<[1], [0], [0], [1], [0, 0, 1, 1], [], []>, transpose_lhs_hint = false} : vector<2000x64xf32>, vector<64x64xf32>, vector<2000x64xf32> -> vector<2000x64xf32>
    %get3A_19 = arith.constant 0 : index
    %get3A_20 = arith.constant 0 : index
    %get3A_21 = vector.load %arg6[%get3A_19, %get3A_20] : memref<1x64xf32, #tpu.memory_space<vmem>>, vector<1x64xf32>
    %add3A_22 = vector.broadcast %get3A_21 : vector<1x64xf32> to vector<2000x64xf32>
    %add3A_23 = arith.addf %dot_general3A_18, %add3A_22 : vector<2000x64xf32>
    %get3A_24 = arith.constant 0 : index
    %get3A_25 = arith.constant 0 : index
    %get3A_26 = vector.load %arg7[%get3A_24, %get3A_25] : memref<1x64xf32, #tpu.memory_space<vmem>>, vector<1x64xf32>
    %add3A_27 = vector.broadcast %get3A_26 : vector<1x64xf32> to vector<2000x64xf32>
    %add3A_28 = arith.addf %add3A_23, %add3A_27 : vector<2000x64xf32>
    %swap3A = arith.constant 0 : index
    %swap3A_29 = arith.constant 0 : index
    %swap3A_30 = vector.load %arg10[%swap3A, %swap3A_29] : memref<2000x64xf32, #tpu.memory_space<vmem>>, vector<2000x64xf32>
    tpu.vector_store %arg10[%swap3A, %swap3A_29], %add3A_28 {strides = array<i32>} : memref<2000x64xf32, #tpu.memory_space<vmem>>, vector<2000x64xf32>,
    return
  }
  func.func @transform_0(%arg0: i32) -> (i32, i32) {
    %c0_i32 = arith.constant 0 : i32
    %c0_i32_0 = arith.constant 0 : i32
    return %arg0, %c0_i32 : i32, i32
  }
  func.func @transform_1(%arg0: i32) -> (i32, i32) {
    %c0_i32 = arith.constant 0 : i32
    %c0_i32_0 = arith.constant 0 : i32
    %c0_i32_1 = arith.constant 0 : i32
    return %c0_i32, %c0_i32_0 : i32, i32
  }
  func.func @transform_2(%arg0: i32) -> (i32, i32) {
    %c0_i32 = arith.constant 0 : i32
    %c0_i32_0 = arith.constant 0 : i32
    %c0_i32_1 = arith.constant 0 : i32
    return %c0_i32, %c0_i32_0 : i32, i32
  }
  func.func @transform_3(%arg0: i32) -> (i32, i32) {
    %c0_i32 = arith.constant 0 : i32
    %c0_i32_0 = arith.constant 0 : i32
    %c0_i32_1 = arith.constant 0 : i32
    return %c0_i32, %c0_i32_0 : i32, i32
  }
  func.func @transform_4(%arg0: i32) -> (i32, i32) {
    %c0_i32 = arith.constant 0 : i32
    %c0_i32_0 = arith.constant 0 : i32
    %c0_i32_1 = arith.constant 0 : i32
    return %c0_i32, %c0_i32_0 : i32, i32
  }
  func.func @transform_5(%arg0: i32) -> (i32, i32) {
    %c0_i32 = arith.constant 0 : i32
    %c0_i32_0 = arith.constant 0 : i32
    %c0_i32_1 = arith.constant 0 : i32
    return %c0_i32, %c0_i32_0 : i32, i32
  }
  func.func @transform_6(%arg0: i32) -> (i32, i32) {
    %c0_i32 = arith.constant 0 : i32
    %c0_i32_0 = arith.constant 0 : i32
    %c0_i32_1 = arith.constant 0 : i32
    return %c0_i32, %c0_i32_0 : i32, i32
  }
  func.func @transform_7(%arg0: i32) -> (i32, i32) {
    %c0_i32 = arith.constant 0 : i32
    %c0_i32_0 = arith.constant 0 : i32
    %c0_i32_1 = arith.constant 0 : i32
    return %c0_i32, %c0_i32_0 : i32, i32
  }
  func.func @transform_8(%arg0: i32) -> (i32, i32) {
    %c0_i32 = arith.constant 0 : i32
    %c0_i32_0 = arith.constant 0 : i32
    %c0_i32_1 = arith.constant 0 : i32
    return %c0_i32, %c0_i32_0 : i32, i32
  }
  func.func @transform_9(%arg0: i32) -> (i32, i32) {
    %c0_i32 = arith.constant 0 : i32
    %c0_i32_0 = arith.constant 0 : i32
    return %arg0, %c0_i32 : i32, i32
  }
}

module attributes {stable_mosaic.version = 14 : i64} {
  func.func @_dense_hi_body(%arg0: i32, %arg1: memref<2000x768xf32, #tpu.memory_space<vmem>>, %arg2: memref<768x64xf32, #tpu.memory_space<vmem>>, %arg3: memref<64x64xf32, #tpu.memory_space<vmem>>, %arg4: memref<64x64xf32, #tpu.memory_space<vmem>>, %arg5: memref<1x64xf32, #tpu.memory_space<vmem>>, %arg6: memref<1x64xf32, #tpu.memory_space<vmem>>, %arg7: memref<1x64xf32, #tpu.memory_space<vmem>>, %arg8: memref<64x2xf32, #tpu.memory_space<vmem>>, %arg9: memref<1x2xf32, #tpu.memory_space<vmem>>, %arg10: memref<2000x2xf32, #tpu.memory_space<vmem>>) attributes {dimension_semantics = [#tpu.dimension_semantics<arbitrary>], iteration_bounds = array<i64: 25>, scalar_prefetch = 0 : i64, scratch_operands = 0 : i64, tpu.core_type = #tpu.core_type<tc>, window_params = [{transform_indices = @transform_0, window_bounds = array<i64: 2000, 768>}, {pipeline_mode = #tpu.pipeline_mode<synchronous>, transform_indices = @transform_1, window_bounds = array<i64: 768, 64>}, {pipeline_mode = #tpu.pipeline_mode<synchronous>, transform_indices = @transform_2, window_bounds = array<i64: 64, 64>}, {pipeline_mode = #tpu.pipeline_mode<synchronous>, transform_indices = @transform_3, window_bounds = array<i64: 64, 64>}, {pipeline_mode = #tpu.pipeline_mode<synchronous>, transform_indices = @transform_4, window_bounds = array<i64: 1, 64>}, {pipeline_mode = #tpu.pipeline_mode<synchronous>, transform_indices = @transform_5, window_bounds = array<i64: 1, 64>}, {pipeline_mode = #tpu.pipeline_mode<synchronous>, transform_indices = @transform_6, window_bounds = array<i64: 1, 64>}, {pipeline_mode = #tpu.pipeline_mode<synchronous>, transform_indices = @transform_7, window_bounds = array<i64: 64, 2>}, {pipeline_mode = #tpu.pipeline_mode<synchronous>, transform_indices = @transform_8, window_bounds = array<i64: 1, 2>}, {transform_indices = @transform_9, window_bounds = array<i64: 2000, 2>}]} {
    %get3A = arith.constant 0 : index
    %get3A_0 = arith.constant 0 : index
    %get3A_1 = vector.load %arg1[%get3A, %get3A_0] : memref<2000x768xf32, #tpu.memory_space<vmem>>, vector<2000x768xf32>
    %get3A_2 = arith.constant 0 : index
    %get3A_3 = arith.constant 0 : index
    %get3A_4 = vector.load %arg2[%get3A_2, %get3A_3] : memref<768x64xf32, #tpu.memory_space<vmem>>, vector<768x64xf32>
    %dot_general3A = arith.constant dense<0.000000e+00> : vector<2000x64xf32>
    %dot_general3A_5 = tpu.matmul %get3A_1, %get3A_4, %dot_general3A {dimension_numbers = #tpu.dot_dimension_numbers<[1], [0], [0], [1], [0, 0, 1, 1], [], []>, transpose_lhs_hint = false} : vector<2000x768xf32>, vector<768x64xf32>, vector<2000x64xf32> -> vector<2000x64xf32>
    %get3A_6 = arith.constant 0 : index
    %get3A_7 = arith.constant 0 : index
    %get3A_8 = vector.load %arg5[%get3A_6, %get3A_7] : memref<1x64xf32, #tpu.memory_space<vmem>>, vector<1x64xf32>
    %add3A = vector.broadcast %get3A_8 : vector<1x64xf32> to vector<2000x64xf32>
    %add3A_9 = arith.addf %dot_general3A_5, %add3A : vector<2000x64xf32>
    %get3A_10 = arith.constant 0 : index
    %get3A_11 = arith.constant 0 : index
    %get3A_12 = vector.load %arg3[%get3A_10, %get3A_11] : memref<64x64xf32, #tpu.memory_space<vmem>>, vector<64x64xf32>
    %get3A_13 = arith.constant 0 : index
    %get3A_14 = arith.constant 0 : index
    %get3A_15 = vector.load %arg4[%get3A_13, %get3A_14] : memref<64x64xf32, #tpu.memory_space<vmem>>, vector<64x64xf32>
    %add3A_16 = arith.addf %get3A_12, %get3A_15 : vector<64x64xf32>
    %dot_general3A_17 = arith.constant dense<0.000000e+00> : vector<2000x64xf32>
    %dot_general3A_18 = tpu.matmul %add3A_9, %add3A_16, %dot_general3A_17 {dimension_numbers = #tpu.dot_dimension_numbers<[1], [0], [0], [1], [0, 0, 1, 1], [], []>, transpose_lhs_hint = false} : vector<2000x64xf32>, vector<64x64xf32>, vector<2000x64xf32> -> vector<2000x64xf32>
    %get3A_19 = arith.constant 0 : index
    %get3A_20 = arith.constant 0 : index
    %get3A_21 = vector.load %arg6[%get3A_19, %get3A_20] : memref<1x64xf32, #tpu.memory_space<vmem>>, vector<1x64xf32>
    %add3A_22 = vector.broadcast %get3A_21 : vector<1x64xf32> to vector<2000x64xf32>
    %add3A_23 = arith.addf %dot_general3A_18, %add3A_22 : vector<2000x64xf32>
    %get3A_24 = arith.constant 0 : index
    %get3A_25 = arith.constant 0 : index
    %get3A_26 = vector.load %arg7[%get3A_24, %get3A_25] : memref<1x64xf32, #tpu.memory_space<vmem>>, vector<1x64xf32>
    %add3A_27 = vector.broadcast %get3A_26 : vector<1x64xf32> to vector<2000x64xf32>
    %add3A_28 = arith.addf %add3A_23, %add3A_27 : vector<2000x64xf32>
    %max3A = arith.constant 0.000000e+00 : f32
    %max3A_29 = vector.broadcast %max3A : f32 to vector<2000x64xf32>
    %max3A_30 = arith.maximumf %add3A_28, %max3A_29 : vector<2000x64xf32>
    %get3A_31 = arith.constant 0 : index
    %get3A_32 = arith.constant 0 : index
    %get3A_33 = vector.load %arg8[%get3A_31, %get3A_32] : memref<64x2xf32, #tpu.memory_space<vmem>>, vector<64x2xf32>
    %dot_general3A_34 = arith.constant dense<0.000000e+00> : vector<2000x2xf32>
    %dot_general3A_35 = tpu.matmul %max3A_30, %get3A_33, %dot_general3A_34 {dimension_numbers = #tpu.dot_dimension_numbers<[1], [0], [0], [1], [0, 0, 1, 1], [], []>, transpose_lhs_hint = false} : vector<2000x64xf32>, vector<64x2xf32>, vector<2000x2xf32> -> vector<2000x2xf32>
    %get3A_36 = arith.constant 0 : index
    %get3A_37 = arith.constant 0 : index
    %get3A_38 = vector.load %arg9[%get3A_36, %get3A_37] : memref<1x2xf32, #tpu.memory_space<vmem>>, vector<1x2xf32>
    %add3A_39 = vector.broadcast %get3A_38 : vector<1x2xf32> to vector<2000x2xf32>
    %add3A_40 = arith.addf %dot_general3A_35, %add3A_39 : vector<2000x2xf32>
    %swap3A = arith.constant 0 : index
    %swap3A_41 = arith.constant 0 : index
    %swap3A_42 = vector.load %arg10[%swap3A, %swap3A_41] : memref<2000x2xf32, #tpu.memory_space<vmem>>, vector<2000x2xf32>
    tpu.vector_store %arg10[%swap3A, %swap3A_41], %add3A_40 {strides = array<i32>} : memref<2000x2xf32, #tpu.memory_space<vmem>>, vector<2000x2xf32>,
    return
  }
  func.func @transform_0(%arg0: i32) -> (i32, i32) {
    %add3A = arith.constant 25 : i32
    %add3A_0 = arith.addi %arg0, %add3A : i32
    %c0_i32 = arith.constant 0 : i32
    %c0_i32_1 = arith.constant 0 : i32
    return %add3A_0, %c0_i32 : i32, i32
  }
  func.func @transform_1(%arg0: i32) -> (i32, i32) {
    %c0_i32 = arith.constant 0 : i32
    %c0_i32_0 = arith.constant 0 : i32
    %c0_i32_1 = arith.constant 0 : i32
    return %c0_i32, %c0_i32_0 : i32, i32
  }
  func.func @transform_2(%arg0: i32) -> (i32, i32) {
    %c0_i32 = arith.constant 0 : i32
    %c0_i32_0 = arith.constant 0 : i32
    %c0_i32_1 = arith.constant 0 : i32
    return %c0_i32, %c0_i32_0 : i32, i32
  }
  func.func @transform_3(%arg0: i32) -> (i32, i32) {
    %c0_i32 = arith.constant 0 : i32
    %c0_i32_0 = arith.constant 0 : i32
    %c0_i32_1 = arith.constant 0 : i32
    return %c0_i32, %c0_i32_0 : i32, i32
  }
  func.func @transform_4(%arg0: i32) -> (i32, i32) {
    %c0_i32 = arith.constant 0 : i32
    %c0_i32_0 = arith.constant 0 : i32
    %c0_i32_1 = arith.constant 0 : i32
    return %c0_i32, %c0_i32_0 : i32, i32
  }
  func.func @transform_5(%arg0: i32) -> (i32, i32) {
    %c0_i32 = arith.constant 0 : i32
    %c0_i32_0 = arith.constant 0 : i32
    %c0_i32_1 = arith.constant 0 : i32
    return %c0_i32, %c0_i32_0 : i32, i32
  }
  func.func @transform_6(%arg0: i32) -> (i32, i32) {
    %c0_i32 = arith.constant 0 : i32
    %c0_i32_0 = arith.constant 0 : i32
    %c0_i32_1 = arith.constant 0 : i32
    return %c0_i32, %c0_i32_0 : i32, i32
  }
  func.func @transform_7(%arg0: i32) -> (i32, i32) {
    %c0_i32 = arith.constant 0 : i32
    %c0_i32_0 = arith.constant 0 : i32
    %c0_i32_1 = arith.constant 0 : i32
    return %c0_i32, %c0_i32_0 : i32, i32
  }
  func.func @transform_8(%arg0: i32) -> (i32, i32) {
    %c0_i32 = arith.constant 0 : i32
    %c0_i32_0 = arith.constant 0 : i32
    %c0_i32_1 = arith.constant 0 : i32
    return %c0_i32, %c0_i32_0 : i32, i32
  }
  func.func @transform_9(%arg0: i32) -> (i32, i32) {
    %c0_i32 = arith.constant 0 : i32
    %c0_i32_0 = arith.constant 0 : i32
    return %arg0, %c0_i32 : i32, i32
  }
}

module attributes {stable_mosaic.version = 14 : i64} {
  func.func @_final_lo_body(%arg0: i32, %arg1: memref<2000x64xf32, #tpu.memory_space<vmem>>, %arg2: memref<64x2xf32, #tpu.memory_space<vmem>>, %arg3: memref<1x2xf32, #tpu.memory_space<vmem>>, %arg4: memref<2000x32xbf16, #tpu.memory_space<vmem>>, %arg5: memref<2000x32xbf16, #tpu.memory_space<vmem>>, %arg6: memref<2000x2xf32, #tpu.memory_space<vmem>>) attributes {dimension_semantics = [#tpu.dimension_semantics<arbitrary>], iteration_bounds = array<i64: 25>, scalar_prefetch = 0 : i64, scratch_operands = 0 : i64, tpu.core_type = #tpu.core_type<tc>, window_params = [{transform_indices = @transform_0, window_bounds = array<i64: 2000, 64>}, {pipeline_mode = #tpu.pipeline_mode<synchronous>, transform_indices = @transform_1, window_bounds = array<i64: 64, 2>}, {pipeline_mode = #tpu.pipeline_mode<synchronous>, transform_indices = @transform_2, window_bounds = array<i64: 1, 2>}, {transform_indices = @transform_3, window_bounds = array<i64: 2000, 32>}, {transform_indices = @transform_4, window_bounds = array<i64: 2000, 32>}, {transform_indices = @transform_5, window_bounds = array<i64: 2000, 2>}]} {
    %get3A = arith.constant 0 : index
    %get3A_0 = arith.constant 0 : index
    %get3A_1 = vector.load %arg4[%get3A, %get3A_0] : memref<2000x32xbf16, #tpu.memory_space<vmem>>, vector<2000x32xbf16>
    %get3A_2 = arith.constant 0 : index
    %get3A_3 = arith.constant 0 : index
    %get3A_4 = vector.load %arg5[%get3A_2, %get3A_3] : memref<2000x32xbf16, #tpu.memory_space<vmem>>, vector<2000x32xbf16>
    %concatenate3A = tpu.concatenate %get3A_1, %get3A_4 in 1 : vector<2000x32xbf16>, vector<2000x32xbf16> -> vector<2000x64xbf16>
    %get3A_5 = arith.constant 0 : index
    %get3A_6 = arith.constant 0 : index
    %get3A_7 = vector.load %arg1[%get3A_5, %get3A_6] : memref<2000x64xf32, #tpu.memory_space<vmem>>, vector<2000x64xf32>
    %convert_element_type3A = arith.extf %concatenate3A : vector<2000x64xbf16> to vector<2000x64xf32>
    %add3A = arith.addf %get3A_7, %convert_element_type3A : vector<2000x64xf32>
    %max3A = arith.constant 0.000000e+00 : f32
    %max3A_8 = vector.broadcast %max3A : f32 to vector<2000x64xf32>
    %max3A_9 = arith.maximumf %add3A, %max3A_8 : vector<2000x64xf32>
    %get3A_10 = arith.constant 0 : index
    %get3A_11 = arith.constant 0 : index
    %get3A_12 = vector.load %arg2[%get3A_10, %get3A_11] : memref<64x2xf32, #tpu.memory_space<vmem>>, vector<64x2xf32>
    %dot_general3A = arith.constant dense<0.000000e+00> : vector<2000x2xf32>
    %dot_general3A_13 = tpu.matmul %max3A_9, %get3A_12, %dot_general3A {dimension_numbers = #tpu.dot_dimension_numbers<[1], [0], [0], [1], [0, 0, 1, 1], [], []>, transpose_lhs_hint = false} : vector<2000x64xf32>, vector<64x2xf32>, vector<2000x2xf32> -> vector<2000x2xf32>
    %get3A_14 = arith.constant 0 : index
    %get3A_15 = arith.constant 0 : index
    %get3A_16 = vector.load %arg3[%get3A_14, %get3A_15] : memref<1x2xf32, #tpu.memory_space<vmem>>, vector<1x2xf32>
    %add3A_17 = vector.broadcast %get3A_16 : vector<1x2xf32> to vector<2000x2xf32>
    %add3A_18 = arith.addf %dot_general3A_13, %add3A_17 : vector<2000x2xf32>
    %swap3A = arith.constant 0 : index
    %swap3A_19 = arith.constant 0 : index
    %swap3A_20 = vector.load %arg6[%swap3A, %swap3A_19] : memref<2000x2xf32, #tpu.memory_space<vmem>>, vector<2000x2xf32>
    tpu.vector_store %arg6[%swap3A, %swap3A_19], %add3A_18 {strides = array<i32>} : memref<2000x2xf32, #tpu.memory_space<vmem>>, vector<2000x2xf32>,
    return
  }
  func.func @transform_0(%arg0: i32) -> (i32, i32) {
    %c0_i32 = arith.constant 0 : i32
    %c0_i32_0 = arith.constant 0 : i32
    return %arg0, %c0_i32 : i32, i32
  }
  func.func @transform_1(%arg0: i32) -> (i32, i32) {
    %c0_i32 = arith.constant 0 : i32
    %c0_i32_0 = arith.constant 0 : i32
    %c0_i32_1 = arith.constant 0 : i32
    return %c0_i32, %c0_i32_0 : i32, i32
  }
  func.func @transform_2(%arg0: i32) -> (i32, i32) {
    %c0_i32 = arith.constant 0 : i32
    %c0_i32_0 = arith.constant 0 : i32
    %c0_i32_1 = arith.constant 0 : i32
    return %c0_i32, %c0_i32_0 : i32, i32
  }
  func.func @transform_3(%arg0: i32) -> (i32, i32) {
    %c0_i32 = arith.constant 0 : i32
    %c0_i32_0 = arith.constant 0 : i32
    return %arg0, %c0_i32 : i32, i32
  }
  func.func @transform_4(%arg0: i32) -> (i32, i32) {
    %c0_i32 = arith.constant 0 : i32
    %c0_i32_0 = arith.constant 0 : i32
    return %arg0, %c0_i32 : i32, i32
  }
  func.func @transform_5(%arg0: i32) -> (i32, i32) {
    %c0_i32 = arith.constant 0 : i32
    %c0_i32_0 = arith.constant 0 : i32
    return %arg0, %c0_i32 : i32, i32
  }
}

</mosaic_0001>

<sc_bundles>
// kernel: kernel.8.cloned.1.call-start
scs
__scs_entry_jumppad:
0x0: {  	(pc) =	sbr.rel $0x88, $3  }
0x1: {  	(tag) =	ssettag $0x0;
	lr =	simm.s32 $0x1  }
0x2: {  	[smem:$0x3F8E] =	sst lr;
	_ =	strace $0xD0000000  }
0x3: {  	_ = 	snop  }
0x4: {  	_ = 	snop  }
0x5: {  	_ = 	snop  }
0x6: {  	_ = 	snop  }
0x7: {  	_ = 	snop  }
__scs_overlays_trampoline_lowered:
0x8: {  	[smem:$0x3F9D] =	sst s0  }
0x9: {  	[smem:$0x3F9E] =	sst s1  }
0xa: {  	[smem:$0x3F9F] =	sst s2  }
0xb: {  	[smem:$0x3FA0] =	sst s3  }
0xc: {  	[smem:$0x3FA1] =	sst s4  }
0xd: {  	[smem:$0x3FA2] =	sst s5  }
0xe: {  	[smem:$0x3FA3] =	sst s6  }
0xf: {  	[smem:$0x3FA4] =	sst s7  }
0x10: {  	[smem:$0x3FA5] =	sst s8  }
0x11: {  	[smem:$0x3FA6] =	sst s9;
	s0 =	simm.s32 @!p0 $0x0  }
0x12: {  	s1 =	sld [smem:$0x3F8C];
	s0 =	simm.s32 @p0 $0x1  }
0x13: {  	[smem:$0x3FA7] =	sst s0;
	s0 =	simm.s32 @!p1 $0x0  }
0x14: {  	s2 =	sld [smem:$0x3F8B];
	s0 =	simm.s32 @p1 $0x1  }
0x15: {  	[smem:$0x3FA8] =	sst s0;
	s0 =	simm.s32 @!p2 $0x0  }
0x16: {  	s3 =	sld [smem:$0x3FDB];
	s0 =	simm.s32 @p2 $0x1  }
0x17: {  	s4 =	simm.s32 $0x1BF5;
	[smem:$0x3FAA] =	sst s0  }
0x18: {  	s0 =	sld [smem:$0x3F8D];
	_ =	swait.ge [sflag:s4], $0x0  }
0x19: {  	s7 =	sld [smem:$0x3F8E]  }
0x1a: {  	s8 =	sadd.s32 $0xFFFFE003, lr  }
0x1b: {  	s9 =	sadd.s32 $0xFFFFFEF7, lr;
	s5 =	simm.s32 $0xFFFFFFFF;
	p2 =	slt.u32 s8, $0xFFFFF086  }
0x1c: {  	p1 =	slt.u32 s9, $0xF7A;
	s5 =	simm.s32 @!p2 $0x0  }
0x1d: {  	s5 =	simm.s32 @p1 $0x1;
	p0 =	seq.s32 s7, s2  }
0x1e: {  	s7 =	smul.u32 @!p0 $0xF7A, s2;
	p2 =	seq.s32 @!p0 s5, $0x0  }
0x1f: {  	s9 =	smul.u32 $0xF7A, s1;
	s8 =	simm.s32 @!p0 $0x1BF5;
	p2 =	por !p2, p0  }
0x20: {  	[sflag:s8] =	ssyncset.s32 @!p0 $0xFFFFF086;
	s6 =	sadd.s32 @!p0 s3, s7;
	s7 =	simm.s32 @!p0 $0x108  }
0x21: {  	s3 =	sadd.s32 s3, s9;
	s6 =	sadd.s32 @!p0 $0x88, s6;
	s7 =	simm.s32 @p2 $0x1082  }
0x22: {  	[simem:s7], [sflag:s8] =	dma.local @!p0 [hbm:s6], $0xF7A  }
0x23: {  	s9 =	sor.u32 $0xD0000000, s2;
	s6 =	simm.s32 $0x108;
	_ =	swait.ge @!p0 [sflag:s8], $0x0  }
0x24: {  	s3 =	sadd.s32 $0x88, s3;
	s6 =	simm.s32 @!p1 $0x1082;
	[sflag:s4] =	ssyncset.s32 $0xFFFFF086  }
0x25: {  	[simem:s6], [sflag:s4] =	dma.local [hbm:s3], $0xF7A  }
0x26: {  	[smem:$0x3F8E] =	sst s1;
	(tag) =	ssettag s2;
	_ =	strace s9  }
0x27: {  	s1 =	sld [smem:$0x3F9E]  }
0x28: {  	s2 =	sld [smem:$0x3F9F]  }
0x29: {  	s4 =	sld [smem:$0x3FA1]  }
0x2a: {  	p0 =	seq.s32 s5, $0x0;
	s5 =	sld [smem:$0x3FA2]  }
0x2b: {  	s6 =	sld [smem:$0x3FA3]  }
0x2c: {  	s7 =	sld [smem:$0x3FA4]  }
0x2d: {  	s3 =	simm.s32 $0x108;
	s8 =	sld [smem:$0x3FA5]  }
0x2e: {  	s3 =	simm.s32 @!p0 $0x1082;
	s9 =	sld [smem:$0x3FA6]  }
0x2f: {  	lr =	sadd.s32 s0, s3;
	s0 =	sld [smem:$0x3F9D]  }
0x30: {  	s3 =	sld [smem:$0x3FA0]  }
0x31: {  	[smem:$0x3FA9] =	sst s10  }
0x32: {  	s10 =	sld [smem:$0x3FA7];
	_ =	sdelay $0x3  }
0x33: {  	p0 =	seq.s32 s10, $0x1;
	s10 =	sld [smem:$0x3FA9];
	_ =	sdelay $0x3  }
0x34: {  	[smem:$0x3FA9] =	sst s10  }
0x35: {  	s10 =	sld [smem:$0x3FA8];
	_ =	sdelay $0x3  }
0x36: {  	p1 =	seq.s32 s10, $0x1;
	s10 =	sld [smem:$0x3FA9];
	_ =	sdelay $0x3  }
0x37: {  	[smem:$0x3FA9] =	sst s10  }
0x38: {  	s10 =	sld [smem:$0x3FAA]  }
0x39: {  	_ = 	snop;
	(pc) =	sbr.ind lr, $3  }
0x3a: {  	_ = 	snop  }
0x3b: {  	_ = 	snop  }
0x3c: {  	p2 =	seq.s32 s10, $0x1;
	s10 =	sld [smem:$0x3FA9]  }
0x3d: {  	_ =	shalt  }
0x3e: {  	_ =	shalt  }
0x3f: {  	_ =	shalt  }
0x40: {  	_ =	shalt  }
0x41: {  	_ =	shalt  }
0x42: {  	_ =	shalt  }
0x43: {  	_ =	shalt  }
0x44: {  	_ =	shalt  }
0x45: {  	_ =	shalt  }
0x46: {  	_ =	shalt  }
0x47: {  	_ =	shalt  }
0x48: {  	_ =	shalt  }
0x49: {  	_ =	shalt  }
0x4a: {  	_ =	shalt  }
0x4b: {  	_ =	shalt  }
0x4c: {  	_ =	shalt  }
0x4d: {  	_ =	shalt  }
0x4e: {  	_ =	shalt  }
0x4f: {  	_ =	shalt  }
0x50: {  	_ =	shalt  }
0x51: {  	_ =	shalt  }
0x52: {  	_ =	shalt  }
0x53: {  	_ =	shalt  }
0x54: {  	_ =	shalt  }
0x55: {  	_ =	shalt  }
0x56: {  	_ =	shalt  }
0x57: {  	_ =	shalt  }
0x58: {  	_ =	shalt  }
0x59: {  	_ =	shalt  }
0x5a: {  	_ =	shalt  }
0x5b: {  	_ =	shalt  }
0x5c: {  	_ =	shalt  }
0x5d: {  	_ =	shalt  }
0x5e: {  	_ =	shalt  }
0x5f: {  	_ =	shalt  }
0x60: {  	_ =	shalt  }
0x61: {  	_ =	shalt  }
0x62: {  	_ =	shalt  }
0x63: {  	_ =	shalt  }
0x64: {  	_ =	shalt  }
0x65: {  	_ =	shalt  }
0x66: {  	_ =	shalt  }
0x67: {  	_ =	shalt  }
0x68: {  	_ =	shalt  }
0x69: {  	_ =	shalt  }
0x6a: {  	_ =	shalt  }
0x6b: {  	_ =	shalt  }
0x6c: {  	_ =	shalt  }
0x6d: {  	_ =	shalt  }
0x6e: {  	_ =	shalt  }
0x6f: {  	_ =	shalt  }
0x70: {  	_ =	shalt  }
0x71: {  	_ =	shalt  }
0x72: {  	_ =	shalt  }
0x73: {  	_ =	shalt  }
0x74: {  	_ =	shalt  }
0x75: {  	_ =	shalt  }
0x76: {  	_ =	shalt  }
0x77: {  	_ =	shalt  }
0x78: {  	_ =	shalt  }
0x79: {  	_ =	shalt  }
0x7a: {  	_ =	shalt  }
0x7b: {  	_ =	shalt  }
0x7c: {  	_ =	shalt  }
0x7d: {  	_ =	shalt  }
0x7e: {  	_ =	shalt  }
0x7f: {  	_ =	shalt  }
0x80: {  	_ =	shalt  }
0x81: {  	_ =	shalt  }
0x82: {  	_ =	shalt  }
0x83: {  	_ =	shalt  }
0x84: {  	_ =	shalt  }
0x85: {  	_ =	shalt  }
0x86: {  	_ =	shalt  }
0x87: {  	_ =	shalt  }
.Lfunc_end0:
.L_simem_size_0:
called_computation_lowered:
.L_overlay_start_0:
0x88: {  	s2 =	sld [smem:$0x3FD9]  }
0x89: {  	s3 =	sld [smem:$0x3FFE];
	_ =	sdelay $0x1  }
0x8a: {  	s1 =	srdreg.scid  }
0x8b: {  	s0 =	sand.u32 $0x1, s1  }
0x8c: {  	s17 =	sshll.u32 s0, $0xA;
	s2 =	sadd.s32 s3, s2  }
0x8d: {  	s2 =	sadd.s32 s2, s17  }
0x8e: {  	[smem:$0x3FB5] =	sst s2  }
0x8f: {  	_ = 	snop  }
0x90: {  	s2 =	sld [smem:$0x3FD0];
	(tm) =	ssettm $0x1  }
0x91: {  	s18 =	sld [smem:$0x3FFB];
	_ =	sdelay $0x3  }
0x92: {  	_ =	strace s18  }
0x93: {  	s3 =	sld [smem:$0x3FFC];
	_ =	sdelay $0x3  }
0x94: {  	_ =	strace s3  }
0x95: {  	s3 =	sld [smem:$0x3FFD];
	_ =	sdelay $0x3  }
0x96: {  	_ =	strace s3  }
0x97: {  	_ =	strace $0x8FFFFFFF  }
0x98: {  	s19 =	sld [smem:$0x3FDB];
	_ =	sdelay $0x1  }
0x99: {  	s4 =	simm.s32 $_scs_section_size  }
0x9a: {  	s5 =	simm.s32 $_size__tile_overlayer_lowered;
	s6 =	simm.s32 $_tile_overlayer_lowered  }
0x9b: {  	s22 =	simm.s32 $0x1BFF;
	s21 =	sshll.u32 s6, $0x1;
	s3 =	sadd.s32 s4, s19  }
0x9c: {  	s7 =	simm.s32 $0x0;
	s20 =	sshll.u32 s5, $0x1;
	s5 =	sadd.s32 s21, s3  }
0x9d: {  	[timem:s7], [sflag:s22] =	dma.local [hbm:s5], s20  }
0x9e: {  	_ =	swait.ge [sflag:s22], s20  }
0x9f: {  	s4 =	ssub.s32 $0x0, s20;
	[sflag:s22] =	ssyncset.done $0x0  }
0xa0: {  	[sflag:s22] =	ssyncadd.s32 s4;
	_ =	sdelay $0x1  }
0xa1: {  	s23 =	simm.s32 $0x1B8B  }
0xa2: {  	_ =	swait.ge [sflag:s23], $0x1  }
0xa3: {  	[sflag:s23] =	ssyncset.done $0x0  }
0xa4: {  	s25 =	simm.s32 $0x1B8E;
	s24 =	sld [smem:$0x3FFE];
	[sflag:s23] =	ssyncadd.s32 $0xFFFFFFFF  }
0xa5: {  	s26 =	simm.s32 $execute0_lowered;
	[smem:$0x3FD2] =	sst s25  }
0xa6: {  	s5 =	sshll.u32 s26, $0x1;
	_ =	strace $0x80000046;
	[dreg:$0x1] =	wrdreg $0xFFFFFFFF  }
0xa7: {  	s28 =	simm.s32 $_size_execute0_lowered;
	s3 =	sadd.s32 s3, s5;
	[dreg:$0x0] =	wrdreg $0x0  }
0xa8: {  	s5 =	sshll.u32 s28, $0x1;
	[dreg:$0x2] =	wrdreg s3  }
0xa9: {  	[dreg:$0x3] =	wrdreg s5  }
0xaa: {  	[dreg:$0x4] =	wrdreg $0xC0  }
0xab: {  	_ =	task [dreg:s7], $0x5FFFF  }
0xac: {  	[dreg:$0x1] =	wrdreg $0xFFFFFFFF  }
0xad: {  	[dreg:$0x0] =	wrdreg $0x60  }
0xae: {  	[dreg:$0x2] =	wrdreg s24  }
0xaf: {  	[dreg:$0x3] =	wrdreg s2  }
0xb0: {  	[dreg:$0x4] =	wrdreg $0x70800  }
0xb1: {  	[dreg:$0x5] =	wrdreg $0x9  }
0xb2: {  	_ =	task.clear_ibuf [dreg:s7], $0x6FFFF;
	_ =	strace $0x90000046  }
0xb3: {  	s29 =	simm.s32 $0x9;
	_ =	strace $0x80000048  }
0xb4: {  	_ =	swait.ge [sflag:s29], $0x1  }
0xb5: {  	[sflag:s29] =	ssyncadd.s32 $0xFFFFFFFF  }
0xb6: {  	_ =	strace $0x90000048  }
0xb7: {  	_ =	sfence  }
0xb8: {  	s30 =	sld [smem:$0x0];
	_ =	sdelay $0x2  }
0xb9: {  	s31 =	sshll.u32 s1, $0xD;
	s1 =	sshrl.u32 s1, $0x2  }
0xba: {  	s3 =	sand.u32 $0x4000, s31;
	s1 =	sadd.s32 s1, s30  }
0xbb: {  	s0 =	sor.u32 s3, s0;
	s1 =	sshll.u32 s1, $0x11  }
0xbc: {  	s0 =	sor.u32 s1, s0  }
0xbd: {  	s0 =	sadd.s32 $0x8F2B, s0  }
0xbe: {  	[sflag:s0] =	ssyncadd.remote.s32 $0x1  }
0xbf: {  	_ =	sfence.sel $0xFFFF  }
0xc0: {  	[dreg:$0x0] =	wrdreg $0xFFFFFFFF;
	(pc) =	sbr.abs _section_cstart, $3  }
0xc1: {  	[dreg:$0x1] =	wrdreg $0xFFFFFFFF  }
0xc2: {  	_ =	task.clear_ibuf [dreg:s7], $0x2FFFF;
	_ =	strace $0x9FFFFFFF  }
0xc3: {  	(tm) =	ssettm $0x7FFFFFFF  }
tec
execute0_lowered:
.L_overlay_start_1:
0x0: {  	(tag) =	ssettag $0x1  }
0x1: {  	s0 =	rddreg [dreg:$0x0]  }
0x2: {  	s1 =	simm.s32 $0x0;
	s11 =	stileid.u32;
	s2 =	srdreg.scid  }
0x3: {  	[smem:$0x7FF] =	sst s1;
	s3 =	smul.u32 $0x4B00, s11  }
0x4: {  	s2 =	sand.u32 $0x1, s2;
	s4 =	sadd.s32 $0x55600, s0;
	s13 =	smul.u32 $0x960, s11  }
0x5: {  	s5 =	sadd.s32 $0x42A00, s0;
	s7 =	sadd.s32 $0x4C000, s0;
	s15 =	smul.u32 $0x18700, s11  }
0x6: {  	s9 =	sadd.s32 $0x39400, s0;
	s16 =	smul.u32 $0x30E00, s11;
	s3 =	sshrl.u32 s3, $0x3  }
0x7: {  	s30 =	sadd.s32 $0x3400, s0;
	s31 =	sadd.s32 $0x34400, s0;
	s10 =	sadd.s32 s4, s3  }
0x8: {  	p1 =	seq.s32 s11, $0xF;
	s19 =	sadd.s32 s5, s3;
	[dreg:$0x4] =	wrdreg s10  }
0x9: {  	s11 =	simm.s32 $0x2;
	s22 =	sadd.s32 s7, s3;
	[dreg:$0x5] =	wrdreg s19  }
0xa: {  	s6 =	ssub.s32 $0x2, s2;
	s23 =	sadd.s32 s9, s3;
	[dreg:$0x8] =	wrdreg s22  }
0xb: {  	p0 =	sne.s32 s2, $0x0;
	s18 =	sadd.s32 $0x8FC, s3;
	[dreg:$0x9] =	wrdreg s23  }
0xc: {  	s8 =	sshrl.u32 s6, $0x1;
	s20 =	sadd.s32 s4, s18;
	s22 =	rddreg [dreg:$0x2]  }
0xd: {  	s17 =	sshrl.u32 s15, $0x4;
	s21 =	sadd.s32 s5, s18;
	[dreg:$0x6] =	wrdreg s20  }
0xe: {  	s6 =	ssub.s32 s6, s8;
	s24 =	sadd.s32 s7, s18;
	[dreg:$0x7] =	wrdreg s21  }
0xf: {  	s25 =	sadd.s32 $0x64, s3;
	s8 =	sadd.s32 s9, s18;
	[dreg:$0xa] =	wrdreg s24  }
0x10: {  	s3 =	sadd.s32 $0xC8, s3;
	s26 =	sadd.s32 s4, s25;
	[dreg:$0xb] =	wrdreg s8  }
0x11: {  	s2 =	sadd.s32 s17, s0;
	s28 =	sadd.s32 s5, s25;
	[dreg:$0xc] =	wrdreg s26  }
0x12: {  	s29 =	sadd.s32 s4, s3;
	s12 =	sadd.s32 s5, s3;
	[dreg:$0xd] =	wrdreg s28  }
0x13: {  	s14 =	sadd.s32 s7, s3;
	s3 =	sadd.s32 s9, s3;
	[dreg:$0xe] =	wrdreg s29  }
0x14: {  	s19 =	sadd.s32 s13, s5;
	s23 =	sadd.s32 s13, s9;
	[dreg:$0xf] =	wrdreg s12  }
0x15: {  	s5 =	simm.s32 $0x320;
	s10 =	simm.s32 $0x3;
	[dreg:$0x12] =	wrdreg s14  }
0x16: {  	s12 =	sadd.s32 s7, s25;
	s8 =	sadd.s32 s9, s25;
	[dreg:$0x13] =	wrdreg s3  }
0x17: {  	s20 =	rddreg [dreg:$0x1];
	s21 =	sadd.s32 s13, s4;
	s24 =	sadd.s32 s13, s7  }
0x18: {  	s3 =	sshrl.u32 s15, $0x1;
	s4 =	sshrl.u32 s16, $0x2;
	s28 =	sadd.s32 $0x5EC00, s2  }
0x19: {  	s2 =	sadd.s32 $0x77400, s2;
	s29 =	sadd.s32 $0x75A90, s0;
	[dreg:$0x10] =	wrdreg s12  }
0x1a: {  	s7 =	simm.s32 $0x960;
	s9 =	simm.s32 $0x1;
	[dreg:$0x11] =	wrdreg s8  }
0x1b: {  	s13 =	simm.s32 $0x0;
	_ =	strace $0x80000047;
	[dreg:$0x17] =	wrdreg s28  }
0x1c: {  	s25 =	sadd.s32 s3, s22;
	s18 =	sadd.s32 s4, s22;
	[dreg:$0x18] =	wrdreg s2  }
0x1d: {  	s8 =	simm.s32 $0x3E80;
	s4 =	sadd.s32 $0x3200, s18;
	[dreg:$0x19] =	wrdreg s29  }
.Ltmp0:
0x1e: {  	s26 =	sadd.s32 $0x6400, s18;
	[dreg:$0x14] =	wrdreg s4;
	(pc) =	sbr.rel .LBB2_1-.Ltmp0, $4  }
0x1f: {  	s12 =	simm.s32 $0x4;
	s3 =	sadd.s32 $0x9600, s18;
	[dreg:$0x15] =	wrdreg s26  }
0x20: {  	s18 =	sadd.s32 $0x1BC00, s0;
	s0 =	sadd.s32 $0x8E290, s0;
	[dreg:$0x16] =	wrdreg s3  }
0x21: {  	s2 =	sadd.s32 $0xB7480, s22;
	[dreg:$0x1a] =	wrdreg s0;
	s0 =	smax.u32 s6, $0x1  }
0x22: {  	v0 =	vimm.bf16 $0.0e+00;
	s3 =	simm.s32 $0xC80;
	s4 =	simm.s32 $0x5;
	s6 =	simm.s32 $0x640  }
.LBB2_13:
0x23: {  	[spmem:s22] =	stream.indirect.scatter.add.bf16 [tilespmem:s8], [sflag:$0x4], $0x10, s7, s5, $0xb8;
	[tilespmem:$0x13400] =	vst v63  }
0x24: {  	_ =	swait.ge [sflag:s12], $0x3200  }
0x25: {  	[sflag:s12] =	ssyncset.done $0x0  }
0x26: {  	s17 =	rddreg [dreg:$0xa];
	[sflag:s12] =	ssyncadd.s32 $0xFFFFCE00  }
0x27: {  	[tilespmem:s6], [sflag:$0x5] =	stream.linear.gather [hbm4b:s17+s1], $0x320, $0x38;
	[tilespmem:$0x13400] =	vst v63  }
0x28: {  	_ =	swait.ge [sflag:s4], $0x320  }
0x29: {  	[sflag:s4] =	ssyncset.done $0x0  }
0x2a: {  	s29 =	rddreg [dreg:$0xb];
	[sflag:s4] =	ssyncadd.s32 $0xFFFFFCE0  }
0x2b: {  	[tilespmem:s7], [sflag:$0x5] =	stream.linear.gather [hbm4b:s29+s1], $0x320, $0x38;
	[tilespmem:$0x13400] =	vst v63  }
0x2c: {  	_ =	swait.ge [sflag:s4], $0x320  }
0x2d: {  	[sflag:s4] =	ssyncset.done $0x0  }
0x2e: {  	[sflag:s4] =	ssyncadd.s32 $0xFFFFFCE0  }
0x2f: {  	[tilespmem:s8], [sflag:$0x2] =	stream.indirect.gather [hbm4b:s31+s5], $0x10, s6, s5, $0xb8;
	[tilespmem:$0x13400] =	vst v63  }
0x30: {  	_ =	swait.ge [sflag:s9], $0x3200  }
0x31: {  	[sflag:s9] =	ssyncset.done $0x0  }
0x32: {  	[sflag:s9] =	ssyncadd.s32 $0xFFFFCE00  }
0x33: {  	[spmem:s22] =	stream.indirect.scatter.add.bf16 [tilespmem:s3], [sflag:$0x3], $0x10, s5, s5, $0xb8;
	[tilespmem:$0x13400] =	vst v63  }
0x34: {  	_ =	swait.ge [sflag:s11], $0x3200  }
0x35: {  	[sflag:s11] =	ssyncset.done $0x0  }
0x36: {  	[sflag:s11] =	ssyncadd.s32 $0xFFFFCE00  }
0x37: {  	[spmem:s22] =	stream.indirect.scatter.add.bf16 [tilespmem:s8], [sflag:$0x4], $0x10, s7, s5, $0xb8;
	[tilespmem:$0x13400] =	vst v63  }
0x38: {  	_ =	swait.ge [sflag:s10], $0x3200  }
0x39: {  	[sflag:s10] =	ssyncset.done $0x0  }
0x3a: {  	[sflag:s10] =	ssyncadd.s32 $0xFFFFCE00  }
0x3b: {  	_ =	swait.ge [sflag:s12], $0x3200  }
0x3c: {  	[sflag:s12] =	ssyncset.done $0x0  }
0x3d: {  	[sflag:s12] =	ssyncadd.s32 $0xFFFFCE00  }
0x3e: {  	[bflag:$0x0] =	sbarrier.arrive $0xFFFF  }
0x3f: {  	s17 =	simm.s32 @p1 $0x1FC5;
	s26 =	rddreg [dreg:$0x19]  }
0x40: {  	[hbm:s26], [sflag:s17] =	dma.local @p1 [spmem:s16], $0x1810  }
0x41: {  	s16 =	simm.s32 @p1 $0x5  }
0x42: {  	_ =	swait.ge @p1 [sflag:s16], $0x1810  }
0x43: {  	[sflag:s16] =	ssyncset.done @p1 $0x0  }
0x44: {  	[sflag:s16] =	ssyncadd.s32 @p1 $0xFFFFE7F0;
	s16 =	rddreg [dreg:$0x17]  }
0x45: {  	[hbm:s16], [sflag:s15] =	dma.local @!p1 [spmem:s14], $0x1870  }
0x46: {  	s14 =	simm.s32 @!p1 $0x5  }
0x47: {  	_ =	swait.ge @!p1 [sflag:s14], $0x1870  }
0x48: {  	[sflag:s14] =	ssyncset.done @!p1 $0x0  }
0x49: {  	[sflag:s14] =	ssyncadd.s32 @!p1 $0xFFFFE790  }
.LBB2_14:
0x4a: {  	s13 =	sadd.s32 $0x1, s13  }
0x4b: {  	p2 =	sne.s32 s13, s0  }
.Ltmp1:
0x4c: {  	_ = 	snop;
	(pc) =	sbr.rel @!p2 .LBB2_15-.Ltmp1, $1  }
0x4d: {  	_ =	sdelay $0x3  }
.LBB2_1:
0x4e: {  	s14 =	simm.s32 $0x40;
	s15 =	simm.s32 $0x0  }
.LBB2_2:
0x4f: {  	p2 =	sne.s32 s14, $0xC7C0;
	[tilespmem:s15+$0xC80] =	vst v0;
	s15 =	smov.u32 s14;
	s14 =	sadd.s32 $0x40, s14  }
.Ltmp2:
0x50: {  	(pc) =	sbr.rel @p2 .LBB2_2-.Ltmp2, $2  }
0x51: {  	_ =	sdelay $0x2  }
0x52: {  	s15 =	sshra.s32 s15, $0x2  }
0x53: {  	[tilespmem:s15+$0xC80] =	vst v0  }
0x54: {  	[spmem:s25] =	stream.linear.scatter [tilespmem:s3], [sflag:$0x5], $0x3200, $0x38;
	[tilespmem:$0x13400] =	vst v63  }
0x55: {  	_ =	swait.ge [sflag:s4], $0x3200  }
0x56: {  	[sflag:s4] =	ssyncset.done $0x0  }
0x57: {  	s14 =	rddreg [dreg:$0x14];
	[sflag:s4] =	ssyncadd.s32 $0xFFFFCE00  }
0x58: {  	[spmem:s14] =	stream.linear.scatter [tilespmem:s3], [sflag:$0x5], $0x3200, $0x38;
	[tilespmem:$0x13400] =	vst v63  }
0x59: {  	_ =	swait.ge [sflag:s4], $0x3200  }
0x5a: {  	[sflag:s4] =	ssyncset.done $0x0  }
0x5b: {  	s17 =	rddreg [dreg:$0x15];
	[sflag:s4] =	ssyncadd.s32 $0xFFFFCE00  }
0x5c: {  	[spmem:s17] =	stream.linear.scatter [tilespmem:s3], [sflag:$0x5], $0x3200, $0x38;
	[tilespmem:$0x13400] =	vst v63  }
0x5d: {  	_ =	swait.ge [sflag:s4], $0x3200  }
0x5e: {  	[sflag:s4] =	ssyncset.done $0x0  }
0x5f: {  	s26 =	rddreg [dreg:$0x16];
	[sflag:s4] =	ssyncadd.s32 $0xFFFFCE00  }
0x60: {  	[spmem:s26] =	stream.linear.scatter [tilespmem:s3], [sflag:$0x5], $0x2D80, $0x38;
	[tilespmem:$0x13400] =	vst v63  }
0x61: {  	_ =	swait.ge [sflag:s4], $0x2D80  }
0x62: {  	[sflag:s4] =	ssyncset.done $0x0  }
0x63: {  	[sflag:s4] =	ssyncadd.s32 $0xFFFFD280  }
0x64: {  	[bflag:$0x0] =	sbarrier.arrive $0xFFFF  }
0x65: {  	s28 =	rddreg [dreg:$0x4]  }
0x66: {  	[tilespmem:s1], [sflag:$0x5] =	stream.linear.gather [hbm4b:s28+s1], $0x320, $0x38;
	[tilespmem:$0x13400] =	vst v63  }
0x67: {  	_ =	swait.ge [sflag:s4], $0x320  }
0x68: {  	[sflag:s4] =	ssyncset.done $0x0  }
.Ltmp3:
0x69: {  	s29 =	rddreg [dreg:$0x5];
	[sflag:s4] =	ssyncadd.s32 $0xFFFFFCE0;
	(pc) =	sbr.rel @p0 .LBB2_9-.Ltmp3, $4  }
0x6a: {  	[tilespmem:s5], [sflag:$0x5] =	stream.linear.gather [hbm4b:s29+s1], $0x320, $0x38;
	[tilespmem:$0x13400] =	vst v63  }
0x6b: {  	s14 =	stileid.u32;
	_ =	swait.ge [sflag:s4], $0x320  }
0x6c: {  	s16 =	sshrl.u32 @p1 s2, $0x3;
	s15 =	sshll.u32 @!p1 s14, $0x6;
	[sflag:s4] =	ssyncset.done $0x0  }
0x6d: {  	s14 =	sshrl.u32 @!p1 s25, $0x3;
	s15 =	sor.u32 @!p1 $0x1C05, s15;
	[sflag:s4] =	ssyncadd.s32 $0xFFFFFCE0  }
0x6e: {  	[tilespmem:s3], [sflag:$0x1] =	stream.indirect.gather [hbm4b:s18+s5], $0x10, s1, s5, $0xb8;
	[tilespmem:$0x13400] =	vst v63  }
0x6f: {  	s17 =	rddreg [dreg:$0xc]  }
0x70: {  	[tilespmem:s6], [sflag:$0x5] =	stream.linear.gather [hbm4b:s17+s1], $0x320, $0x38;
	[tilespmem:$0x13400] =	vst v63  }
0x71: {  	_ =	swait.ge [sflag:s4], $0x320  }
0x72: {  	[sflag:s4] =	ssyncset.done $0x0  }
0x73: {  	s29 =	rddreg [dreg:$0xd];
	[sflag:s4] =	ssyncadd.s32 $0xFFFFFCE0  }
0x74: {  	[tilespmem:s7], [sflag:$0x5] =	stream.linear.gather [hbm4b:s29+s1], $0x320, $0x38;
	[tilespmem:$0x13400] =	vst v63  }
0x75: {  	_ =	swait.ge [sflag:s4], $0x320  }
0x76: {  	[sflag:s4] =	ssyncset.done $0x0  }
0x77: {  	[sflag:s4] =	ssyncadd.s32 $0xFFFFFCE0  }
0x78: {  	[tilespmem:s8], [sflag:$0x2] =	stream.indirect.gather [hbm4b:s18+s5], $0x10, s6, s5, $0xb8;
	[tilespmem:$0x13400] =	vst v63  }
0x79: {  	_ =	swait.ge [sflag:s9], $0x3200  }
0x7a: {  	[sflag:s9] =	ssyncset.done $0x0  }
0x7b: {  	[sflag:s9] =	ssyncadd.s32 $0xFFFFCE00  }
0x7c: {  	[spmem:s22] =	stream.indirect.scatter.add.bf16 [tilespmem:s3], [sflag:$0x3], $0x10, s5, s5, $0xb8;
	[tilespmem:$0x13400] =	vst v63  }
0x7d: {  	_ =	swait.ge [sflag:s10], $0x3200  }
0x7e: {  	[sflag:s10] =	ssyncset.done $0x0  }
0x7f: {  	s26 =	rddreg [dreg:$0xe];
	[sflag:s10] =	ssyncadd.s32 $0xFFFFCE00  }
0x80: {  	[tilespmem:s1], [sflag:$0x5] =	stream.linear.gather [hbm4b:s26+s1], $0x320, $0x38;
	[tilespmem:$0x13400] =	vst v63  }
0x81: {  	_ =	swait.ge [sflag:s4], $0x320  }
0x82: {  	[sflag:s4] =	ssyncset.done $0x0  }
0x83: {  	s28 =	rddreg [dreg:$0xf];
	[sflag:s4] =	ssyncadd.s32 $0xFFFFFCE0  }
0x84: {  	[tilespmem:s5], [sflag:$0x5] =	stream.linear.gather [hbm4b:s28+s1], $0x320, $0x38;
	[tilespmem:$0x13400] =	vst v63  }
0x85: {  	_ =	swait.ge [sflag:s4], $0x320  }
0x86: {  	[sflag:s4] =	ssyncset.done $0x0  }
0x87: {  	[sflag:s4] =	ssyncadd.s32 $0xFFFFFCE0  }
0x88: {  	[tilespmem:s3], [sflag:$0x1] =	stream.indirect.gather [hbm4b:s18+s5], $0x10, s1, s5, $0xb8;
	[tilespmem:$0x13400] =	vst v63  }
0x89: {  	_ =	swait.ge [sflag:s11], $0x3200  }
0x8a: {  	[sflag:s11] =	ssyncset.done $0x0  }
0x8b: {  	[sflag:s11] =	ssyncadd.s32 $0xFFFFCE00  }
0x8c: {  	[spmem:s22] =	stream.indirect.scatter.add.bf16 [tilespmem:s8], [sflag:$0x4], $0x10, s7, s5, $0xb8;
	[tilespmem:$0x13400] =	vst v63  }
0x8d: {  	_ =	swait.ge [sflag:s12], $0x3200  }
0x8e: {  	s17 =	sadd.s32 $0xFFFFF830, s21;
	[sflag:s12] =	ssyncset.done $0x0  }
0x8f: {  	s26 =	sadd.s32 $0x8FC, s17;
	[sflag:s12] =	ssyncadd.s32 $0xFFFFCE00  }
0x90: {  	[tilespmem:s6], [sflag:$0x5] =	stream.linear.gather [hbm4b:s26+s1], $0x320, $0x38;
	[tilespmem:$0x13400] =	vst v63  }
0x91: {  	_ =	swait.ge [sflag:s4], $0x320  }
0x92: {  	s29 =	sadd.s32 $0xFFFFF830, s19;
	[sflag:s4] =	ssyncset.done $0x0  }
0x93: {  	s28 =	sadd.s32 $0x8FC, s29;
	[sflag:s4] =	ssyncadd.s32 $0xFFFFFCE0  }
0x94: {  	[tilespmem:s7], [sflag:$0x5] =	stream.linear.gather [hbm4b:s28+s1], $0x320, $0x38;
	[tilespmem:$0x13400] =	vst v63  }
0x95: {  	_ =	swait.ge [sflag:s4], $0x320  }
0x96: {  	[sflag:s4] =	ssyncset.done $0x0  }
0x97: {  	[sflag:s4] =	ssyncadd.s32 $0xFFFFFCE0  }
0x98: {  	[tilespmem:s8], [sflag:$0x2] =	stream.indirect.gather [hbm4b:s18+s5], $0x10, s6, s5, $0xb8;
	[tilespmem:$0x13400] =	vst v63  }
0x99: {  	_ =	swait.ge [sflag:s9], $0x3200  }
0x9a: {  	[sflag:s9] =	ssyncset.done $0x0  }
0x9b: {  	[sflag:s9] =	ssyncadd.s32 $0xFFFFCE00  }
0x9c: {  	[spmem:s22] =	stream.indirect.scatter.add.bf16 [tilespmem:s3], [sflag:$0x3], $0x10, s5, s5, $0xb8;
	[tilespmem:$0x13400] =	vst v63  }
0x9d: {  	_ =	swait.ge [sflag:s10], $0x3200  }
0x9e: {  	[sflag:s10] =	ssyncset.done $0x0  }
0x9f: {  	s17 =	sadd.s32 $0x960, s17;
	[sflag:s10] =	ssyncadd.s32 $0xFFFFCE00  }
0xa0: {  	[tilespmem:s1], [sflag:$0x5] =	stream.linear.gather [hbm4b:s17+s1], $0x320, $0x38;
	[tilespmem:$0x13400] =	vst v63  }
0xa1: {  	_ =	swait.ge [sflag:s4], $0x320  }
0xa2: {  	[sflag:s4] =	ssyncset.done $0x0  }
0xa3: {  	s29 =	sadd.s32 $0x960, s29;
	[sflag:s4] =	ssyncadd.s32 $0xFFFFFCE0  }
0xa4: {  	[tilespmem:s5], [sflag:$0x5] =	stream.linear.gather [hbm4b:s29+s1], $0x320, $0x38;
	[tilespmem:$0x13400] =	vst v63  }
0xa5: {  	_ =	swait.ge [sflag:s4], $0x320  }
0xa6: {  	[sflag:s4] =	ssyncset.done $0x0  }
0xa7: {  	[sflag:s4] =	ssyncadd.s32 $0xFFFFFCE0  }
0xa8: {  	[tilespmem:s3], [sflag:$0x1] =	stream.indirect.gather [hbm4b:s18+s5], $0x10, s1, s5, $0xb8;
	[tilespmem:$0x13400] =	vst v63  }
0xa9: {  	_ =	swait.ge [sflag:s11], $0x3200  }
0xaa: {  	[sflag:s11] =	ssyncset.done $0x0  }
0xab: {  	s17 =	simm.s32 $0xFFFFF8F8;
	[sflag:s11] =	ssyncadd.s32 $0xFFFFCE00  }
.LBB2_5:
0xac: {  	[spmem:s22] =	stream.indirect.scatter.add.bf16 [tilespmem:s8], [sflag:$0x4], $0x10, s7, s5, $0xb8;
	[tilespmem:$0x13400] =	vst v63  }
0xad: {  	s26 =	smov.u32 s17  }
0xae: {  	p2 =	sne.s32 s17, $0xFFFFFF38;
	s17 =	sadd.s32 $0xC8, s17;
	_ =	swait.ge [sflag:s12], $0x3200  }
0xaf: {  	s28 =	sadd.s32 s26, s21;
	[sflag:s12] =	ssyncset.done $0x0  }
0xb0: {  	s29 =	sadd.s32 $0x8FC, s28;
	[sflag:s12] =	ssyncadd.s32 $0xFFFFCE00  }
0xb1: {  	[tilespmem:s6], [sflag:$0x5] =	stream.linear.gather [hbm4b:s29+s1], $0x320, $0x38;
	[tilespmem:$0x13400] =	vst v63  }
0xb2: {  	_ =	swait.ge [sflag:s4], $0x320  }
0xb3: {  	s26 =	sadd.s32 s26, s19;
	[sflag:s4] =	ssyncset.done $0x0  }
0xb4: {  	s29 =	sadd.s32 $0x8FC, s26;
	[sflag:s4] =	ssyncadd.s32 $0xFFFFFCE0  }
0xb5: {  	[tilespmem:s7], [sflag:$0x5] =	stream.linear.gather [hbm4b:s29+s1], $0x320, $0x38;
	[tilespmem:$0x13400] =	vst v63  }
0xb6: {  	_ =	swait.ge [sflag:s4], $0x320  }
0xb7: {  	[sflag:s4] =	ssyncset.done $0x0  }
0xb8: {  	[sflag:s4] =	ssyncadd.s32 $0xFFFFFCE0  }
0xb9: {  	[tilespmem:s8], [sflag:$0x2] =	stream.indirect.gather [hbm4b:s18+s5], $0x10, s6, s5, $0xb8;
	[tilespmem:$0x13400] =	vst v63  }
0xba: {  	_ =	swait.ge [sflag:s9], $0x3200  }
0xbb: {  	[sflag:s9] =	ssyncset.done $0x0  }
0xbc: {  	[sflag:s9] =	ssyncadd.s32 $0xFFFFCE00  }
0xbd: {  	[spmem:s22] =	stream.indirect.scatter.add.bf16 [tilespmem:s3], [sflag:$0x3], $0x10, s5, s5, $0xb8;
	[tilespmem:$0x13400] =	vst v63  }
0xbe: {  	_ =	swait.ge [sflag:s10], $0x3200  }
0xbf: {  	[sflag:s10] =	ssyncset.done $0x0  }
0xc0: {  	s28 =	sadd.s32 $0x960, s28;
	[sflag:s10] =	ssyncadd.s32 $0xFFFFCE00  }
0xc1: {  	[tilespmem:s1], [sflag:$0x5] =	stream.linear.gather [hbm4b:s28+s1], $0x320, $0x38;
	[tilespmem:$0x13400] =	vst v63  }
0xc2: {  	_ =	swait.ge [sflag:s4], $0x320  }
0xc3: {  	[sflag:s4] =	ssyncset.done $0x0  }
0xc4: {  	s26 =	sadd.s32 $0x960, s26;
	[sflag:s4] =	ssyncadd.s32 $0xFFFFFCE0  }
0xc5: {  	[tilespmem:s5], [sflag:$0x5] =	stream.linear.gather [hbm4b:s26+s1], $0x320, $0x38;
	[tilespmem:$0x13400] =	vst v63  }
0xc6: {  	_ =	swait.ge [sflag:s4], $0x320  }
0xc7: {  	[sflag:s4] =	ssyncset.done $0x0  }
.Ltmp4:
0xc8: {  	[sflag:s4] =	ssyncadd.s32 $0xFFFFFCE0;
	(pc) =	sbr.rel @p2 .LBB2_5-.Ltmp4, $4  }
0xc9: {  	[tilespmem:s3], [sflag:$0x1] =	stream.indirect.gather [hbm4b:s18+s5], $0x10, s1, s5, $0xb8;
	[tilespmem:$0x13400] =	vst v63  }
0xca: {  	_ =	swait.ge [sflag:s11], $0x3200  }
0xcb: {  	[sflag:s11] =	ssyncset.done $0x0  }
0xcc: {  	[sflag:s11] =	ssyncadd.s32 $0xFFFFCE00  }
0xcd: {  	[spmem:s22] =	stream.indirect.scatter.add.bf16 [tilespmem:s8], [sflag:$0x4], $0x10, s7, s5, $0xb8;
	[tilespmem:$0x13400] =	vst v63  }
0xce: {  	_ =	swait.ge [sflag:s12], $0x3200  }
0xcf: {  	[sflag:s12] =	ssyncset.done $0x0  }
0xd0: {  	s17 =	rddreg [dreg:$0x6];
	[sflag:s12] =	ssyncadd.s32 $0xFFFFCE00  }
0xd1: {  	[tilespmem:s6], [sflag:$0x5] =	stream.linear.gather [hbm4b:s17+s1], $0x320, $0x38;
	[tilespmem:$0x13400] =	vst v63  }
0xd2: {  	_ =	swait.ge [sflag:s4], $0x320  }
0xd3: {  	[sflag:s4] =	ssyncset.done $0x0  }
0xd4: {  	s28 =	rddreg [dreg:$0x7];
	[sflag:s4] =	ssyncadd.s32 $0xFFFFFCE0  }
0xd5: {  	[tilespmem:s7], [sflag:$0x5] =	stream.linear.gather [hbm4b:s28+s1], $0x320, $0x38;
	[tilespmem:$0x13400] =	vst v63  }
0xd6: {  	_ =	swait.ge [sflag:s4], $0x320  }
0xd7: {  	[sflag:s4] =	ssyncset.done $0x0  }
0xd8: {  	[sflag:s4] =	ssyncadd.s32 $0xFFFFFCE0  }
0xd9: {  	[tilespmem:s8], [sflag:$0x2] =	stream.indirect.gather [hbm4b:s18+s5], $0x10, s6, s5, $0xb8;
	[tilespmem:$0x13400] =	vst v63  }
0xda: {  	_ =	swait.ge [sflag:s9], $0x3200  }
0xdb: {  	[sflag:s9] =	ssyncset.done $0x0  }
0xdc: {  	[sflag:s9] =	ssyncadd.s32 $0xFFFFCE00  }
0xdd: {  	[spmem:s22] =	stream.indirect.scatter.add.bf16 [tilespmem:s3], [sflag:$0x3], $0x10, s5, s5, $0xb8;
	[tilespmem:$0x13400] =	vst v63  }
0xde: {  	_ =	swait.ge [sflag:s11], $0x3200  }
0xdf: {  	[sflag:s11] =	ssyncset.done $0x0  }
0xe0: {  	[sflag:s11] =	ssyncadd.s32 $0xFFFFCE00  }
0xe1: {  	[spmem:s22] =	stream.indirect.scatter.add.bf16 [tilespmem:s8], [sflag:$0x4], $0x10, s7, s5, $0xb8;
	[tilespmem:$0x13400] =	vst v63  }
0xe2: {  	_ =	swait.ge [sflag:s10], $0x3200  }
0xe3: {  	[sflag:s10] =	ssyncset.done $0x0  }
0xe4: {  	[sflag:s10] =	ssyncadd.s32 $0xFFFFCE00  }
0xe5: {  	_ =	swait.ge [sflag:s12], $0x3200  }
0xe6: {  	[sflag:s12] =	ssyncset.done $0x0  }
0xe7: {  	s29 =	rddreg [dreg:$0x8];
	[sflag:s12] =	ssyncadd.s32 $0xFFFFCE00  }
0xe8: {  	[tilespmem:s1], [sflag:$0x5] =	stream.linear.gather [hbm4b:s29+s1], $0x320, $0x38;
	[tilespmem:$0x13400] =	vst v63  }
0xe9: {  	_ =	swait.ge [sflag:s4], $0x320  }
0xea: {  	[sflag:s4] =	ssyncset.done $0x0  }
0xeb: {  	s26 =	rddreg [dreg:$0x9];
	[sflag:s4] =	ssyncadd.s32 $0xFFFFFCE0  }
0xec: {  	[tilespmem:s5], [sflag:$0x5] =	stream.linear.gather [hbm4b:s26+s1], $0x320, $0x38;
	[tilespmem:$0x13400] =	vst v63  }
0xed: {  	_ =	swait.ge [sflag:s4], $0x320  }
0xee: {  	[sflag:s4] =	ssyncset.done $0x0  }
0xef: {  	[sflag:s4] =	ssyncadd.s32 $0xFFFFFCE0  }
0xf0: {  	[tilespmem:s3], [sflag:$0x1] =	stream.indirect.gather [hbm4b:s20+s5], $0x10, s1, s5, $0xb8;
	[tilespmem:$0x13400] =	vst v63  }
0xf1: {  	s28 =	rddreg [dreg:$0x10]  }
0xf2: {  	[tilespmem:s6], [sflag:$0x5] =	stream.linear.gather [hbm4b:s28+s1], $0x320, $0x38;
	[tilespmem:$0x13400] =	vst v63  }
0xf3: {  	_ =	swait.ge [sflag:s4], $0x320  }
0xf4: {  	[sflag:s4] =	ssyncset.done $0x0  }
0xf5: {  	s29 =	rddreg [dreg:$0x11];
	[sflag:s4] =	ssyncadd.s32 $0xFFFFFCE0  }
0xf6: {  	[tilespmem:s7], [sflag:$0x5] =	stream.linear.gather [hbm4b:s29+s1], $0x320, $0x38;
	[tilespmem:$0x13400] =	vst v63  }
0xf7: {  	_ =	swait.ge [sflag:s4], $0x320  }
0xf8: {  	[sflag:s4] =	ssyncset.done $0x0  }
0xf9: {  	[sflag:s4] =	ssyncadd.s32 $0xFFFFFCE0  }
0xfa: {  	[tilespmem:s8], [sflag:$0x2] =	stream.indirect.gather [hbm4b:s20+s5], $0x10, s6, s5, $0xb8;
	[tilespmem:$0x13400] =	vst v63  }
0xfb: {  	_ =	swait.ge [sflag:s9], $0x3200  }
0xfc: {  	[sflag:s9] =	ssyncset.done $0x0  }
0xfd: {  	[sflag:s9] =	ssyncadd.s32 $0xFFFFCE00  }
0xfe: {  	[spmem:s22] =	stream.indirect.scatter.add.bf16 [tilespmem:s3], [sflag:$0x3], $0x10, s5, s5, $0xb8;
	[tilespmem:$0x13400] =	vst v63  }
0xff: {  	_ =	swait.ge [sflag:s10], $0x3200  }
0x100: {  	[sflag:s10] =	ssyncset.done $0x0  }
0x101: {  	s26 =	rddreg [dreg:$0x12];
	[sflag:s10] =	ssyncadd.s32 $0xFFFFCE00  }
0x102: {  	[tilespmem:s1], [sflag:$0x5] =	stream.linear.gather [hbm4b:s26+s1], $0x320, $0x38;
	[tilespmem:$0x13400] =	vst v63  }
0x103: {  	_ =	swait.ge [sflag:s4], $0x320  }
0x104: {  	[sflag:s4] =	ssyncset.done $0x0  }
0x105: {  	s28 =	rddreg [dreg:$0x13];
	[sflag:s4] =	ssyncadd.s32 $0xFFFFFCE0  }
0x106: {  	[tilespmem:s5], [sflag:$0x5] =	stream.linear.gather [hbm4b:s28+s1], $0x320, $0x38;
	[tilespmem:$0x13400] =	vst v63  }
0x107: {  	_ =	swait.ge [sflag:s4], $0x320  }
0x108: {  	[sflag:s4] =	ssyncset.done $0x0  }
0x109: {  	[sflag:s4] =	ssyncadd.s32 $0xFFFFFCE0  }
0x10a: {  	[tilespmem:s3], [sflag:$0x1] =	stream.indirect.gather [hbm4b:s20+s5], $0x10, s1, s5, $0xb8;
	[tilespmem:$0x13400] =	vst v63  }
0x10b: {  	_ =	swait.ge [sflag:s11], $0x3200  }
0x10c: {  	[sflag:s11] =	ssyncset.done $0x0  }
0x10d: {  	[sflag:s11] =	ssyncadd.s32 $0xFFFFCE00  }
0x10e: {  	[spmem:s22] =	stream.indirect.scatter.add.bf16 [tilespmem:s8], [sflag:$0x4], $0x10, s7, s5, $0xb8;
	[tilespmem:$0x13400] =	vst v63  }
0x10f: {  	_ =	swait.ge [sflag:s12], $0x3200  }
0x110: {  	s17 =	sadd.s32 $0xFFFFF830, s24;
	[sflag:s12] =	ssyncset.done $0x0  }
0x111: {  	s26 =	sadd.s32 $0x8FC, s17;
	[sflag:s12] =	ssyncadd.s32 $0xFFFFCE00  }
0x112: {  	[tilespmem:s6], [sflag:$0x5] =	stream.linear.gather [hbm4b:s26+s1], $0x320, $0x38;
	[tilespmem:$0x13400] =	vst v63  }
0x113: {  	_ =	swait.ge [sflag:s4], $0x320  }
0x114: {  	s29 =	sadd.s32 $0xFFFFF830, s23;
	[sflag:s4] =	ssyncset.done $0x0  }
0x115: {  	s28 =	sadd.s32 $0x8FC, s29;
	[sflag:s4] =	ssyncadd.s32 $0xFFFFFCE0  }
0x116: {  	[tilespmem:s7], [sflag:$0x5] =	stream.linear.gather [hbm4b:s28+s1], $0x320, $0x38;
	[tilespmem:$0x13400] =	vst v63  }
0x117: {  	_ =	swait.ge [sflag:s4], $0x320  }
0x118: {  	[sflag:s4] =	ssyncset.done $0x0  }
0x119: {  	[sflag:s4] =	ssyncadd.s32 $0xFFFFFCE0  }
0x11a: {  	[tilespmem:s8], [sflag:$0x2] =	stream.indirect.gather [hbm4b:s20+s5], $0x10, s6, s5, $0xb8;
	[tilespmem:$0x13400] =	vst v63  }
0x11b: {  	_ =	swait.ge [sflag:s9], $0x3200  }
0x11c: {  	[sflag:s9] =	ssyncset.done $0x0  }
0x11d: {  	[sflag:s9] =	ssyncadd.s32 $0xFFFFCE00  }
0x11e: {  	[spmem:s22] =	stream.indirect.scatter.add.bf16 [tilespmem:s3], [sflag:$0x3], $0x10, s5, s5, $0xb8;
	[tilespmem:$0x13400] =	vst v63  }
0x11f: {  	_ =	swait.ge [sflag:s10], $0x3200  }
0x120: {  	[sflag:s10] =	ssyncset.done $0x0  }
0x121: {  	s17 =	sadd.s32 $0x960, s17;
	[sflag:s10] =	ssyncadd.s32 $0xFFFFCE00  }
0x122: {  	[tilespmem:s1], [sflag:$0x5] =	stream.linear.gather [hbm4b:s17+s1], $0x320, $0x38;
	[tilespmem:$0x13400] =	vst v63  }
0x123: {  	_ =	swait.ge [sflag:s4], $0x320  }
0x124: {  	[sflag:s4] =	ssyncset.done $0x0  }
0x125: {  	s29 =	sadd.s32 $0x960, s29;
	[sflag:s4] =	ssyncadd.s32 $0xFFFFFCE0  }
0x126: {  	[tilespmem:s5], [sflag:$0x5] =	stream.linear.gather [hbm4b:s29+s1], $0x320, $0x38;
	[tilespmem:$0x13400] =	vst v63  }
0x127: {  	_ =	swait.ge [sflag:s4], $0x320  }
0x128: {  	[sflag:s4] =	ssyncset.done $0x0  }
0x129: {  	[sflag:s4] =	ssyncadd.s32 $0xFFFFFCE0  }
0x12a: {  	[tilespmem:s3], [sflag:$0x1] =	stream.indirect.gather [hbm4b:s20+s5], $0x10, s1, s5, $0xb8;
	[tilespmem:$0x13400] =	vst v63  }
0x12b: {  	_ =	swait.ge [sflag:s11], $0x3200  }
0x12c: {  	[sflag:s11] =	ssyncset.done $0x0  }
0x12d: {  	s17 =	simm.s32 $0xFFFFF8F8;
	[sflag:s11] =	ssyncadd.s32 $0xFFFFCE00  }
.LBB2_7:
0x12e: {  	[spmem:s22] =	stream.indirect.scatter.add.bf16 [tilespmem:s8], [sflag:$0x4], $0x10, s7, s5, $0xb8;
	[tilespmem:$0x13400] =	vst v63  }
0x12f: {  	s26 =	smov.u32 s17  }
0x130: {  	p2 =	sne.s32 s17, $0xFFFFFF38;
	s17 =	sadd.s32 $0xC8, s17;
	_ =	swait.ge [sflag:s12], $0x3200  }
0x131: {  	s28 =	sadd.s32 s26, s24;
	[sflag:s12] =	ssyncset.done $0x0  }
0x132: {  	s29 =	sadd.s32 $0x8FC, s28;
	[sflag:s12] =	ssyncadd.s32 $0xFFFFCE00  }
0x133: {  	[tilespmem:s6], [sflag:$0x5] =	stream.linear.gather [hbm4b:s29+s1], $0x320, $0x38;
	[tilespmem:$0x13400] =	vst v63  }
0x134: {  	_ =	swait.ge [sflag:s4], $0x320  }
0x135: {  	s26 =	sadd.s32 s26, s23;
	[sflag:s4] =	ssyncset.done $0x0  }
0x136: {  	s29 =	sadd.s32 $0x8FC, s26;
	[sflag:s4] =	ssyncadd.s32 $0xFFFFFCE0  }
0x137: {  	[tilespmem:s7], [sflag:$0x5] =	stream.linear.gather [hbm4b:s29+s1], $0x320, $0x38;
	[tilespmem:$0x13400] =	vst v63  }
0x138: {  	_ =	swait.ge [sflag:s4], $0x320  }
0x139: {  	[sflag:s4] =	ssyncset.done $0x0  }
0x13a: {  	[sflag:s4] =	ssyncadd.s32 $0xFFFFFCE0  }
0x13b: {  	[tilespmem:s8], [sflag:$0x2] =	stream.indirect.gather [hbm4b:s20+s5], $0x10, s6, s5, $0xb8;
	[tilespmem:$0x13400] =	vst v63  }
0x13c: {  	_ =	swait.ge [sflag:s9], $0x3200  }
0x13d: {  	[sflag:s9] =	ssyncset.done $0x0  }
0x13e: {  	[sflag:s9] =	ssyncadd.s32 $0xFFFFCE00  }
0x13f: {  	[spmem:s22] =	stream.indirect.scatter.add.bf16 [tilespmem:s3], [sflag:$0x3], $0x10, s5, s5, $0xb8;
	[tilespmem:$0x13400] =	vst v63  }
0x140: {  	_ =	swait.ge [sflag:s10], $0x3200  }
0x141: {  	[sflag:s10] =	ssyncset.done $0x0  }
0x142: {  	s28 =	sadd.s32 $0x960, s28;
	[sflag:s10] =	ssyncadd.s32 $0xFFFFCE00  }
0x143: {  	[tilespmem:s1], [sflag:$0x5] =	stream.linear.gather [hbm4b:s28+s1], $0x320, $0x38;
	[tilespmem:$0x13400] =	vst v63  }
0x144: {  	_ =	swait.ge [sflag:s4], $0x320  }
0x145: {  	[sflag:s4] =	ssyncset.done $0x0  }
0x146: {  	s26 =	sadd.s32 $0x960, s26;
	[sflag:s4] =	ssyncadd.s32 $0xFFFFFCE0  }
0x147: {  	[tilespmem:s5], [sflag:$0x5] =	stream.linear.gather [hbm4b:s26+s1], $0x320, $0x38;
	[tilespmem:$0x13400] =	vst v63  }
0x148: {  	_ =	swait.ge [sflag:s4], $0x320  }
0x149: {  	[sflag:s4] =	ssyncset.done $0x0  }
.Ltmp5:
0x14a: {  	[sflag:s4] =	ssyncadd.s32 $0xFFFFFCE0;
	(pc) =	sbr.rel @p2 .LBB2_7-.Ltmp5, $4  }
0x14b: {  	[tilespmem:s3], [sflag:$0x1] =	stream.indirect.gather [hbm4b:s20+s5], $0x10, s1, s5, $0xb8;
	[tilespmem:$0x13400] =	vst v63  }
0x14c: {  	_ =	swait.ge [sflag:s11], $0x3200  }
0x14d: {  	[sflag:s11] =	ssyncset.done $0x0  }
0x14e: {  	[sflag:s11] =	ssyncadd.s32 $0xFFFFCE00  }
0x14f: {  	[spmem:s22] =	stream.indirect.scatter.add.bf16 [tilespmem:s8], [sflag:$0x4], $0x10, s7, s5, $0xb8;
	[tilespmem:$0x13400] =	vst v63  }
0x150: {  	_ =	swait.ge [sflag:s12], $0x3200  }
0x151: {  	[sflag:s12] =	ssyncset.done $0x0  }
0x152: {  	s17 =	rddreg [dreg:$0xa];
	[sflag:s12] =	ssyncadd.s32 $0xFFFFCE00  }
0x153: {  	[tilespmem:s6], [sflag:$0x5] =	stream.linear.gather [hbm4b:s17+s1], $0x320, $0x38;
	[tilespmem:$0x13400] =	vst v63  }
0x154: {  	_ =	swait.ge [sflag:s4], $0x320  }
0x155: {  	[sflag:s4] =	ssyncset.done $0x0  }
0x156: {  	s29 =	rddreg [dreg:$0xb];
	[sflag:s4] =	ssyncadd.s32 $0xFFFFFCE0  }
0x157: {  	[tilespmem:s7], [sflag:$0x5] =	stream.linear.gather [hbm4b:s29+s1], $0x320, $0x38;
	[tilespmem:$0x13400] =	vst v63  }
0x158: {  	_ =	swait.ge [sflag:s4], $0x320  }
0x159: {  	[sflag:s4] =	ssyncset.done $0x0  }
0x15a: {  	[sflag:s4] =	ssyncadd.s32 $0xFFFFFCE0  }
0x15b: {  	[tilespmem:s8], [sflag:$0x2] =	stream.indirect.gather [hbm4b:s20+s5], $0x10, s6, s5, $0xb8;
	[tilespmem:$0x13400] =	vst v63  }
0x15c: {  	_ =	swait.ge [sflag:s9], $0x3200  }
0x15d: {  	[sflag:s9] =	ssyncset.done $0x0  }
0x15e: {  	[sflag:s9] =	ssyncadd.s32 $0xFFFFCE00  }
0x15f: {  	[spmem:s22] =	stream.indirect.scatter.add.bf16 [tilespmem:s3], [sflag:$0x3], $0x10, s5, s5, $0xb8;
	[tilespmem:$0x13400] =	vst v63  }
0x160: {  	_ =	swait.ge [sflag:s11], $0x3200  }
0x161: {  	[sflag:s11] =	ssyncset.done $0x0  }
0x162: {  	[sflag:s11] =	ssyncadd.s32 $0xFFFFCE00  }
0x163: {  	[spmem:s22] =	stream.indirect.scatter.add.bf16 [tilespmem:s8], [sflag:$0x4], $0x10, s7, s5, $0xb8;
	[tilespmem:$0x13400] =	vst v63  }
0x164: {  	_ =	swait.ge [sflag:s10], $0x3200  }
0x165: {  	[sflag:s10] =	ssyncset.done $0x0  }
0x166: {  	[sflag:s10] =	ssyncadd.s32 $0xFFFFCE00  }
0x167: {  	_ =	swait.ge [sflag:s12], $0x3200  }
0x168: {  	[sflag:s12] =	ssyncset.done $0x0  }
0x169: {  	[sflag:s12] =	ssyncadd.s32 $0xFFFFCE00  }
0x16a: {  	[bflag:$0x0] =	sbarrier.arrive $0xFFFF  }
0x16b: {  	s17 =	simm.s32 @p1 $0x1FC5;
	s26 =	rddreg [dreg:$0x1a]  }
0x16c: {  	[hbm:s26], [sflag:s17] =	dma.local @p1 [spmem:s16], $0x1810  }
0x16d: {  	s16 =	simm.s32 @p1 $0x5  }
0x16e: {  	_ =	swait.ge @p1 [sflag:s16], $0x1810  }
0x16f: {  	[sflag:s16] =	ssyncset.done @p1 $0x0  }
0x170: {  	[sflag:s16] =	ssyncadd.s32 @p1 $0xFFFFE7F0;
	s16 =	rddreg [dreg:$0x18]  }
0x171: {  	[hbm:s16], [sflag:s15] =	dma.local @!p1 [spmem:s14], $0x1870  }
.Ltmp6:
0x172: {  	_ = 	snop;
	(pc) =	sbr.rel .LBB2_14-.Ltmp6, $4  }
0x173: {  	s14 =	simm.s32 @!p1 $0x5  }
0x174: {  	_ =	swait.ge @!p1 [sflag:s14], $0x1870  }
0x175: {  	[sflag:s14] =	ssyncset.done @!p1 $0x0  }
0x176: {  	[sflag:s14] =	ssyncadd.s32 @!p1 $0xFFFFE790  }
.LBB2_9:
0x177: {  	[tilespmem:s3], [sflag:$0x1] =	stream.indirect.gather [hbm4b:s30+s5], $0x10, s1, s5, $0xb8;
	[tilespmem:$0x13400] =	vst v63  }
0x178: {  	s17 =	rddreg [dreg:$0xc]  }
0x179: {  	[tilespmem:s6], [sflag:$0x5] =	stream.linear.gather [hbm4b:s17+s1], $0x320, $0x38;
	[tilespmem:$0x13400] =	vst v63  }
0x17a: {  	_ =	swait.ge [sflag:s4], $0x320  }
0x17b: {  	[sflag:s4] =	ssyncset.done $0x0  }
0x17c: {  	s29 =	rddreg [dreg:$0xd];
	[sflag:s4] =	ssyncadd.s32 $0xFFFFFCE0  }
0x17d: {  	[tilespmem:s7], [sflag:$0x5] =	stream.linear.gather [hbm4b:s29+s1], $0x320, $0x38;
	[tilespmem:$0x13400] =	vst v63  }
0x17e: {  	_ =	swait.ge [sflag:s4], $0x320  }
0x17f: {  	[sflag:s4] =	ssyncset.done $0x0  }
0x180: {  	[sflag:s4] =	ssyncadd.s32 $0xFFFFFCE0  }
0x181: {  	[tilespmem:s8], [sflag:$0x2] =	stream.indirect.gather [hbm4b:s30+s5], $0x10, s6, s5, $0xb8;
	[tilespmem:$0x13400] =	vst v63  }
0x182: {  	_ =	swait.ge [sflag:s9], $0x3200  }
0x183: {  	[sflag:s9] =	ssyncset.done $0x0  }
0x184: {  	[sflag:s9] =	ssyncadd.s32 $0xFFFFCE00  }
0x185: {  	[spmem:s22] =	stream.indirect.scatter.add.bf16 [tilespmem:s3], [sflag:$0x3], $0x10, s5, s5, $0xb8;
	[tilespmem:$0x13400] =	vst v63  }
0x186: {  	_ =	swait.ge [sflag:s10], $0x3200  }
0x187: {  	[sflag:s10] =	ssyncset.done $0x0  }
0x188: {  	s26 =	rddreg [dreg:$0xe];
	[sflag:s10] =	ssyncadd.s32 $0xFFFFCE00  }
0x189: {  	[tilespmem:s1], [sflag:$0x5] =	stream.linear.gather [hbm4b:s26+s1], $0x320, $0x38;
	[tilespmem:$0x13400] =	vst v63  }
0x18a: {  	_ =	swait.ge [sflag:s4], $0x320  }
0x18b: {  	[sflag:s4] =	ssyncset.done $0x0  }
0x18c: {  	s28 =	rddreg [dreg:$0xf];
	[sflag:s4] =	ssyncadd.s32 $0xFFFFFCE0  }
0x18d: {  	[tilespmem:s5], [sflag:$0x5] =	stream.linear.gather [hbm4b:s28+s1], $0x320, $0x38;
	[tilespmem:$0x13400] =	vst v63  }
0x18e: {  	_ =	swait.ge [sflag:s4], $0x320  }
0x18f: {  	[sflag:s4] =	ssyncset.done $0x0  }
0x190: {  	[sflag:s4] =	ssyncadd.s32 $0xFFFFFCE0  }
0x191: {  	[tilespmem:s3], [sflag:$0x1] =	stream.indirect.gather [hbm4b:s30+s5], $0x10, s1, s5, $0xb8;
	[tilespmem:$0x13400] =	vst v63  }
0x192: {  	_ =	swait.ge [sflag:s11], $0x3200  }
0x193: {  	[sflag:s11] =	ssyncset.done $0x0  }
0x194: {  	[sflag:s11] =	ssyncadd.s32 $0xFFFFCE00  }
0x195: {  	[spmem:s22] =	stream.indirect.scatter.add.bf16 [tilespmem:s8], [sflag:$0x4], $0x10, s7, s5, $0xb8;
	[tilespmem:$0x13400] =	vst v63  }
0x196: {  	_ =	swait.ge [sflag:s12], $0x3200  }
0x197: {  	s17 =	sadd.s32 $0xFFFFF830, s21;
	[sflag:s12] =	ssyncset.done $0x0  }
0x198: {  	s26 =	sadd.s32 $0x8FC, s17;
	[sflag:s12] =	ssyncadd.s32 $0xFFFFCE00  }
0x199: {  	[tilespmem:s6], [sflag:$0x5] =	stream.linear.gather [hbm4b:s26+s1], $0x320, $0x38;
	[tilespmem:$0x13400] =	vst v63  }
0x19a: {  	_ =	swait.ge [sflag:s4], $0x320  }
0x19b: {  	s29 =	sadd.s32 $0xFFFFF830, s19;
	[sflag:s4] =	ssyncset.done $0x0  }
0x19c: {  	s28 =	sadd.s32 $0x8FC, s29;
	[sflag:s4] =	ssyncadd.s32 $0xFFFFFCE0  }
0x19d: {  	[tilespmem:s7], [sflag:$0x5] =	stream.linear.gather [hbm4b:s28+s1], $0x320, $0x38;
	[tilespmem:$0x13400] =	vst v63  }
0x19e: {  	_ =	swait.ge [sflag:s4], $0x320  }
0x19f: {  	[sflag:s4] =	ssyncset.done $0x0  }
0x1a0: {  	[sflag:s4] =	ssyncadd.s32 $0xFFFFFCE0  }
0x1a1: {  	[tilespmem:s8], [sflag:$0x2] =	stream.indirect.gather [hbm4b:s30+s5], $0x10, s6, s5, $0xb8;
	[tilespmem:$0x13400] =	vst v63  }
0x1a2: {  	_ =	swait.ge [sflag:s9], $0x3200  }
0x1a3: {  	[sflag:s9] =	ssyncset.done $0x0  }
0x1a4: {  	[sflag:s9] =	ssyncadd.s32 $0xFFFFCE00  }
0x1a5: {  	[spmem:s22] =	stream.indirect.scatter.add.bf16 [tilespmem:s3], [sflag:$0x3], $0x10, s5, s5, $0xb8;
	[tilespmem:$0x13400] =	vst v63  }
0x1a6: {  	_ =	swait.ge [sflag:s10], $0x3200  }
0x1a7: {  	[sflag:s10] =	ssyncset.done $0x0  }
0x1a8: {  	s17 =	sadd.s32 $0x960, s17;
	[sflag:s10] =	ssyncadd.s32 $0xFFFFCE00  }
0x1a9: {  	[tilespmem:s1], [sflag:$0x5] =	stream.linear.gather [hbm4b:s17+s1], $0x320, $0x38;
	[tilespmem:$0x13400] =	vst v63  }
0x1aa: {  	_ =	swait.ge [sflag:s4], $0x320  }
0x1ab: {  	[sflag:s4] =	ssyncset.done $0x0  }
0x1ac: {  	s29 =	sadd.s32 $0x960, s29;
	[sflag:s4] =	ssyncadd.s32 $0xFFFFFCE0  }
0x1ad: {  	[tilespmem:s5], [sflag:$0x5] =	stream.linear.gather [hbm4b:s29+s1], $0x320, $0x38;
	[tilespmem:$0x13400] =	vst v63  }
0x1ae: {  	_ =	swait.ge [sflag:s4], $0x320  }
0x1af: {  	[sflag:s4] =	ssyncset.done $0x0  }
0x1b0: {  	[sflag:s4] =	ssyncadd.s32 $0xFFFFFCE0  }
0x1b1: {  	[tilespmem:s3], [sflag:$0x1] =	stream.indirect.gather [hbm4b:s30+s5], $0x10, s1, s5, $0xb8;
	[tilespmem:$0x13400] =	vst v63  }
0x1b2: {  	_ =	swait.ge [sflag:s11], $0x3200  }
0x1b3: {  	[sflag:s11] =	ssyncset.done $0x0  }
0x1b4: {  	s17 =	simm.s32 $0xFFFFF8F8;
	[sflag:s11] =	ssyncadd.s32 $0xFFFFCE00  }
.LBB2_10:
0x1b5: {  	[spmem:s22] =	stream.indirect.scatter.add.bf16 [tilespmem:s8], [sflag:$0x4], $0x10, s7, s5, $0xb8;
	[tilespmem:$0x13400] =	vst v63  }
0x1b6: {  	s26 =	smov.u32 s17  }
0x1b7: {  	p2 =	sne.s32 s17, $0xFFFFFF38;
	s17 =	sadd.s32 $0xC8, s17;
	_ =	swait.ge [sflag:s12], $0x3200  }
0x1b8: {  	s28 =	sadd.s32 s26, s21;
	[sflag:s12] =	ssyncset.done $0x0  }
0x1b9: {  	s29 =	sadd.s32 $0x8FC, s28;
	[sflag:s12] =	ssyncadd.s32 $0xFFFFCE00  }
0x1ba: {  	[tilespmem:s6], [sflag:$0x5] =	stream.linear.gather [hbm4b:s29+s1], $0x320, $0x38;
	[tilespmem:$0x13400] =	vst v63  }
0x1bb: {  	_ =	swait.ge [sflag:s4], $0x320  }
0x1bc: {  	s26 =	sadd.s32 s26, s19;
	[sflag:s4] =	ssyncset.done $0x0  }
0x1bd: {  	s29 =	sadd.s32 $0x8FC, s26;
	[sflag:s4] =	ssyncadd.s32 $0xFFFFFCE0  }
0x1be: {  	[tilespmem:s7], [sflag:$0x5] =	stream.linear.gather [hbm4b:s29+s1], $0x320, $0x38;
	[tilespmem:$0x13400] =	vst v63  }
0x1bf: {  	_ =	swait.ge [sflag:s4], $0x320  }
0x1c0: {  	[sflag:s4] =	ssyncset.done $0x0  }
0x1c1: {  	[sflag:s4] =	ssyncadd.s32 $0xFFFFFCE0  }
0x1c2: {  	[tilespmem:s8], [sflag:$0x2] =	stream.indirect.gather [hbm4b:s30+s5], $0x10, s6, s5, $0xb8;
	[tilespmem:$0x13400] =	vst v63  }
0x1c3: {  	_ =	swait.ge [sflag:s9], $0x3200  }
0x1c4: {  	[sflag:s9] =	ssyncset.done $0x0  }
0x1c5: {  	[sflag:s9] =	ssyncadd.s32 $0xFFFFCE00  }
0x1c6: {  	[spmem:s22] =	stream.indirect.scatter.add.bf16 [tilespmem:s3], [sflag:$0x3], $0x10, s5, s5, $0xb8;
	[tilespmem:$0x13400] =	vst v63  }
0x1c7: {  	_ =	swait.ge [sflag:s10], $0x3200  }
0x1c8: {  	[sflag:s10] =	ssyncset.done $0x0  }
0x1c9: {  	s28 =	sadd.s32 $0x960, s28;
	[sflag:s10] =	ssyncadd.s32 $0xFFFFCE00  }
0x1ca: {  	[tilespmem:s1], [sflag:$0x5] =	stream.linear.gather [hbm4b:s28+s1], $0x320, $0x38;
	[tilespmem:$0x13400] =	vst v63  }
0x1cb: {  	_ =	swait.ge [sflag:s4], $0x320  }
0x1cc: {  	[sflag:s4] =	ssyncset.done $0x0  }
0x1cd: {  	s26 =	sadd.s32 $0x960, s26;
	[sflag:s4] =	ssyncadd.s32 $0xFFFFFCE0  }
0x1ce: {  	[tilespmem:s5], [sflag:$0x5] =	stream.linear.gather [hbm4b:s26+s1], $0x320, $0x38;
	[tilespmem:$0x13400] =	vst v63  }
0x1cf: {  	_ =	swait.ge [sflag:s4], $0x320  }
0x1d0: {  	[sflag:s4] =	ssyncset.done $0x0  }
.Ltmp7:
0x1d1: {  	[sflag:s4] =	ssyncadd.s32 $0xFFFFFCE0;
	(pc) =	sbr.rel @p2 .LBB2_10-.Ltmp7, $4  }
0x1d2: {  	[tilespmem:s3], [sflag:$0x1] =	stream.indirect.gather [hbm4b:s30+s5], $0x10, s1, s5, $0xb8;
	[tilespmem:$0x13400] =	vst v63  }
0x1d3: {  	_ =	swait.ge [sflag:s11], $0x3200  }
0x1d4: {  	[sflag:s11] =	ssyncset.done $0x0  }
0x1d5: {  	[sflag:s11] =	ssyncadd.s32 $0xFFFFCE00  }
0x1d6: {  	[spmem:s22] =	stream.indirect.scatter.add.bf16 [tilespmem:s8], [sflag:$0x4], $0x10, s7, s5, $0xb8;
	[tilespmem:$0x13400] =	vst v63  }
0x1d7: {  	_ =	swait.ge [sflag:s12], $0x3200  }
0x1d8: {  	[sflag:s12] =	ssyncset.done $0x0  }
0x1d9: {  	s17 =	rddreg [dreg:$0x6];
	[sflag:s12] =	ssyncadd.s32 $0xFFFFCE00  }
0x1da: {  	[tilespmem:s6], [sflag:$0x5] =	stream.linear.gather [hbm4b:s17+s1], $0x320, $0x38;
	[tilespmem:$0x13400] =	vst v63  }
0x1db: {  	_ =	swait.ge [sflag:s4], $0x320  }
0x1dc: {  	[sflag:s4] =	ssyncset.done $0x0  }
0x1dd: {  	s28 =	rddreg [dreg:$0x7];
	[sflag:s4] =	ssyncadd.s32 $0xFFFFFCE0  }
0x1de: {  	[tilespmem:s7], [sflag:$0x5] =	stream.linear.gather [hbm4b:s28+s1], $0x320, $0x38;
	[tilespmem:$0x13400] =	vst v63  }
0x1df: {  	_ =	swait.ge [sflag:s4], $0x320  }
0x1e0: {  	[sflag:s4] =	ssyncset.done $0x0  }
0x1e1: {  	[sflag:s4] =	ssyncadd.s32 $0xFFFFFCE0  }
0x1e2: {  	[tilespmem:s8], [sflag:$0x2] =	stream.indirect.gather [hbm4b:s30+s5], $0x10, s6, s5, $0xb8;
	[tilespmem:$0x13400] =	vst v63  }
0x1e3: {  	_ =	swait.ge [sflag:s9], $0x3200  }
0x1e4: {  	[sflag:s9] =	ssyncset.done $0x0  }
0x1e5: {  	[sflag:s9] =	ssyncadd.s32 $0xFFFFCE00  }
0x1e6: {  	[spmem:s22] =	stream.indirect.scatter.add.bf16 [tilespmem:s3], [sflag:$0x3], $0x10, s5, s5, $0xb8;
	[tilespmem:$0x13400] =	vst v63  }
0x1e7: {  	_ =	swait.ge [sflag:s11], $0x3200  }
0x1e8: {  	[sflag:s11] =	ssyncset.done $0x0  }
0x1e9: {  	[sflag:s11] =	ssyncadd.s32 $0xFFFFCE00  }
0x1ea: {  	[spmem:s22] =	stream.indirect.scatter.add.bf16 [tilespmem:s8], [sflag:$0x4], $0x10, s7, s5, $0xb8;
	[tilespmem:$0x13400] =	vst v63  }
0x1eb: {  	_ =	swait.ge [sflag:s10], $0x3200  }
0x1ec: {  	[sflag:s10] =	ssyncset.done $0x0  }
0x1ed: {  	[sflag:s10] =	ssyncadd.s32 $0xFFFFCE00  }
0x1ee: {  	_ =	swait.ge [sflag:s12], $0x3200  }
0x1ef: {  	[sflag:s12] =	ssyncset.done $0x0  }
0x1f0: {  	s29 =	rddreg [dreg:$0x8];
	[sflag:s12] =	ssyncadd.s32 $0xFFFFCE00  }
0x1f1: {  	[tilespmem:s1], [sflag:$0x5] =	stream.linear.gather [hbm4b:s29+s1], $0x320, $0x38;
	[tilespmem:$0x13400] =	vst v63  }
0x1f2: {  	_ =	swait.ge [sflag:s4], $0x320  }
0x1f3: {  	[sflag:s4] =	ssyncset.done $0x0  }
0x1f4: {  	s26 =	rddreg [dreg:$0x9];
	[sflag:s4] =	ssyncadd.s32 $0xFFFFFCE0  }
0x1f5: {  	[tilespmem:s5], [sflag:$0x5] =	stream.linear.gather [hbm4b:s26+s1], $0x320, $0x38;
	[tilespmem:$0x13400] =	vst v63  }
0x1f6: {  	_ =	swait.ge [sflag:s4], $0x320  }
0x1f7: {  	[sflag:s4] =	ssyncset.done $0x0  }
0x1f8: {  	[sflag:s4] =	ssyncadd.s32 $0xFFFFFCE0  }
0x1f9: {  	[tilespmem:s3], [sflag:$0x1] =	stream.indirect.gather [hbm4b:s31+s5], $0x10, s1, s5, $0xb8;
	[tilespmem:$0x13400] =	vst v63  }
0x1fa: {  	s28 =	rddreg [dreg:$0x10]  }
0x1fb: {  	[tilespmem:s6], [sflag:$0x5] =	stream.linear.gather [hbm4b:s28+s1], $0x320, $0x38;
	[tilespmem:$0x13400] =	vst v63  }
0x1fc: {  	_ =	swait.ge [sflag:s4], $0x320  }
0x1fd: {  	[sflag:s4] =	ssyncset.done $0x0  }
0x1fe: {  	s29 =	rddreg [dreg:$0x11];
	[sflag:s4] =	ssyncadd.s32 $0xFFFFFCE0  }
0x1ff: {  	[tilespmem:s7], [sflag:$0x5] =	stream.linear.gather [hbm4b:s29+s1], $0x320, $0x38;
	[tilespmem:$0x13400] =	vst v63  }
0x200: {  	_ =	swait.ge [sflag:s4], $0x320  }
0x201: {  	[sflag:s4] =	ssyncset.done $0x0  }
0x202: {  	[sflag:s4] =	ssyncadd.s32 $0xFFFFFCE0  }
0x203: {  	[tilespmem:s8], [sflag:$0x2] =	stream.indirect.gather [hbm4b:s31+s5], $0x10, s6, s5, $0xb8;
	[tilespmem:$0x13400] =	vst v63  }
0x204: {  	_ =	swait.ge [sflag:s9], $0x3200  }
0x205: {  	[sflag:s9] =	ssyncset.done $0x0  }
0x206: {  	[sflag:s9] =	ssyncadd.s32 $0xFFFFCE00  }
0x207: {  	[spmem:s22] =	stream.indirect.scatter.add.bf16 [tilespmem:s3], [sflag:$0x3], $0x10, s5, s5, $0xb8;
	[tilespmem:$0x13400] =	vst v63  }
0x208: {  	_ =	swait.ge [sflag:s10], $0x3200  }
0x209: {  	[sflag:s10] =	ssyncset.done $0x0  }
0x20a: {  	s26 =	rddreg [dreg:$0x12];
	[sflag:s10] =	ssyncadd.s32 $0xFFFFCE00  }
0x20b: {  	[tilespmem:s1], [sflag:$0x5] =	stream.linear.gather [hbm4b:s26+s1], $0x320, $0x38;
	[tilespmem:$0x13400] =	vst v63  }
0x20c: {  	_ =	swait.ge [sflag:s4], $0x320  }
0x20d: {  	[sflag:s4] =	ssyncset.done $0x0  }
0x20e: {  	s28 =	rddreg [dreg:$0x13];
	[sflag:s4] =	ssyncadd.s32 $0xFFFFFCE0  }
0x20f: {  	[tilespmem:s5], [sflag:$0x5] =	stream.linear.gather [hbm4b:s28+s1], $0x320, $0x38;
	[tilespmem:$0x13400] =	vst v63  }
0x210: {  	_ =	swait.ge [sflag:s4], $0x320  }
0x211: {  	[sflag:s4] =	ssyncset.done $0x0  }
0x212: {  	[sflag:s4] =	ssyncadd.s32 $0xFFFFFCE0  }
0x213: {  	[tilespmem:s3], [sflag:$0x1] =	stream.indirect.gather [hbm4b:s31+s5], $0x10, s1, s5, $0xb8;
	[tilespmem:$0x13400] =	vst v63  }
0x214: {  	_ =	swait.ge [sflag:s11], $0x3200  }
0x215: {  	[sflag:s11] =	ssyncset.done $0x0  }
0x216: {  	[sflag:s11] =	ssyncadd.s32 $0xFFFFCE00  }
0x217: {  	[spmem:s22] =	stream.indirect.scatter.add.bf16 [tilespmem:s8], [sflag:$0x4], $0x10, s7, s5, $0xb8;
	[tilespmem:$0x13400] =	vst v63  }
0x218: {  	_ =	swait.ge [sflag:s12], $0x3200  }
0x219: {  	s17 =	sadd.s32 $0xFFFFF830, s24;
	[sflag:s12] =	ssyncset.done $0x0  }
0x21a: {  	s26 =	sadd.s32 $0x8FC, s17;
	[sflag:s12] =	ssyncadd.s32 $0xFFFFCE00  }
0x21b: {  	[tilespmem:s6], [sflag:$0x5] =	stream.linear.gather [hbm4b:s26+s1], $0x320, $0x38;
	[tilespmem:$0x13400] =	vst v63  }
0x21c: {  	_ =	swait.ge [sflag:s4], $0x320  }
0x21d: {  	s29 =	sadd.s32 $0xFFFFF830, s23;
	[sflag:s4] =	ssyncset.done $0x0  }
0x21e: {  	s28 =	sadd.s32 $0x8FC, s29;
	[sflag:s4] =	ssyncadd.s32 $0xFFFFFCE0  }
0x21f: {  	[tilespmem:s7], [sflag:$0x5] =	stream.linear.gather [hbm4b:s28+s1], $0x320, $0x38;
	[tilespmem:$0x13400] =	vst v63  }
0x220: {  	_ =	swait.ge [sflag:s4], $0x320  }
0x221: {  	[sflag:s4] =	ssyncset.done $0x0  }
0x222: {  	[sflag:s4] =	ssyncadd.s32 $0xFFFFFCE0  }
0x223: {  	[tilespmem:s8], [sflag:$0x2] =	stream.indirect.gather [hbm4b:s31+s5], $0x10, s6, s5, $0xb8;
	[tilespmem:$0x13400] =	vst v63  }
0x224: {  	_ =	swait.ge [sflag:s9], $0x3200  }
0x225: {  	[sflag:s9] =	ssyncset.done $0x0  }
0x226: {  	[sflag:s9] =	ssyncadd.s32 $0xFFFFCE00  }
0x227: {  	[spmem:s22] =	stream.indirect.scatter.add.bf16 [tilespmem:s3], [sflag:$0x3], $0x10, s5, s5, $0xb8;
	[tilespmem:$0x13400] =	vst v63  }
0x228: {  	_ =	swait.ge [sflag:s10], $0x3200  }
0x229: {  	[sflag:s10] =	ssyncset.done $0x0  }
0x22a: {  	s17 =	sadd.s32 $0x960, s17;
	[sflag:s10] =	ssyncadd.s32 $0xFFFFCE00  }
0x22b: {  	[tilespmem:s1], [sflag:$0x5] =	stream.linear.gather [hbm4b:s17+s1], $0x320, $0x38;
	[tilespmem:$0x13400] =	vst v63  }
0x22c: {  	_ =	swait.ge [sflag:s4], $0x320  }
0x22d: {  	[sflag:s4] =	ssyncset.done $0x0  }
0x22e: {  	s29 =	sadd.s32 $0x960, s29;
	[sflag:s4] =	ssyncadd.s32 $0xFFFFFCE0  }
0x22f: {  	[tilespmem:s5], [sflag:$0x5] =	stream.linear.gather [hbm4b:s29+s1], $0x320, $0x38;
	[tilespmem:$0x13400] =	vst v63  }
0x230: {  	_ =	swait.ge [sflag:s4], $0x320  }
0x231: {  	[sflag:s4] =	ssyncset.done $0x0  }
0x232: {  	[sflag:s4] =	ssyncadd.s32 $0xFFFFFCE0  }
0x233: {  	[tilespmem:s3], [sflag:$0x1] =	stream.indirect.gather [hbm4b:s31+s5], $0x10, s1, s5, $0xb8;
	[tilespmem:$0x13400] =	vst v63  }
0x234: {  	_ =	swait.ge [sflag:s11], $0x3200  }
0x235: {  	[sflag:s11] =	ssyncset.done $0x0  }
0x236: {  	s17 =	simm.s32 $0xFFFFF8F8;
	[sflag:s11] =	ssyncadd.s32 $0xFFFFCE00  }
.LBB2_12:
0x237: {  	[spmem:s22] =	stream.indirect.scatter.add.bf16 [tilespmem:s8], [sflag:$0x4], $0x10, s7, s5, $0xb8;
	[tilespmem:$0x13400] =	vst v63  }
0x238: {  	s26 =	smov.u32 s17  }
0x239: {  	p2 =	sne.s32 s17, $0xFFFFFF38;
	s17 =	sadd.s32 $0xC8, s17;
	_ =	swait.ge [sflag:s12], $0x3200  }
0x23a: {  	s28 =	sadd.s32 s26, s24;
	[sflag:s12] =	ssyncset.done $0x0  }
0x23b: {  	s29 =	sadd.s32 $0x8FC, s28;
	[sflag:s12] =	ssyncadd.s32 $0xFFFFCE00  }
0x23c: {  	[tilespmem:s6], [sflag:$0x5] =	stream.linear.gather [hbm4b:s29+s1], $0x320, $0x38;
	[tilespmem:$0x13400] =	vst v63  }
0x23d: {  	_ =	swait.ge [sflag:s4], $0x320  }
0x23e: {  	s26 =	sadd.s32 s26, s23;
	[sflag:s4] =	ssyncset.done $0x0  }
0x23f: {  	s29 =	sadd.s32 $0x8FC, s26;
	[sflag:s4] =	ssyncadd.s32 $0xFFFFFCE0  }
0x240: {  	[tilespmem:s7], [sflag:$0x5] =	stream.linear.gather [hbm4b:s29+s1], $0x320, $0x38;
	[tilespmem:$0x13400] =	vst v63  }
0x241: {  	_ =	swait.ge [sflag:s4], $0x320  }
0x242: {  	[sflag:s4] =	ssyncset.done $0x0  }
0x243: {  	[sflag:s4] =	ssyncadd.s32 $0xFFFFFCE0  }
0x244: {  	[tilespmem:s8], [sflag:$0x2] =	stream.indirect.gather [hbm4b:s31+s5], $0x10, s6, s5, $0xb8;
	[tilespmem:$0x13400] =	vst v63  }
0x245: {  	_ =	swait.ge [sflag:s9], $0x3200  }
0x246: {  	[sflag:s9] =	ssyncset.done $0x0  }
0x247: {  	[sflag:s9] =	ssyncadd.s32 $0xFFFFCE00  }
0x248: {  	[spmem:s22] =	stream.indirect.scatter.add.bf16 [tilespmem:s3], [sflag:$0x3], $0x10, s5, s5, $0xb8;
	[tilespmem:$0x13400] =	vst v63  }
0x249: {  	_ =	swait.ge [sflag:s10], $0x3200  }
0x24a: {  	[sflag:s10] =	ssyncset.done $0x0  }
0x24b: {  	s28 =	sadd.s32 $0x960, s28;
	[sflag:s10] =	ssyncadd.s32 $0xFFFFCE00  }
0x24c: {  	[tilespmem:s1], [sflag:$0x5] =	stream.linear.gather [hbm4b:s28+s1], $0x320, $0x38;
	[tilespmem:$0x13400] =	vst v63  }
0x24d: {  	_ =	swait.ge [sflag:s4], $0x320  }
0x24e: {  	[sflag:s4] =	ssyncset.done $0x0  }
0x24f: {  	s26 =	sadd.s32 $0x960, s26;
	[sflag:s4] =	ssyncadd.s32 $0xFFFFFCE0  }
0x250: {  	[tilespmem:s5], [sflag:$0x5] =	stream.linear.gather [hbm4b:s26+s1], $0x320, $0x38;
	[tilespmem:$0x13400] =	vst v63  }
0x251: {  	_ =	swait.ge [sflag:s4], $0x320  }
0x252: {  	[sflag:s4] =	ssyncset.done $0x0  }
.Ltmp8:
0x253: {  	[sflag:s4] =	ssyncadd.s32 $0xFFFFFCE0;
	(pc) =	sbr.rel @p2 .LBB2_12-.Ltmp8, $4  }
0x254: {  	[tilespmem:s3], [sflag:$0x1] =	stream.indirect.gather [hbm4b:s31+s5], $0x10, s1, s5, $0xb8;
	[tilespmem:$0x13400] =	vst v63  }
0x255: {  	_ =	swait.ge [sflag:s11], $0x3200  }
0x256: {  	[sflag:s11] =	ssyncset.done $0x0  }
0x257: {  	[sflag:s11] =	ssyncadd.s32 $0xFFFFCE00  }
.Ltmp9:
0x258: {  	_ = 	snop;
	(pc) =	sbr.rel .LBB2_13-.Ltmp9, $1  }
0x259: {  	_ =	sdelay $0x3  }
.LBB2_15:
0x25a: {  	_ =	sfence.sel $0x180000  }
0x25b: {  	[bflag:$0x0] =	sbarrier.arrive $0xFFFF  }
0x25c: {  	_ =	strace $0x90000047  }
0x25d: {  	s0 =	stileid.u32;
	[bflag:$0x2] =	sbarrier.arrive $0xFFFF  }
0x25e: {  	p0 =	sne.s32 s0, $0x0;
	s0 =	rddreg [dreg:$0x3]  }
0x25f: {  	s0 =	sadd.s32 @!p0 $0x100000, s0  }
0x260: {  	[sflag:s0] =	ssyncadd.tile.s32 @!p0 $0x1;
	_ =	shalt  }
.Lfunc_end2:
_tile_overlayer_lowered:
.L_overlay_start_2:
0x261: {  	(tag) =	ssettag $0x2  }
0x262: {  	s0 =	rddreg [dreg:$0x0];
	s2 =	stileid.u32  }
0x263: {  	s1 =	rddreg [dreg:$0x1];
	p0 =	sne.s32 s2, $0x0  }
0x264: {  	s3 =	rddreg [dreg:$0x2];
	[bflag:$0x3] =	sbarrier.arrive $0xFFFF;
	s2 =	simm.s32 @!p0 $0x1C05  }
0x265: {  	[timem:s3], [sflag:s2] =	dma.local @!p0 [hbm:s0], s1  }
0x266: {  	s0 =	simm.s32 @!p0 $0x5  }
0x267: {  	_ =	swait.ge @!p0 [sflag:s0], s1  }
0x268: {  	s1 =	ssub.s32 @!p0 $0x0, s1;
	[sflag:s0] =	ssyncset.done @!p0 $0x0  }
0x269: {  	[sflag:s0] =	ssyncadd.s32 @!p0 s1  }
0x26a: {  	[bflag:$0x3] =	sbarrier.arrive $0xFFFF  }
0x26b: {  	_ =	shalt  }

</sc_bundles>
